<compile_context>
chip_gen: v7x
topology: tpu7x:2x2x1
jax: 0.10.2.dev20260603
libtpu: 0.0.44.dev20260713+nightly
codegen_flags: <defaults>
</compile_context>

<pallas_src>
import functools

import jax
import jax.numpy as jnp
from jax import lax
from jax.experimental import pallas as pl
from jax.experimental.pallas import tpu as pltpu
from jax.experimental.pallas import tpu_sc as plsc

NC = 2
NS = 16
NW = NC * NS
L = 16
CHUNK = 64
NBUF = 4
SB = 32
GAHEAD = 3
G = 64
BN = 1000


def _mesh():
    return plsc.VectorSubcoreMesh(
        core_axis_name="c", subcore_axis_name="s",
        num_cores=NC, num_subcores=NS)


def _sc_degree(dst2, npad):
    tpt = dst2.shape[1]

    @functools.partial(
        pl.kernel,
        out_type=jax.ShapeDtypeStruct((NW, npad), jnp.float32),
        mesh=_mesh(),
        compiler_params=pltpu.CompilerParams(needs_layout_passes=False),
        scratch_types=[
            pltpu.VMEM((tpt,), jnp.int32),
            pltpu.VMEM((npad,), jnp.float32),
        ],
    )
    def k(dst_hbm, out_hbm, dstv, hist):
        c = lax.axis_index("c")
        s = lax.axis_index("s")
        wid = s * NC + c
        zero16 = jnp.zeros((L,), jnp.float32)

        def zbody(i, carry):
            hist[pl.ds(i * L, L)] = zero16
            return carry

        lax.fori_loop(0, npad // L, zbody, 0)
        pltpu.sync_copy(dst_hbm.at[wid], dstv)
        one16 = jnp.ones((L,), jnp.float32)

        def body(i, carry):
            idx = dstv[pl.ds(i * L, L)]
            plsc.addupdate_scatter(hist, [idx], one16)
            return carry

        lax.fori_loop(0, tpt // L, body, 0)
        pltpu.sync_copy(hist, out_hbm.at[wid])

    return k(dst2)


def _sc_propagate(xws, src3, dst3, zrows, npad):
    kchunks = src3.shape[1]
    nsb = kchunks // SB
    h = xws.shape[1]
    rpt = npad // NS

    @functools.partial(
        pl.kernel,
        out_type=jax.ShapeDtypeStruct((NC, npad, h), jnp.float32),
        mesh=_mesh(),
        compiler_params=pltpu.CompilerParams(needs_layout_passes=False),
        scratch_types=[
            pltpu.VMEM((2, SB, CHUNK), jnp.int32),
            pltpu.VMEM((2, SB, CHUNK), jnp.int32),
            pltpu.VMEM((NBUF, CHUNK, h), jnp.float32),
            pltpu.VMEM_SHARED((npad, h), jnp.float32),
            pltpu.SemaphoreType.DMA,
            pltpu.SemaphoreType.DMA,
            pltpu.SemaphoreType.DMA,
        ],
    )
    def k(xws_hbm, src_hbm, dst_hbm, z_hbm, out_hbm, srcv, dstv, rows, acc,
          gsem, ssem, isem):
        c = lax.axis_index("c")
        s = lax.axis_index("s")
        wid = s * NC + c
        base = s * rpt
        zdesc = pltpu.async_copy(
            z_hbm.at[pl.ds(base, rpt)], acc.at[pl.ds(base, rpt)], ssem)
        pltpu.sync_copy(src_hbm.at[wid, pl.ds(0, SB)], srcv.at[0])
        pltpu.sync_copy(dst_hbm.at[wid, pl.ds(0, SB)], dstv.at[0])

        def outer(sb, carry):
            slot = sb % 2

            @pl.when(sb + 1 < nsb)
            def _():
                nxt = (sb + 1) % 2
                off = (sb + 1) * SB
                pltpu.async_copy(
                    src_hbm.at[wid, pl.ds(off, SB)], srcv.at[nxt], isem)
                pltpu.async_copy(
                    dst_hbm.at[wid, pl.ds(off, SB)], dstv.at[nxt], isem)

            for p in range(GAHEAD):
                pltpu.async_copy(xws_hbm.at[srcv.at[slot, p]], rows.at[p],
                                 gsem)

            @pl.when(sb == 0)
            def _():
                pltpu.make_async_copy(
                    z_hbm.at[pl.ds(base, rpt)], acc.at[pl.ds(base, rpt)],
                    ssem).wait()
                plsc.subcore_barrier()

            def inner(t, carry2):
                pltpu.make_async_copy(
                    xws_hbm.at[srcv.at[slot, t]], rows.at[t % NBUF],
                    gsem).wait()
                pltpu.async_copy(
                    rows.at[t % NBUF], acc.at[dstv.at[slot, t]], ssem,
                    add=True)

                @pl.when(t >= 1)
                def _():
                    pltpu.make_async_copy(
                        rows.at[(t - 1) % NBUF],
                        acc.at[dstv.at[slot, t - 1]], ssem).wait()

                @pl.when(t + GAHEAD < SB)
                def _():
                    pltpu.async_copy(
                        xws_hbm.at[srcv.at[slot, t + GAHEAD]],
                        rows.at[(t + GAHEAD) % NBUF], gsem)
                return carry2

            lax.fori_loop(0, SB, inner, 0)
            pltpu.make_async_copy(
                rows.at[(SB - 1) % NBUF], acc.at[dstv.at[slot, SB - 1]],
                ssem).wait()

            @pl.when(sb + 1 < nsb)
            def _():
                nxt = (sb + 1) % 2
                off = (sb + 1) * SB
                pltpu.make_async_copy(
                    src_hbm.at[wid, pl.ds(off, SB)], srcv.at[nxt],
                    isem).wait()
                pltpu.make_async_copy(
                    dst_hbm.at[wid, pl.ds(off, SB)], dstv.at[nxt],
                    isem).wait()

            return carry

        lax.fori_loop(0, nsb, outer, 0)
        plsc.subcore_barrier()
        pltpu.sync_copy(acc.at[pl.ds(base, rpt)], out_hbm.at[c, pl.ds(base, rpt)])

    return k(xws, src3, dst3, zrows)


def _tc_first(x, w1, degp):
    n, d = x.shape
    h = w1.shape[1]
    nw = degp.shape[0]

    def body(x_ref, w_ref, dp_ref, o_ref, dv_ref):
        ones = jnp.ones((nw, 1), jnp.float32)
        deg = 1.0 + lax.dot_general(
            dp_ref[...], ones, (((0,), (0,)), ((), ())),
            preferred_element_type=jnp.float32,
        )
        dinv = lax.rsqrt(deg)[:n]
        dv_ref[...] = dinv
        xw = jnp.dot(x_ref[...], w_ref[...], preferred_element_type=jnp.float32)
        o_ref[...] = xw * dinv

    return pl.pallas_call(
        body,
        out_shape=[
            jax.ShapeDtypeStruct((n, h), jnp.float32),
            jax.ShapeDtypeStruct((n, 1), jnp.float32),
        ],
    )(x, w1, degp)


def _tc_layer(acc, xws, dinv2d, b2d, w):
    n, h = xws.shape
    h2 = w.shape[1]

    def body(a_ref, x_ref, dv_ref, b_ref, w_ref, o_ref):
        dinv = dv_ref[...]
        hpre = (a_ref[0] + a_ref[1] + x_ref[...]) * dinv + b_ref[...]
        hact = jnp.maximum(hpre, 0.0)
        o_ref[...] = (
            jnp.dot(hact, w_ref[...], preferred_element_type=jnp.float32)
            * dinv
        )

    return pl.pallas_call(
        body,
        grid=(n // BN,),
        in_specs=[
            pl.BlockSpec((NC, BN, h), lambda i: (0, i, 0)),
            pl.BlockSpec((BN, h), lambda i: (i, 0)),
            pl.BlockSpec((BN, 1), lambda i: (i, 0)),
            pl.BlockSpec((1, h), lambda i: (0, 0)),
            pl.BlockSpec((h, h2), lambda i: (0, 0)),
        ],
        out_specs=pl.BlockSpec((BN, h2), lambda i: (i, 0)),
        out_shape=jax.ShapeDtypeStruct((n, h2), jnp.float32),
    )(acc, xws, dinv2d, b2d, w)


def _tc_pool(acc, xws, dinv2d, b2d, batch2d, wl, bl2d):
    n, h = xws.shape
    c = wl.shape[1]
    ngrid = n // BN

    def body(a_ref, x_ref, dv_ref, b_ref, bt_ref, wl_ref, bl_ref, o_ref,
             sums_ref, cnt_ref):
        i = pl.program_id(0)
        hpre = (a_ref[0] + a_ref[1] + x_ref[...]) * dv_ref[...] + b_ref[...]
        hact = jnp.maximum(hpre, 0.0)
        onehot = (
            bt_ref[...] == lax.broadcasted_iota(jnp.int32, (1, G), 1)
        ).astype(jnp.float32)
        psums = lax.dot_general(
            onehot, hact, (((0,), (0,)), ((), ())),
            preferred_element_type=jnp.float32,
        )
        pcnts = lax.dot_general(
            onehot, jnp.ones((BN, 1), jnp.float32), (((0,), (0,)), ((), ())),
            preferred_element_type=jnp.float32,
        )

        @pl.when(i == 0)
        def _():
            sums_ref[...] = jnp.zeros_like(sums_ref)
            cnt_ref[...] = jnp.zeros_like(cnt_ref)

        sums_ref[...] += psums
        cnt_ref[...] += pcnts

        @pl.when(i == ngrid - 1)
        def _():
            pooled = sums_ref[...] / jnp.maximum(cnt_ref[...], 1.0)
            o_ref[...] = (
                jnp.dot(pooled, wl_ref[...],
                        preferred_element_type=jnp.float32)
                + bl_ref[...]
            )

    return pl.pallas_call(
        body,
        grid=(ngrid,),
        in_specs=[
            pl.BlockSpec((NC, BN, h), lambda i: (0, i, 0)),
            pl.BlockSpec((BN, h), lambda i: (i, 0)),
            pl.BlockSpec((BN, 1), lambda i: (i, 0)),
            pl.BlockSpec((1, h), lambda i: (0, 0)),
            pl.BlockSpec((BN, 1), lambda i: (i, 0)),
            pl.BlockSpec((h, c), lambda i: (0, 0)),
            pl.BlockSpec((1, c), lambda i: (0, 0)),
        ],
        out_specs=pl.BlockSpec((G, c), lambda i: (0, 0)),
        out_shape=jax.ShapeDtypeStruct((G, c), jnp.float32),
        scratch_shapes=[
            pltpu.VMEM((G, h), jnp.float32),
            pltpu.VMEM((G, 1), jnp.float32),
        ],
    )(acc, xws, dinv2d, b2d, batch2d, wl, bl2d)


def kernel(x, edge_index, batch, W1, b1, W2, b2, W3, b3, Wl, bl):
    n = x.shape[0]
    e = edge_index.shape[1]
    h = W1.shape[1]

    npad = ((n + 1) + 127) // 128 * 128
    kchunks = (e + NW * CHUNK - 1) // (NW * CHUNK)
    kchunks = (kchunks + SB - 1) // SB * SB
    epad = NW * kchunks * CHUNK

    spare = npad - n
    pad_dst = n + (jnp.arange(epad - e, dtype=jnp.int32) % spare)
    pad_src = jnp.arange(epad - e, dtype=jnp.int32) % n
    src = jnp.concatenate([edge_index[0], pad_src])
    dst = jnp.concatenate([edge_index[1], pad_dst])
    src3 = src.reshape(NW, kchunks, CHUNK)
    dst3 = dst.reshape(NW, kchunks, CHUNK)
    dst2 = dst.reshape(NW, kchunks * CHUNK)
    zrows = jnp.zeros((npad, h), jnp.float32)
    b1r, b2r, b3r = b1.reshape(1, h), b2.reshape(1, h), b3.reshape(1, h)
    blr = bl.reshape(1, bl.shape[0])
    batch2d = batch.reshape(n, 1)

    degp = _sc_degree(dst2, npad)
    xws1, dinv2d = _tc_first(x, W1, degp)
    acc1 = _sc_propagate(xws1, src3, dst3, zrows, npad)
    xws2 = _tc_layer(acc1, xws1, dinv2d, b1r, W2)
    acc2 = _sc_propagate(xws2, src3, dst3, zrows, npad)
    xws3 = _tc_layer(acc2, xws2, dinv2d, b2r, W3)
    acc3 = _sc_propagate(xws3, src3, dst3, zrows, npad)
    return _tc_pool(acc3, xws3, dinv2d, b3r, batch2d, Wl, blr)

# --- scband reference (transcript-rebuilt; emitter-appended) ---
"""Pipeline reference for scband-protein-gcn-14559939133959 (READ-ONLY COPY).

The authoritative reference and input builder live on the scoring server;
editing this copy changes nothing except your own understanding.
"""

import jax, jax.numpy as jnp
import numpy as np

N = 10000
E = 320000
D = 128
H = 128
C = 1195
G = 64


def setup_inputs(seed: int = 0) -> dict:
    key = jax.random.key(seed)
    ks = jax.random.split(key, 12)
    x = jax.random.normal(ks[0], (N, D), dtype=jnp.float32)
    edge_index = jax.random.randint(ks[1], (2, E), 0, N, dtype=jnp.int32)
    batch = jnp.sort(jax.random.randint(ks[2], (N,), 0, G, dtype=jnp.int32))
    def glorot(k, fan_in, fan_out):
        s = np.sqrt(6.0 / (fan_in + fan_out)).astype(np.float32)
        return jax.random.uniform(k, (fan_in, fan_out), dtype=jnp.float32, minval=-s, maxval=s)
    W1 = glorot(ks[3], D, H)
    b1 = jnp.zeros((H,), jnp.float32)
    W2 = glorot(ks[4], H, H)
    b2 = jnp.zeros((H,), jnp.float32)
    W3 = glorot(ks[5], H, H)
    b3 = jnp.zeros((H,), jnp.float32)
    Wl = glorot(ks[6], H, C)
    bl = jnp.zeros((C,), jnp.float32)
    return {"x": x, "edge_index": edge_index, "batch": batch,
            "W1": W1, "b1": b1, "W2": W2, "b2": b2, "W3": W3, "b3": b3,
            "Wl": Wl, "bl": bl}


def _gcn_conv(x, edge_index, W, b):
    # PyG GCNConv: out = D^{-1/2} (A + I) D^{-1/2} X W + b
    loop = jnp.arange(N, dtype=edge_index.dtype)
    src = jnp.concatenate([edge_index[0], loop])
    dst = jnp.concatenate([edge_index[1], loop])
    deg = jnp.zeros((N,), x.dtype).at[dst].add(1.0)
    dinv = jax.lax.rsqrt(jnp.maximum(deg, 1.0))
    xw = x @ W
    coef = (dinv[src] * dinv[dst])[:, None]
    out = jnp.zeros((N, W.shape[1]), x.dtype).at[dst].add(xw[src] * coef)
    return out + b


def reference(x, edge_index, batch, W1, b1, W2, b2, W3, b3, Wl, bl):
    h = jax.nn.relu(_gcn_conv(x, edge_index, W1, b1))
    # dropout p=0.3 is identity in eval mode (training=False)
    h = jax.nn.relu(_gcn_conv(h, edge_index, W2, b2))
    h = jax.nn.relu(_gcn_conv(h, edge_index, W3, b3))
    sums = jax.ops.segment_sum(h, batch, num_segments=G)
    counts = jax.ops.segment_sum(jnp.ones((N,), h.dtype), batch, num_segments=G)
    pooled = sums / jnp.maximum(counts, 1.0)[:, None]
    return pooled @ Wl + bl

if __name__ == "__main__":
    import jax
    _d = setup_inputs()
    print(jax.jit(kernel)(*tuple(_d.values())))

</pallas_src>

<mosaic_0001>
#map = affine_map<(d0, d1) -> (0, 0)>
#map1 = affine_map<(d0, d1) -> (0, 0, 0)>
module attributes {stable_mosaic.version = 14 : i64} {
  func.func @k(%arg0: i32, %arg1: i32, %arg2: memref<10000x128xf32, #tpu.memory_space<hbm>>, %arg3: memref<32x160x64xi32, #tpu.memory_space<hbm>>, %arg4: memref<32x160x64xi32, #tpu.memory_space<hbm>>, %arg5: memref<10112x128xf32, #tpu.memory_space<hbm>>, %arg6: memref<2x10112x128xf32, #tpu.memory_space<hbm>>, %arg7: memref<2x32x64xi32, #tpu.memory_space<vmem>>, %arg8: memref<2x32x64xi32, #tpu.memory_space<vmem>>, %arg9: memref<4x64x128xf32, #tpu.memory_space<vmem>>, %arg10: memref<10112x128xf32, #tpu.memory_space<vmem_shared>>, %arg11: memref<!tpu.dma_semaphore, #tpu.memory_space<semaphore_mem>>, %arg12: memref<!tpu.dma_semaphore, #tpu.memory_space<semaphore_mem>>, %arg13: memref<!tpu.dma_semaphore, #tpu.memory_space<semaphore_mem>>) attributes {dimension_semantics = [#tpu.dimension_semantics<core_parallel>, #tpu.dimension_semantics<subcore_parallel>], iteration_bounds = array<i64: 2, 16>, scalar_prefetch = 0 : i64, scratch_operands = 7 : i64, tpu.core_type = #tpu.core_type<sc_vector_subcore>, window_params = [{transform_indices = #map}, {transform_indices = #map1}, {transform_indices = #map1}, {transform_indices = #map}, {transform_indices = #map1}]} {
    %mul3A = arith.constant 2 : i32
    %mul3A_0 = arith.muli %arg1, %mul3A : i32
    %add3A = arith.addi %mul3A_0, %arg0 : i32
    %mul3A_1 = arith.constant 632 : i32
    %mul3A_2 = arith.muli %arg1, %mul3A_1 : i32
    %dma_start3A = arith.constant 0 : i32
    %dma_start3A_3 = tpu.memref_slice %arg10[%mul3A_2, %dma_start3A] : memref<10112x128xf32, #tpu.memory_space<vmem_shared>> -> memref<632x128xf32, #tpu.memory_space<vmem_shared>>
    %dma_start3A_4 = arith.constant 0 : i32
    %dma_start3A_5 = tpu.memref_slice %arg5[%mul3A_2, %dma_start3A_4] : memref<10112x128xf32, #tpu.memory_space<hbm>> -> memref<632x128xf32, #tpu.memory_space<hbm>>
    tpu.enqueue_dma source(%dma_start3A_5 : memref<632x128xf32, #tpu.memory_space<hbm>>) target(%dma_start3A_3 : memref<632x128xf32, #tpu.memory_space<vmem_shared>>) target_semaphore(%arg12 : memref<!tpu.dma_semaphore, #tpu.memory_space<semaphore_mem>>)
    %run_scoped3A = arith.constant 0 : i32
    "tpu.region"() ({
      %run_scoped3A_12 = tpu.sem_alloc : memref<!tpu.dma_semaphore, #tpu.memory_space<semaphore_mem>>
      %dma_start3A_13 = arith.constant 0 : i32
      %dma_start3A_14 = arith.constant 0 : i32
      %dma_start3A_15 = tpu.memref_slice %arg7[%run_scoped3A, %dma_start3A_13, %dma_start3A_14] : memref<2x32x64xi32, #tpu.memory_space<vmem>> -> memref<1x32x64xi32, #tpu.memory_space<vmem>>
      %dma_start3A_16 = tpu.memref_squeeze %dma_start3A_15 : memref<1x32x64xi32, #tpu.memory_space<vmem>> -> memref<32x64xi32, #tpu.memory_space<vmem>>
      %dma_start3A_17 = arith.constant 0 : i32
      %dma_start3A_18 = arith.constant 0 : i32
      %dma_start3A_19 = tpu.memref_slice %arg3[%add3A, %dma_start3A_17, %dma_start3A_18] : memref<32x160x64xi32, #tpu.memory_space<hbm>> -> memref<1x32x64xi32, #tpu.memory_space<hbm>>
      %dma_start3A_20 = tpu.memref_squeeze %dma_start3A_19 : memref<1x32x64xi32, #tpu.memory_space<hbm>> -> memref<32x64xi32, #tpu.memory_space<hbm>>
      %dma_start3A_21 = arith.constant 0 : i32
      %dma_start3A_22 = arith.constant 0 : i32
      %dma_start3A_23 = tpu.memref_slice %arg7[%run_scoped3A, %dma_start3A_21, %dma_start3A_22] : memref<2x32x64xi32, #tpu.memory_space<vmem>> -> memref<1x32x64xi32, #tpu.memory_space<vmem>>
      %dma_start3A_24 = tpu.memref_squeeze %dma_start3A_23 : memref<1x32x64xi32, #tpu.memory_space<vmem>> -> memref<32x64xi32, #tpu.memory_space<vmem>>
      %dma_start3A_25 = arith.constant 0 : i32
      %dma_start3A_26 = arith.constant 0 : i32
      %dma_start3A_27 = tpu.memref_slice %arg3[%add3A, %dma_start3A_25, %dma_start3A_26] : memref<32x160x64xi32, #tpu.memory_space<hbm>> -> memref<1x32x64xi32, #tpu.memory_space<hbm>>
      %dma_start3A_28 = tpu.memref_squeeze %dma_start3A_27 : memref<1x32x64xi32, #tpu.memory_space<hbm>> -> memref<32x64xi32, #tpu.memory_space<hbm>>
      tpu.enqueue_dma source(%dma_start3A_28 : memref<32x64xi32, #tpu.memory_space<hbm>>) target(%dma_start3A_24 : memref<32x64xi32, #tpu.memory_space<vmem>>) target_semaphore(%run_scoped3A_12 : memref<!tpu.dma_semaphore, #tpu.memory_space<semaphore_mem>>)
      %dma_wait3A = arith.constant 0 : i32
      %dma_wait3A_29 = arith.constant 0 : i32
      %dma_wait3A_30 = tpu.memref_slice %arg7[%run_scoped3A, %dma_wait3A, %dma_wait3A_29] : memref<2x32x64xi32, #tpu.memory_space<vmem>> -> memref<1x32x64xi32, #tpu.memory_space<vmem>>
      %dma_wait3A_31 = tpu.memref_squeeze %dma_wait3A_30 : memref<1x32x64xi32, #tpu.memory_space<vmem>> -> memref<32x64xi32, #tpu.memory_space<vmem>>
      %dma_wait3A_32 = arith.constant 0 : i32
      %dma_wait3A_33 = arith.constant 0 : i32
      %dma_wait3A_34 = tpu.memref_slice %arg3[%add3A, %dma_wait3A_32, %dma_wait3A_33] : memref<32x160x64xi32, #tpu.memory_space<hbm>> -> memref<1x32x64xi32, #tpu.memory_space<hbm>>
      %dma_wait3A_35 = tpu.memref_squeeze %dma_wait3A_34 : memref<1x32x64xi32, #tpu.memory_space<hbm>> -> memref<32x64xi32, #tpu.memory_space<hbm>>
      %dma_wait3A_36 = arith.constant 0 : i32
      %dma_wait3A_37 = arith.constant 0 : i32
      %dma_wait3A_38 = tpu.memref_slice %arg7[%run_scoped3A, %dma_wait3A_36, %dma_wait3A_37] : memref<2x32x64xi32, #tpu.memory_space<vmem>> -> memref<1x32x64xi32, #tpu.memory_space<vmem>>
      %dma_wait3A_39 = tpu.memref_squeeze %dma_wait3A_38 : memref<1x32x64xi32, #tpu.memory_space<vmem>> -> memref<32x64xi32, #tpu.memory_space<vmem>>
      %dma_wait3A_40 = arith.constant 0 : i32
      %dma_wait3A_41 = arith.constant 0 : i32
      %dma_wait3A_42 = tpu.memref_slice %arg3[%add3A, %dma_wait3A_40, %dma_wait3A_41] : memref<32x160x64xi32, #tpu.memory_space<hbm>> -> memref<1x32x64xi32, #tpu.memory_space<hbm>>
      %dma_wait3A_43 = tpu.memref_squeeze %dma_wait3A_42 : memref<1x32x64xi32, #tpu.memory_space<hbm>> -> memref<32x64xi32, #tpu.memory_space<hbm>>
      tpu.wait_dma2 semaphore(%run_scoped3A_12 : memref<!tpu.dma_semaphore, #tpu.memory_space<semaphore_mem>>) src(%dma_wait3A_43 : memref<32x64xi32, #tpu.memory_space<hbm>>) dst(%dma_wait3A_39 : memref<32x64xi32, #tpu.memory_space<vmem>>)
      tpu.yield
    }) : () -> ()
    %run_scoped3A_6 = arith.constant 0 : i32
    "tpu.region"() ({
      %run_scoped3A_12 = tpu.sem_alloc : memref<!tpu.dma_semaphore, #tpu.memory_space<semaphore_mem>>
      %dma_start3A_13 = arith.constant 0 : i32
      %dma_start3A_14 = arith.constant 0 : i32
      %dma_start3A_15 = tpu.memref_slice %arg8[%run_scoped3A_6, %dma_start3A_13, %dma_start3A_14] : memref<2x32x64xi32, #tpu.memory_space<vmem>> -> memref<1x32x64xi32, #tpu.memory_space<vmem>>
      %dma_start3A_16 = tpu.memref_squeeze %dma_start3A_15 : memref<1x32x64xi32, #tpu.memory_space<vmem>> -> memref<32x64xi32, #tpu.memory_space<vmem>>
      %dma_start3A_17 = arith.constant 0 : i32
      %dma_start3A_18 = arith.constant 0 : i32
      %dma_start3A_19 = tpu.memref_slice %arg4[%add3A, %dma_start3A_17, %dma_start3A_18] : memref<32x160x64xi32, #tpu.memory_space<hbm>> -> memref<1x32x64xi32, #tpu.memory_space<hbm>>
      %dma_start3A_20 = tpu.memref_squeeze %dma_start3A_19 : memref<1x32x64xi32, #tpu.memory_space<hbm>> -> memref<32x64xi32, #tpu.memory_space<hbm>>
      %dma_start3A_21 = arith.constant 0 : i32
      %dma_start3A_22 = arith.constant 0 : i32
      %dma_start3A_23 = tpu.memref_slice %arg8[%run_scoped3A_6, %dma_start3A_21, %dma_start3A_22] : memref<2x32x64xi32, #tpu.memory_space<vmem>> -> memref<1x32x64xi32, #tpu.memory_space<vmem>>
      %dma_start3A_24 = tpu.memref_squeeze %dma_start3A_23 : memref<1x32x64xi32, #tpu.memory_space<vmem>> -> memref<32x64xi32, #tpu.memory_space<vmem>>
      %dma_start3A_25 = arith.constant 0 : i32
      %dma_start3A_26 = arith.constant 0 : i32
      %dma_start3A_27 = tpu.memref_slice %arg4[%add3A, %dma_start3A_25, %dma_start3A_26] : memref<32x160x64xi32, #tpu.memory_space<hbm>> -> memref<1x32x64xi32, #tpu.memory_space<hbm>>
      %dma_start3A_28 = tpu.memref_squeeze %dma_start3A_27 : memref<1x32x64xi32, #tpu.memory_space<hbm>> -> memref<32x64xi32, #tpu.memory_space<hbm>>
      tpu.enqueue_dma source(%dma_start3A_28 : memref<32x64xi32, #tpu.memory_space<hbm>>) target(%dma_start3A_24 : memref<32x64xi32, #tpu.memory_space<vmem>>) target_semaphore(%run_scoped3A_12 : memref<!tpu.dma_semaphore, #tpu.memory_space<semaphore_mem>>)
      %dma_wait3A = arith.constant 0 : i32
      %dma_wait3A_29 = arith.constant 0 : i32
      %dma_wait3A_30 = tpu.memref_slice %arg8[%run_scoped3A_6, %dma_wait3A, %dma_wait3A_29] : memref<2x32x64xi32, #tpu.memory_space<vmem>> -> memref<1x32x64xi32, #tpu.memory_space<vmem>>
      %dma_wait3A_31 = tpu.memref_squeeze %dma_wait3A_30 : memref<1x32x64xi32, #tpu.memory_space<vmem>> -> memref<32x64xi32, #tpu.memory_space<vmem>>
      %dma_wait3A_32 = arith.constant 0 : i32
      %dma_wait3A_33 = arith.constant 0 : i32
      %dma_wait3A_34 = tpu.memref_slice %arg4[%add3A, %dma_wait3A_32, %dma_wait3A_33] : memref<32x160x64xi32, #tpu.memory_space<hbm>> -> memref<1x32x64xi32, #tpu.memory_space<hbm>>
      %dma_wait3A_35 = tpu.memref_squeeze %dma_wait3A_34 : memref<1x32x64xi32, #tpu.memory_space<hbm>> -> memref<32x64xi32, #tpu.memory_space<hbm>>
      %dma_wait3A_36 = arith.constant 0 : i32
      %dma_wait3A_37 = arith.constant 0 : i32
      %dma_wait3A_38 = tpu.memref_slice %arg8[%run_scoped3A_6, %dma_wait3A_36, %dma_wait3A_37] : memref<2x32x64xi32, #tpu.memory_space<vmem>> -> memref<1x32x64xi32, #tpu.memory_space<vmem>>
      %dma_wait3A_39 = tpu.memref_squeeze %dma_wait3A_38 : memref<1x32x64xi32, #tpu.memory_space<vmem>> -> memref<32x64xi32, #tpu.memory_space<vmem>>
      %dma_wait3A_40 = arith.constant 0 : i32
      %dma_wait3A_41 = arith.constant 0 : i32
      %dma_wait3A_42 = tpu.memref_slice %arg4[%add3A, %dma_wait3A_40, %dma_wait3A_41] : memref<32x160x64xi32, #tpu.memory_space<hbm>> -> memref<1x32x64xi32, #tpu.memory_space<hbm>>
      %dma_wait3A_43 = tpu.memref_squeeze %dma_wait3A_42 : memref<1x32x64xi32, #tpu.memory_space<hbm>> -> memref<32x64xi32, #tpu.memory_space<hbm>>
      tpu.wait_dma2 semaphore(%run_scoped3A_12 : memref<!tpu.dma_semaphore, #tpu.memory_space<semaphore_mem>>) src(%dma_wait3A_43 : memref<32x64xi32, #tpu.memory_space<hbm>>) dst(%dma_wait3A_39 : memref<32x64xi32, #tpu.memory_space<vmem>>)
      tpu.yield
    }) : () -> ()
    %scan3A = arith.constant 0 : i32
    %scan3A_7 = arith.constant 0 : i32
    %scan3A_8 = arith.constant 5 : i32
    %scan3A_9 = arith.addi %scan3A_7, %scan3A_8 : i32
    %scan3A_10 = arith.constant 1 : i32
    scf.for %scan3A_12 = %scan3A_7 to %scan3A_9 step %scan3A_10  : i32 {
      %jit3A = arith.constant 2 : i32
      %eq3A = arith.constant 0 : i32
      %eq3A_13 = arith.cmpi eq, %jit3A, %eq3A : i32
      %jit3A_14 = arith.constant 1 : i32
      %select_n3A = arith.select %eq3A_13, %jit3A_14, %jit3A : i32
      %rem3A = arith.remsi %scan3A_12, %select_n3A : i32
      %ne3A = arith.constant 0 : i32
      %ne3A_15 = arith.cmpi ne, %rem3A, %ne3A : i32
      %lt3A = arith.constant 0 : i32
      %lt3A_16 = arith.cmpi slt, %rem3A, %lt3A : i32
      %lt3A_17 = arith.constant 0 : i32
      %lt3A_18 = arith.cmpi slt, %select_n3A, %lt3A_17 : i32
      %ne3A_19 = arith.xori %lt3A_16, %lt3A_18 : i1
      %and3A = arith.andi %ne3A_19, %ne3A_15 : i1
      %add3A_20 = arith.addi %rem3A, %select_n3A : i32
      %select_n3A_21 = arith.select %and3A, %add3A_20, %rem3A : i32
      %add3A_22 = arith.constant 1 : i32
      %add3A_23 = arith.addi %scan3A_12, %add3A_22 : i32
      %lt3A_24 = arith.constant 5 : i32
      %lt3A_25 = arith.cmpi slt, %add3A_23, %lt3A_24 : i32
      %convert_element_type3A = arith.extui %lt3A_25 : i1 to i32
      %cond3A = arith.constant 0 : i32
      %cond3A_26 = arith.cmpi ne, %convert_element_type3A, %cond3A : i32
      scf.if %cond3A_26 {
        %add3A_92 = arith.constant 1 : i32
        %add3A_93 = arith.addi %scan3A_12, %add3A_92 : i32
        %jit3A_94 = arith.constant 2 : i32
        %eq3A_95 = arith.constant 0 : i32
        %eq3A_96 = arith.cmpi eq, %jit3A_94, %eq3A_95 : i32
        %jit3A_97 = arith.constant 1 : i32
        %select_n3A_98 = arith.select %eq3A_96, %jit3A_97, %jit3A_94 : i32
        %rem3A_99 = arith.remsi %add3A_93, %select_n3A_98 : i32
        %ne3A_100 = arith.constant 0 : i32
        %ne3A_101 = arith.cmpi ne, %rem3A_99, %ne3A_100 : i32
        %lt3A_102 = arith.constant 0 : i32
        %lt3A_103 = arith.cmpi slt, %rem3A_99, %lt3A_102 : i32
        %lt3A_104 = arith.constant 0 : i32
        %lt3A_105 = arith.cmpi slt, %select_n3A_98, %lt3A_104 : i32
        %ne3A_106 = arith.xori %lt3A_103, %lt3A_105 : i1
        %and3A_107 = arith.andi %ne3A_106, %ne3A_101 : i1
        %add3A_108 = arith.addi %rem3A_99, %select_n3A_98 : i32
        %select_n3A_109 = arith.select %and3A_107, %add3A_108, %rem3A_99 : i32
        %add3A_110 = arith.constant 1 : i32
        %add3A_111 = arith.addi %scan3A_12, %add3A_110 : i32
        %mul3A_112 = arith.constant 32 : i32
        %mul3A_113 = arith.muli %add3A_111, %mul3A_112 : i32
        %dma_start3A_114 = arith.constant 0 : i32
        %dma_start3A_115 = arith.constant 0 : i32
        %dma_start3A_116 = tpu.memref_slice %arg7[%select_n3A_109, %dma_start3A_114, %dma_start3A_115] : memref<2x32x64xi32, #tpu.memory_space<vmem>> -> memref<1x32x64xi32, #tpu.memory_space<vmem>>
        %dma_start3A_117 = tpu.memref_squeeze %dma_start3A_116 : memref<1x32x64xi32, #tpu.memory_space<vmem>> -> memref<32x64xi32, #tpu.memory_space<vmem>>
        %dma_start3A_118 = arith.constant 0 : i32
        %dma_start3A_119 = tpu.memref_slice %arg3[%add3A, %mul3A_113, %dma_start3A_118] : memref<32x160x64xi32, #tpu.memory_space<hbm>> -> memref<1x32x64xi32, #tpu.memory_space<hbm>>
        %dma_start3A_120 = tpu.memref_squeeze %dma_start3A_119 : memref<1x32x64xi32, #tpu.memory_space<hbm>> -> memref<32x64xi32, #tpu.memory_space<hbm>>
        %dma_start3A_121 = arith.constant 0 : i32
        %dma_start3A_122 = arith.constant 0 : i32
        %dma_start3A_123 = tpu.memref_slice %arg7[%select_n3A_109, %dma_start3A_121, %dma_start3A_122] : memref<2x32x64xi32, #tpu.memory_space<vmem>> -> memref<1x32x64xi32, #tpu.memory_space<vmem>>
        %dma_start3A_124 = tpu.memref_squeeze %dma_start3A_123 : memref<1x32x64xi32, #tpu.memory_space<vmem>> -> memref<32x64xi32, #tpu.memory_space<vmem>>
        %dma_start3A_125 = arith.constant 0 : i32
        %dma_start3A_126 = tpu.memref_slice %arg3[%add3A, %mul3A_113, %dma_start3A_125] : memref<32x160x64xi32, #tpu.memory_space<hbm>> -> memref<1x32x64xi32, #tpu.memory_space<hbm>>
        %dma_start3A_127 = tpu.memref_squeeze %dma_start3A_126 : memref<1x32x64xi32, #tpu.memory_space<hbm>> -> memref<32x64xi32, #tpu.memory_space<hbm>>
        tpu.enqueue_dma source(%dma_start3A_127 : memref<32x64xi32, #tpu.memory_space<hbm>>) target(%dma_start3A_124 : memref<32x64xi32, #tpu.memory_space<vmem>>) target_semaphore(%arg13 : memref<!tpu.dma_semaphore, #tpu.memory_space<semaphore_mem>>)
        %dma_start3A_128 = arith.constant 0 : i32
        %dma_start3A_129 = arith.constant 0 : i32
        %dma_start3A_130 = tpu.memref_slice %arg8[%select_n3A_109, %dma_start3A_128, %dma_start3A_129] : memref<2x32x64xi32, #tpu.memory_space<vmem>> -> memref<1x32x64xi32, #tpu.memory_space<vmem>>
        %dma_start3A_131 = tpu.memref_squeeze %dma_start3A_130 : memref<1x32x64xi32, #tpu.memory_space<vmem>> -> memref<32x64xi32, #tpu.memory_space<vmem>>
        %dma_start3A_132 = arith.constant 0 : i32
        %dma_start3A_133 = tpu.memref_slice %arg4[%add3A, %mul3A_113, %dma_start3A_132] : memref<32x160x64xi32, #tpu.memory_space<hbm>> -> memref<1x32x64xi32, #tpu.memory_space<hbm>>
        %dma_start3A_134 = tpu.memref_squeeze %dma_start3A_133 : memref<1x32x64xi32, #tpu.memory_space<hbm>> -> memref<32x64xi32, #tpu.memory_space<hbm>>
        %dma_start3A_135 = arith.constant 0 : i32
        %dma_start3A_136 = arith.constant 0 : i32
        %dma_start3A_137 = tpu.memref_slice %arg8[%select_n3A_109, %dma_start3A_135, %dma_start3A_136] : memref<2x32x64xi32, #tpu.memory_space<vmem>> -> memref<1x32x64xi32, #tpu.memory_space<vmem>>
        %dma_start3A_138 = tpu.memref_squeeze %dma_start3A_137 : memref<1x32x64xi32, #tpu.memory_space<vmem>> -> memref<32x64xi32, #tpu.memory_space<vmem>>
        %dma_start3A_139 = arith.constant 0 : i32
        %dma_start3A_140 = tpu.memref_slice %arg4[%add3A, %mul3A_113, %dma_start3A_139] : memref<32x160x64xi32, #tpu.memory_space<hbm>> -> memref<1x32x64xi32, #tpu.memory_space<hbm>>
        %dma_start3A_141 = tpu.memref_squeeze %dma_start3A_140 : memref<1x32x64xi32, #tpu.memory_space<hbm>> -> memref<32x64xi32, #tpu.memory_space<hbm>>
        tpu.enqueue_dma source(%dma_start3A_141 : memref<32x64xi32, #tpu.memory_space<hbm>>) target(%dma_start3A_138 : memref<32x64xi32, #tpu.memory_space<vmem>>) target_semaphore(%arg13 : memref<!tpu.dma_semaphore, #tpu.memory_space<semaphore_mem>>)
      } else {
      }
      %dma_start3A_27 = arith.constant 0 : i32
      %dma_start3A_28 = arith.constant 0 : i32
      %dma_start3A_29 = arith.constant 0 : i32
      %dma_start3A_30 = arith.constant 0 : i32
      %dma_start3A_31 = tpu.memref_slice %arg9[%dma_start3A_28, %dma_start3A_29, %dma_start3A_30] : memref<4x64x128xf32, #tpu.memory_space<vmem>> -> memref<1x64x128xf32, #tpu.memory_space<vmem>>
      %dma_start3A_32 = tpu.memref_squeeze %dma_start3A_31 : memref<1x64x128xf32, #tpu.memory_space<vmem>> -> memref<64x128xf32, #tpu.memory_space<vmem>>
      %dma_start3A_33 = arith.constant 0 : i32
      %dma_start3A_34 = tpu.memref_slice %arg7[%select_n3A_21, %dma_start3A_27, %dma_start3A_33] : memref<2x32x64xi32, #tpu.memory_space<vmem>> -> memref<1x1x64xi32, #tpu.memory_space<vmem>>
      %dma_start3A_35 = tpu.memref_squeeze %dma_start3A_34 : memref<1x1x64xi32, #tpu.memory_space<vmem>> -> memref<64xi32, #tpu.memory_space<vmem>>
      %dma_start3A_36 = arith.constant 0 : i32
      %dma_start3A_37 = arith.constant 0 : i32
      %dma_start3A_38 = tpu.memref_slice %arg2[%dma_start3A_36, %dma_start3A_37] : memref<10000x128xf32, #tpu.memory_space<hbm>> -> memref<10000x128xf32, #tpu.memory_space<hbm>>
      tpu.enqueue_indirect_dma source(%dma_start3A_38 : memref<10000x128xf32, #tpu.memory_space<hbm>>) target(%dma_start3A_32 : memref<64x128xf32, #tpu.memory_space<vmem>>) offsets(%dma_start3A_35 : memref<64xi32, #tpu.memory_space<vmem>>) semaphore(%arg11 : memref<!tpu.dma_semaphore, #tpu.memory_space<semaphore_mem>>)
      %dma_start3A_39 = arith.constant 1 : i32
      %dma_start3A_40 = arith.constant 1 : i32
      %dma_start3A_41 = arith.constant 0 : i32
      %dma_start3A_42 = arith.constant 0 : i32
      %dma_start3A_43 = tpu.memref_slice %arg9[%dma_start3A_40, %dma_start3A_41, %dma_start3A_42] : memref<4x64x128xf32, #tpu.memory_space<vmem>> -> memref<1x64x128xf32, #tpu.memory_space<vmem>>
      %dma_start3A_44 = tpu.memref_squeeze %dma_start3A_43 : memref<1x64x128xf32, #tpu.memory_space<vmem>> -> memref<64x128xf32, #tpu.memory_space<vmem>>
      %dma_start3A_45 = arith.constant 0 : i32
      %dma_start3A_46 = tpu.memref_slice %arg7[%select_n3A_21, %dma_start3A_39, %dma_start3A_45] : memref<2x32x64xi32, #tpu.memory_space<vmem>> -> memref<1x1x64xi32, #tpu.memory_space<vmem>>
      %dma_start3A_47 = tpu.memref_squeeze %dma_start3A_46 : memref<1x1x64xi32, #tpu.memory_space<vmem>> -> memref<64xi32, #tpu.memory_space<vmem>>
      %dma_start3A_48 = arith.constant 0 : i32
      %dma_start3A_49 = arith.constant 0 : i32
      %dma_start3A_50 = tpu.memref_slice %arg2[%dma_start3A_48, %dma_start3A_49] : memref<10000x128xf32, #tpu.memory_space<hbm>> -> memref<10000x128xf32, #tpu.memory_space<hbm>>
      tpu.enqueue_indirect_dma source(%dma_start3A_50 : memref<10000x128xf32, #tpu.memory_space<hbm>>) target(%dma_start3A_44 : memref<64x128xf32, #tpu.memory_space<vmem>>) offsets(%dma_start3A_47 : memref<64xi32, #tpu.memory_space<vmem>>) semaphore(%arg11 : memref<!tpu.dma_semaphore, #tpu.memory_space<semaphore_mem>>)
      %dma_start3A_51 = arith.constant 2 : i32
      %dma_start3A_52 = arith.constant 2 : i32
      %dma_start3A_53 = arith.constant 0 : i32
      %dma_start3A_54 = arith.constant 0 : i32
      %dma_start3A_55 = tpu.memref_slice %arg9[%dma_start3A_52, %dma_start3A_53, %dma_start3A_54] : memref<4x64x128xf32, #tpu.memory_space<vmem>> -> memref<1x64x128xf32, #tpu.memory_space<vmem>>
      %dma_start3A_56 = tpu.memref_squeeze %dma_start3A_55 : memref<1x64x128xf32, #tpu.memory_space<vmem>> -> memref<64x128xf32, #tpu.memory_space<vmem>>
      %dma_start3A_57 = arith.constant 0 : i32
      %dma_start3A_58 = tpu.memref_slice %arg7[%select_n3A_21, %dma_start3A_51, %dma_start3A_57] : memref<2x32x64xi32, #tpu.memory_space<vmem>> -> memref<1x1x64xi32, #tpu.memory_space<vmem>>
      %dma_start3A_59 = tpu.memref_squeeze %dma_start3A_58 : memref<1x1x64xi32, #tpu.memory_space<vmem>> -> memref<64xi32, #tpu.memory_space<vmem>>
      %dma_start3A_60 = arith.constant 0 : i32
      %dma_start3A_61 = arith.constant 0 : i32
      %dma_start3A_62 = tpu.memref_slice %arg2[%dma_start3A_60, %dma_start3A_61] : memref<10000x128xf32, #tpu.memory_space<hbm>> -> memref<10000x128xf32, #tpu.memory_space<hbm>>
      tpu.enqueue_indirect_dma source(%dma_start3A_62 : memref<10000x128xf32, #tpu.memory_space<hbm>>) target(%dma_start3A_56 : memref<64x128xf32, #tpu.memory_space<vmem>>) offsets(%dma_start3A_59 : memref<64xi32, #tpu.memory_space<vmem>>) semaphore(%arg11 : memref<!tpu.dma_semaphore, #tpu.memory_space<semaphore_mem>>)
      %eq3A_63 = arith.constant 0 : i32
      %eq3A_64 = arith.cmpi eq, %scan3A_12, %eq3A_63 : i32
      %convert_element_type3A_65 = arith.extui %eq3A_64 : i1 to i32
      %cond3A_66 = arith.constant 0 : i32
      %cond3A_67 = arith.cmpi ne, %convert_element_type3A_65, %cond3A_66 : i32
      scf.if %cond3A_67 {
        %dma_wait3A_92 = arith.constant 0 : i32
        %dma_wait3A_93 = tpu.memref_slice %arg10[%mul3A_2, %dma_wait3A_92] : memref<10112x128xf32, #tpu.memory_space<vmem_shared>> -> memref<632x128xf32, #tpu.memory_space<vmem_shared>>
        %dma_wait3A_94 = arith.constant 0 : i32
        %dma_wait3A_95 = tpu.memref_slice %arg5[%mul3A_2, %dma_wait3A_94] : memref<10112x128xf32, #tpu.memory_space<hbm>> -> memref<632x128xf32, #tpu.memory_space<hbm>>
        tpu.wait_dma2 semaphore(%arg12 : memref<!tpu.dma_semaphore, #tpu.memory_space<semaphore_mem>>) src(%dma_wait3A_95 : memref<632x128xf32, #tpu.memory_space<hbm>>) dst(%dma_wait3A_93 : memref<632x128xf32, #tpu.memory_space<vmem_shared>>)
        %barrier3A_96 = arith.constant 0 : index
        tpu.barrier barrier_id(%barrier3A_96)
      } else {
      }
      %scan3A_68 = arith.constant 0 : i32
      %scan3A_69 = arith.constant 0 : i32
      %scan3A_70 = arith.constant 32 : i32
      %scan3A_71 = arith.addi %scan3A_69, %scan3A_70 : i32
      %scan3A_72 = arith.constant 1 : i32
      scf.for %scan3A_92 = %scan3A_69 to %scan3A_71 step %scan3A_72  : i32 {
        %jit3A_93 = arith.constant 4 : i32
        %eq3A_94 = arith.constant 0 : i32
        %eq3A_95 = arith.cmpi eq, %jit3A_93, %eq3A_94 : i32
        %jit3A_96 = arith.constant 1 : i32
        %select_n3A_97 = arith.select %eq3A_95, %jit3A_96, %jit3A_93 : i32
        %rem3A_98 = arith.remsi %scan3A_92, %select_n3A_97 : i32
        %ne3A_99 = arith.constant 0 : i32
        %ne3A_100 = arith.cmpi ne, %rem3A_98, %ne3A_99 : i32
        %lt3A_101 = arith.constant 0 : i32
        %lt3A_102 = arith.cmpi slt, %rem3A_98, %lt3A_101 : i32
        %lt3A_103 = arith.constant 0 : i32
        %lt3A_104 = arith.cmpi slt, %select_n3A_97, %lt3A_103 : i32
        %ne3A_105 = arith.xori %lt3A_102, %lt3A_104 : i1
        %and3A_106 = arith.andi %ne3A_105, %ne3A_100 : i1
        %add3A_107 = arith.addi %rem3A_98, %select_n3A_97 : i32
        %select_n3A_108 = arith.select %and3A_106, %add3A_107, %rem3A_98 : i32
        %dma_wait3A_109 = arith.constant 0 : i32
        %dma_wait3A_110 = arith.constant 0 : i32
        %dma_wait3A_111 = tpu.memref_slice %arg9[%select_n3A_108, %dma_wait3A_109, %dma_wait3A_110] : memref<4x64x128xf32, #tpu.memory_space<vmem>> -> memref<1x64x128xf32, #tpu.memory_space<vmem>>
        %dma_wait3A_112 = tpu.memref_squeeze %dma_wait3A_111 : memref<1x64x128xf32, #tpu.memory_space<vmem>> -> memref<64x128xf32, #tpu.memory_space<vmem>>
        %dma_wait3A_113 = arith.constant 0 : i32
        %dma_wait3A_114 = tpu.memref_slice %arg7[%select_n3A_21, %scan3A_92, %dma_wait3A_113] : memref<2x32x64xi32, #tpu.memory_space<vmem>> -> memref<1x1x64xi32, #tpu.memory_space<vmem>>
        %dma_wait3A_115 = tpu.memref_squeeze %dma_wait3A_114 : memref<1x1x64xi32, #tpu.memory_space<vmem>> -> memref<64xi32, #tpu.memory_space<vmem>>
        %dma_wait3A_116 = arith.constant 0 : i32
        %dma_wait3A_117 = arith.constant 0 : i32
        %dma_wait3A_118 = tpu.memref_slice %arg2[%dma_wait3A_116, %dma_wait3A_117] : memref<10000x128xf32, #tpu.memory_space<hbm>> -> memref<10000x128xf32, #tpu.memory_space<hbm>>
        tpu.wait_indirect_dma semaphore(%arg11 : memref<!tpu.dma_semaphore, #tpu.memory_space<semaphore_mem>>) src(%dma_wait3A_118 : memref<10000x128xf32, #tpu.memory_space<hbm>>) dst(%dma_wait3A_112 : memref<64x128xf32, #tpu.memory_space<vmem>>)
        %jit3A_119 = arith.constant 4 : i32
        %eq3A_120 = arith.constant 0 : i32
        %eq3A_121 = arith.cmpi eq, %jit3A_119, %eq3A_120 : i32
        %jit3A_122 = arith.constant 1 : i32
        %select_n3A_123 = arith.select %eq3A_121, %jit3A_122, %jit3A_119 : i32
        %rem3A_124 = arith.remsi %scan3A_92, %select_n3A_123 : i32
        %ne3A_125 = arith.constant 0 : i32
        %ne3A_126 = arith.cmpi ne, %rem3A_124, %ne3A_125 : i32
        %lt3A_127 = arith.constant 0 : i32
        %lt3A_128 = arith.cmpi slt, %rem3A_124, %lt3A_127 : i32
        %lt3A_129 = arith.constant 0 : i32
        %lt3A_130 = arith.cmpi slt, %select_n3A_123, %lt3A_129 : i32
        %ne3A_131 = arith.xori %lt3A_128, %lt3A_130 : i1
        %and3A_132 = arith.andi %ne3A_131, %ne3A_126 : i1
        %add3A_133 = arith.addi %rem3A_124, %select_n3A_123 : i32
        %select_n3A_134 = arith.select %and3A_132, %add3A_133, %rem3A_124 : i32
        %dma_start3A_135 = arith.constant 0 : i32
        %dma_start3A_136 = arith.constant 0 : i32
        %dma_start3A_137 = tpu.memref_slice %arg9[%select_n3A_134, %dma_start3A_135, %dma_start3A_136] : memref<4x64x128xf32, #tpu.memory_space<vmem>> -> memref<1x64x128xf32, #tpu.memory_space<vmem>>
        %dma_start3A_138 = tpu.memref_squeeze %dma_start3A_137 : memref<1x64x128xf32, #tpu.memory_space<vmem>> -> memref<64x128xf32, #tpu.memory_space<vmem>>
        %dma_start3A_139 = arith.constant 0 : i32
        %dma_start3A_140 = tpu.memref_slice %arg8[%select_n3A_21, %scan3A_92, %dma_start3A_139] : memref<2x32x64xi32, #tpu.memory_space<vmem>> -> memref<1x1x64xi32, #tpu.memory_space<vmem>>
        %dma_start3A_141 = tpu.memref_squeeze %dma_start3A_140 : memref<1x1x64xi32, #tpu.memory_space<vmem>> -> memref<64xi32, #tpu.memory_space<vmem>>
        %dma_start3A_142 = arith.constant 0 : i32
        %dma_start3A_143 = arith.constant 0 : i32
        %dma_start3A_144 = tpu.memref_slice %arg10[%dma_start3A_142, %dma_start3A_143] : memref<10112x128xf32, #tpu.memory_space<vmem_shared>> -> memref<10112x128xf32, #tpu.memory_space<vmem_shared>>
        tpu.enqueue_indirect_dma source(%dma_start3A_138 : memref<64x128xf32, #tpu.memory_space<vmem>>) target(%dma_start3A_144 : memref<10112x128xf32, #tpu.memory_space<vmem_shared>>) offsets(%dma_start3A_141 : memref<64xi32, #tpu.memory_space<vmem>>) semaphore(%arg12 : memref<!tpu.dma_semaphore, #tpu.memory_space<semaphore_mem>>) {add = true}
        %ge3A = arith.constant 1 : i32
        %ge3A_145 = arith.cmpi sge, %scan3A_92, %ge3A : i32
        %convert_element_type3A_146 = arith.extui %ge3A_145 : i1 to i32
        %cond3A_147 = arith.constant 0 : i32
        %cond3A_148 = arith.cmpi ne, %convert_element_type3A_146, %cond3A_147 : i32
        scf.if %cond3A_148 {
          %sub3A = arith.constant 1 : i32
          %sub3A_156 = arith.subi %scan3A_92, %sub3A : i32
          %jit3A_157 = arith.constant 4 : i32
          %eq3A_158 = arith.constant 0 : i32
          %eq3A_159 = arith.cmpi eq, %jit3A_157, %eq3A_158 : i32
          %jit3A_160 = arith.constant 1 : i32
          %select_n3A_161 = arith.select %eq3A_159, %jit3A_160, %jit3A_157 : i32
          %rem3A_162 = arith.remsi %sub3A_156, %select_n3A_161 : i32
          %ne3A_163 = arith.constant 0 : i32
          %ne3A_164 = arith.cmpi ne, %rem3A_162, %ne3A_163 : i32
          %lt3A_165 = arith.constant 0 : i32
          %lt3A_166 = arith.cmpi slt, %rem3A_162, %lt3A_165 : i32
          %lt3A_167 = arith.constant 0 : i32
          %lt3A_168 = arith.cmpi slt, %select_n3A_161, %lt3A_167 : i32
          %ne3A_169 = arith.xori %lt3A_166, %lt3A_168 : i1
          %and3A_170 = arith.andi %ne3A_169, %ne3A_164 : i1
          %add3A_171 = arith.addi %rem3A_162, %select_n3A_161 : i32
          %select_n3A_172 = arith.select %and3A_170, %add3A_171, %rem3A_162 : i32
          %sub3A_173 = arith.constant 1 : i32
          %sub3A_174 = arith.subi %scan3A_92, %sub3A_173 : i32
          %dma_wait3A_175 = arith.constant 0 : i32
          %dma_wait3A_176 = arith.constant 0 : i32
          %dma_wait3A_177 = tpu.memref_slice %arg9[%select_n3A_172, %dma_wait3A_175, %dma_wait3A_176] : memref<4x64x128xf32, #tpu.memory_space<vmem>> -> memref<1x64x128xf32, #tpu.memory_space<vmem>>
          %dma_wait3A_178 = tpu.memref_squeeze %dma_wait3A_177 : memref<1x64x128xf32, #tpu.memory_space<vmem>> -> memref<64x128xf32, #tpu.memory_space<vmem>>
          %dma_wait3A_179 = arith.constant 0 : i32
          %dma_wait3A_180 = tpu.memref_slice %arg8[%select_n3A_21, %sub3A_174, %dma_wait3A_179] : memref<2x32x64xi32, #tpu.memory_space<vmem>> -> memref<1x1x64xi32, #tpu.memory_space<vmem>>
          %dma_wait3A_181 = tpu.memref_squeeze %dma_wait3A_180 : memref<1x1x64xi32, #tpu.memory_space<vmem>> -> memref<64xi32, #tpu.memory_space<vmem>>
          %dma_wait3A_182 = arith.constant 0 : i32
          %dma_wait3A_183 = arith.constant 0 : i32
          %dma_wait3A_184 = tpu.memref_slice %arg10[%dma_wait3A_182, %dma_wait3A_183] : memref<10112x128xf32, #tpu.memory_space<vmem_shared>> -> memref<10112x128xf32, #tpu.memory_space<vmem_shared>>
          tpu.wait_indirect_dma semaphore(%arg12 : memref<!tpu.dma_semaphore, #tpu.memory_space<semaphore_mem>>) src(%dma_wait3A_178 : memref<64x128xf32, #tpu.memory_space<vmem>>) dst(%dma_wait3A_184 : memref<10112x128xf32, #tpu.memory_space<vmem_shared>>)
        } else {
        }
        %add3A_149 = arith.constant 3 : i32
        %add3A_150 = arith.addi %scan3A_92, %add3A_149 : i32
        %lt3A_151 = arith.constant 32 : i32
        %lt3A_152 = arith.cmpi slt, %add3A_150, %lt3A_151 : i32
        %convert_element_type3A_153 = arith.extui %lt3A_152 : i1 to i32
        %cond3A_154 = arith.constant 0 : i32
        %cond3A_155 = arith.cmpi ne, %convert_element_type3A_153, %cond3A_154 : i32
        scf.if %cond3A_155 {
          %add3A_156 = arith.constant 3 : i32
          %add3A_157 = arith.addi %scan3A_92, %add3A_156 : i32
          %add3A_158 = arith.constant 3 : i32
          %add3A_159 = arith.addi %scan3A_92, %add3A_158 : i32
          %jit3A_160 = arith.constant 4 : i32
          %eq3A_161 = arith.constant 0 : i32
          %eq3A_162 = arith.cmpi eq, %jit3A_160, %eq3A_161 : i32
          %jit3A_163 = arith.constant 1 : i32
          %select_n3A_164 = arith.select %eq3A_162, %jit3A_163, %jit3A_160 : i32
          %rem3A_165 = arith.remsi %add3A_159, %select_n3A_164 : i32
          %ne3A_166 = arith.constant 0 : i32
          %ne3A_167 = arith.cmpi ne, %rem3A_165, %ne3A_166 : i32
          %lt3A_168 = arith.constant 0 : i32
          %lt3A_169 = arith.cmpi slt, %rem3A_165, %lt3A_168 : i32
          %lt3A_170 = arith.constant 0 : i32
          %lt3A_171 = arith.cmpi slt, %select_n3A_164, %lt3A_170 : i32
          %ne3A_172 = arith.xori %lt3A_169, %lt3A_171 : i1
          %and3A_173 = arith.andi %ne3A_172, %ne3A_167 : i1
          %add3A_174 = arith.addi %rem3A_165, %select_n3A_164 : i32
          %select_n3A_175 = arith.select %and3A_173, %add3A_174, %rem3A_165 : i32
          %dma_start3A_176 = arith.constant 0 : i32
          %dma_start3A_177 = arith.constant 0 : i32
          %dma_start3A_178 = tpu.memref_slice %arg9[%select_n3A_175, %dma_start3A_176, %dma_start3A_177] : memref<4x64x128xf32, #tpu.memory_space<vmem>> -> memref<1x64x128xf32, #tpu.memory_space<vmem>>
          %dma_start3A_179 = tpu.memref_squeeze %dma_start3A_178 : memref<1x64x128xf32, #tpu.memory_space<vmem>> -> memref<64x128xf32, #tpu.memory_space<vmem>>
          %dma_start3A_180 = arith.constant 0 : i32
          %dma_start3A_181 = tpu.memref_slice %arg7[%select_n3A_21, %add3A_157, %dma_start3A_180] : memref<2x32x64xi32, #tpu.memory_space<vmem>> -> memref<1x1x64xi32, #tpu.memory_space<vmem>>
          %dma_start3A_182 = tpu.memref_squeeze %dma_start3A_181 : memref<1x1x64xi32, #tpu.memory_space<vmem>> -> memref<64xi32, #tpu.memory_space<vmem>>
          %dma_start3A_183 = arith.constant 0 : i32
          %dma_start3A_184 = arith.constant 0 : i32
          %dma_start3A_185 = tpu.memref_slice %arg2[%dma_start3A_183, %dma_start3A_184] : memref<10000x128xf32, #tpu.memory_space<hbm>> -> memref<10000x128xf32, #tpu.memory_space<hbm>>
          tpu.enqueue_indirect_dma source(%dma_start3A_185 : memref<10000x128xf32, #tpu.memory_space<hbm>>) target(%dma_start3A_179 : memref<64x128xf32, #tpu.memory_space<vmem>>) offsets(%dma_start3A_182 : memref<64xi32, #tpu.memory_space<vmem>>) semaphore(%arg11 : memref<!tpu.dma_semaphore, #tpu.memory_space<semaphore_mem>>)
        } else {
        }
      }
      %scan3A_73 = arith.constant 32 : i32
      %dma_wait3A = arith.constant 3 : i32
      %dma_wait3A_74 = arith.constant 31 : i32
      %dma_wait3A_75 = arith.constant 0 : i32
      %dma_wait3A_76 = arith.constant 0 : i32
      %dma_wait3A_77 = tpu.memref_slice %arg9[%dma_wait3A, %dma_wait3A_75, %dma_wait3A_76] : memref<4x64x128xf32, #tpu.memory_space<vmem>> -> memref<1x64x128xf32, #tpu.memory_space<vmem>>
      %dma_wait3A_78 = tpu.memref_squeeze %dma_wait3A_77 : memref<1x64x128xf32, #tpu.memory_space<vmem>> -> memref<64x128xf32, #tpu.memory_space<vmem>>
      %dma_wait3A_79 = arith.constant 0 : i32
      %dma_wait3A_80 = tpu.memref_slice %arg8[%select_n3A_21, %dma_wait3A_74, %dma_wait3A_79] : memref<2x32x64xi32, #tpu.memory_space<vmem>> -> memref<1x1x64xi32, #tpu.memory_space<vmem>>
      %dma_wait3A_81 = tpu.memref_squeeze %dma_wait3A_80 : memref<1x1x64xi32, #tpu.memory_space<vmem>> -> memref<64xi32, #tpu.memory_space<vmem>>
      %dma_wait3A_82 = arith.constant 0 : i32
      %dma_wait3A_83 = arith.constant 0 : i32
      %dma_wait3A_84 = tpu.memref_slice %arg10[%dma_wait3A_82, %dma_wait3A_83] : memref<10112x128xf32, #tpu.memory_space<vmem_shared>> -> memref<10112x128xf32, #tpu.memory_space<vmem_shared>>
      tpu.wait_indirect_dma semaphore(%arg12 : memref<!tpu.dma_semaphore, #tpu.memory_space<semaphore_mem>>) src(%dma_wait3A_78 : memref<64x128xf32, #tpu.memory_space<vmem>>) dst(%dma_wait3A_84 : memref<10112x128xf32, #tpu.memory_space<vmem_shared>>)
      %add3A_85 = arith.constant 1 : i32
      %add3A_86 = arith.addi %scan3A_12, %add3A_85 : i32
      %lt3A_87 = arith.constant 5 : i32
      %lt3A_88 = arith.cmpi slt, %add3A_86, %lt3A_87 : i32
      %convert_element_type3A_89 = arith.extui %lt3A_88 : i1 to i32
      %cond3A_90 = arith.constant 0 : i32
      %cond3A_91 = arith.cmpi ne, %convert_element_type3A_89, %cond3A_90 : i32
      scf.if %cond3A_91 {
        %add3A_92 = arith.constant 1 : i32
        %add3A_93 = arith.addi %scan3A_12, %add3A_92 : i32
        %jit3A_94 = arith.constant 2 : i32
        %eq3A_95 = arith.constant 0 : i32
        %eq3A_96 = arith.cmpi eq, %jit3A_94, %eq3A_95 : i32
        %jit3A_97 = arith.constant 1 : i32
        %select_n3A_98 = arith.select %eq3A_96, %jit3A_97, %jit3A_94 : i32
        %rem3A_99 = arith.remsi %add3A_93, %select_n3A_98 : i32
        %ne3A_100 = arith.constant 0 : i32
        %ne3A_101 = arith.cmpi ne, %rem3A_99, %ne3A_100 : i32
        %lt3A_102 = arith.constant 0 : i32
        %lt3A_103 = arith.cmpi slt, %rem3A_99, %lt3A_102 : i32
        %lt3A_104 = arith.constant 0 : i32
        %lt3A_105 = arith.cmpi slt, %select_n3A_98, %lt3A_104 : i32
        %ne3A_106 = arith.xori %lt3A_103, %lt3A_105 : i1
        %and3A_107 = arith.andi %ne3A_106, %ne3A_101 : i1
        %add3A_108 = arith.addi %rem3A_99, %select_n3A_98 : i32
        %select_n3A_109 = arith.select %and3A_107, %add3A_108, %rem3A_99 : i32
        %add3A_110 = arith.constant 1 : i32
        %add3A_111 = arith.addi %scan3A_12, %add3A_110 : i32
        %mul3A_112 = arith.constant 32 : i32
        %mul3A_113 = arith.muli %add3A_111, %mul3A_112 : i32
        %dma_wait3A_114 = arith.constant 0 : i32
        %dma_wait3A_115 = arith.constant 0 : i32
        %dma_wait3A_116 = tpu.memref_slice %arg7[%select_n3A_109, %dma_wait3A_114, %dma_wait3A_115] : memref<2x32x64xi32, #tpu.memory_space<vmem>> -> memref<1x32x64xi32, #tpu.memory_space<vmem>>
        %dma_wait3A_117 = tpu.memref_squeeze %dma_wait3A_116 : memref<1x32x64xi32, #tpu.memory_space<vmem>> -> memref<32x64xi32, #tpu.memory_space<vmem>>
        %dma_wait3A_118 = arith.constant 0 : i32
        %dma_wait3A_119 = tpu.memref_slice %arg3[%add3A, %mul3A_113, %dma_wait3A_118] : memref<32x160x64xi32, #tpu.memory_space<hbm>> -> memref<1x32x64xi32, #tpu.memory_space<hbm>>
        %dma_wait3A_120 = tpu.memref_squeeze %dma_wait3A_119 : memref<1x32x64xi32, #tpu.memory_space<hbm>> -> memref<32x64xi32, #tpu.memory_space<hbm>>
        %dma_wait3A_121 = arith.constant 0 : i32
        %dma_wait3A_122 = arith.constant 0 : i32
        %dma_wait3A_123 = tpu.memref_slice %arg7[%select_n3A_109, %dma_wait3A_121, %dma_wait3A_122] : memref<2x32x64xi32, #tpu.memory_space<vmem>> -> memref<1x32x64xi32, #tpu.memory_space<vmem>>
        %dma_wait3A_124 = tpu.memref_squeeze %dma_wait3A_123 : memref<1x32x64xi32, #tpu.memory_space<vmem>> -> memref<32x64xi32, #tpu.memory_space<vmem>>
        %dma_wait3A_125 = arith.constant 0 : i32
        %dma_wait3A_126 = tpu.memref_slice %arg3[%add3A, %mul3A_113, %dma_wait3A_125] : memref<32x160x64xi32, #tpu.memory_space<hbm>> -> memref<1x32x64xi32, #tpu.memory_space<hbm>>
        %dma_wait3A_127 = tpu.memref_squeeze %dma_wait3A_126 : memref<1x32x64xi32, #tpu.memory_space<hbm>> -> memref<32x64xi32, #tpu.memory_space<hbm>>
        tpu.wait_dma2 semaphore(%arg13 : memref<!tpu.dma_semaphore, #tpu.memory_space<semaphore_mem>>) src(%dma_wait3A_127 : memref<32x64xi32, #tpu.memory_space<hbm>>) dst(%dma_wait3A_124 : memref<32x64xi32, #tpu.memory_space<vmem>>)
        %dma_wait3A_128 = arith.constant 0 : i32
        %dma_wait3A_129 = arith.constant 0 : i32
        %dma_wait3A_130 = tpu.memref_slice %arg8[%select_n3A_109, %dma_wait3A_128, %dma_wait3A_129] : memref<2x32x64xi32, #tpu.memory_space<vmem>> -> memref<1x32x64xi32, #tpu.memory_space<vmem>>
        %dma_wait3A_131 = tpu.memref_squeeze %dma_wait3A_130 : memref<1x32x64xi32, #tpu.memory_space<vmem>> -> memref<32x64xi32, #tpu.memory_space<vmem>>
        %dma_wait3A_132 = arith.constant 0 : i32
        %dma_wait3A_133 = tpu.memref_slice %arg4[%add3A, %mul3A_113, %dma_wait3A_132] : memref<32x160x64xi32, #tpu.memory_space<hbm>> -> memref<1x32x64xi32, #tpu.memory_space<hbm>>
        %dma_wait3A_134 = tpu.memref_squeeze %dma_wait3A_133 : memref<1x32x64xi32, #tpu.memory_space<hbm>> -> memref<32x64xi32, #tpu.memory_space<hbm>>
        %dma_wait3A_135 = arith.constant 0 : i32
        %dma_wait3A_136 = arith.constant 0 : i32
        %dma_wait3A_137 = tpu.memref_slice %arg8[%select_n3A_109, %dma_wait3A_135, %dma_wait3A_136] : memref<2x32x64xi32, #tpu.memory_space<vmem>> -> memref<1x32x64xi32, #tpu.memory_space<vmem>>
        %dma_wait3A_138 = tpu.memref_squeeze %dma_wait3A_137 : memref<1x32x64xi32, #tpu.memory_space<vmem>> -> memref<32x64xi32, #tpu.memory_space<vmem>>
        %dma_wait3A_139 = arith.constant 0 : i32
        %dma_wait3A_140 = tpu.memref_slice %arg4[%add3A, %mul3A_113, %dma_wait3A_139] : memref<32x160x64xi32, #tpu.memory_space<hbm>> -> memref<1x32x64xi32, #tpu.memory_space<hbm>>
        %dma_wait3A_141 = tpu.memref_squeeze %dma_wait3A_140 : memref<1x32x64xi32, #tpu.memory_space<hbm>> -> memref<32x64xi32, #tpu.memory_space<hbm>>
        tpu.wait_dma2 semaphore(%arg13 : memref<!tpu.dma_semaphore, #tpu.memory_space<semaphore_mem>>) src(%dma_wait3A_141 : memref<32x64xi32, #tpu.memory_space<hbm>>) dst(%dma_wait3A_138 : memref<32x64xi32, #tpu.memory_space<vmem>>)
      } else {
      }
    }
    %scan3A_11 = arith.constant 5 : i32
    %barrier3A = arith.constant 0 : index
    tpu.barrier barrier_id(%barrier3A)
    "tpu.region"() ({
      %run_scoped3A_12 = tpu.sem_alloc : memref<!tpu.dma_semaphore, #tpu.memory_space<semaphore_mem>>
      %dma_start3A_13 = arith.constant 0 : i32
      %dma_start3A_14 = tpu.memref_slice %arg6[%arg0, %mul3A_2, %dma_start3A_13] : memref<2x10112x128xf32, #tpu.memory_space<hbm>> -> memref<1x632x128xf32, #tpu.memory_space<hbm>>
      %dma_start3A_15 = tpu.memref_squeeze %dma_start3A_14 : memref<1x632x128xf32, #tpu.memory_space<hbm>> -> memref<632x128xf32, #tpu.memory_space<hbm>>
      %dma_start3A_16 = arith.constant 0 : i32
      %dma_start3A_17 = tpu.memref_slice %arg10[%mul3A_2, %dma_start3A_16] : memref<10112x128xf32, #tpu.memory_space<vmem_shared>> -> memref<632x128xf32, #tpu.memory_space<vmem_shared>>
      tpu.enqueue_dma source(%dma_start3A_17 : memref<632x128xf32, #tpu.memory_space<vmem_shared>>) target(%dma_start3A_15 : memref<632x128xf32, #tpu.memory_space<hbm>>) target_semaphore(%run_scoped3A_12 : memref<!tpu.dma_semaphore, #tpu.memory_space<semaphore_mem>>)
      %dma_wait3A = arith.constant 0 : i32
      %dma_wait3A_18 = tpu.memref_slice %arg6[%arg0, %mul3A_2, %dma_wait3A] : memref<2x10112x128xf32, #tpu.memory_space<hbm>> -> memref<1x632x128xf32, #tpu.memory_space<hbm>>
      %dma_wait3A_19 = tpu.memref_squeeze %dma_wait3A_18 : memref<1x632x128xf32, #tpu.memory_space<hbm>> -> memref<632x128xf32, #tpu.memory_space<hbm>>
      %dma_wait3A_20 = arith.constant 0 : i32
      %dma_wait3A_21 = tpu.memref_slice %arg10[%mul3A_2, %dma_wait3A_20] : memref<10112x128xf32, #tpu.memory_space<vmem_shared>> -> memref<632x128xf32, #tpu.memory_space<vmem_shared>>
      tpu.wait_dma2 semaphore(%run_scoped3A_12 : memref<!tpu.dma_semaphore, #tpu.memory_space<semaphore_mem>>) src(%dma_wait3A_21 : memref<632x128xf32, #tpu.memory_space<vmem_shared>>) dst(%dma_wait3A_19 : memref<632x128xf32, #tpu.memory_space<hbm>>)
      tpu.yield
    }) : () -> ()
    return
  }
}

#map = affine_map<(d0, d1) -> (0, 0)>
module attributes {stable_mosaic.version = 14 : i64} {
  func.func @k(%arg0: i32, %arg1: i32, %arg2: memref<32x10240xi32, #tpu.memory_space<hbm>>, %arg3: memref<32x10112xf32, #tpu.memory_space<hbm>>, %arg4: memref<10240xi32, #tpu.memory_space<vmem>>, %arg5: memref<10112xf32, #tpu.memory_space<vmem>>) attributes {dimension_semantics = [#tpu.dimension_semantics<core_parallel>, #tpu.dimension_semantics<subcore_parallel>], iteration_bounds = array<i64: 2, 16>, scalar_prefetch = 0 : i64, scratch_operands = 2 : i64, tpu.core_type = #tpu.core_type<sc_vector_subcore>, window_params = [{transform_indices = #map}, {transform_indices = #map}]} {
    %mul3A = arith.constant 2 : i32
    %mul3A_0 = arith.muli %arg1, %mul3A : i32
    %add3A = arith.addi %mul3A_0, %arg0 : i32
    %broadcast_in_dim3A = arith.constant 0.000000e+00 : f32
    %broadcast_in_dim3A_1 = vector.broadcast %broadcast_in_dim3A : f32 to vector<16xf32>
    %scan3A = arith.constant 0 : i32
    %scan3A_2 = arith.constant 0 : i32
    %scan3A_3 = arith.constant 632 : i32
    %scan3A_4 = arith.addi %scan3A_2, %scan3A_3 : i32
    %scan3A_5 = arith.constant 1 : i32
    scf.for %scan3A_15 = %scan3A_2 to %scan3A_4 step %scan3A_5  : i32 {
      %mul3A_16 = arith.constant 16 : i32
      %mul3A_17 = arith.muli %scan3A_15, %mul3A_16 : i32
      %swap3A = arith.index_cast %mul3A_17 : i32 to index
      %swap3A_18 = tpu.vector_load %arg5[%swap3A] {strides = array<i32>} : memref<10112xf32, #tpu.memory_space<vmem>>, vector<16xf32>,
      tpu.vector_store %arg5[%swap3A], %broadcast_in_dim3A_1 {strides = array<i32>} : memref<10112xf32, #tpu.memory_space<vmem>>, vector<16xf32>,
    }
    %scan3A_6 = arith.constant 632 : i32
    "tpu.region"() ({
      %run_scoped3A = tpu.sem_alloc : memref<!tpu.dma_semaphore, #tpu.memory_space<semaphore_mem>>
      %dma_start3A = arith.constant 0 : i32
      %dma_start3A_15 = tpu.memref_slice %arg2[%add3A, %dma_start3A] : memref<32x10240xi32, #tpu.memory_space<hbm>> -> memref<1x10240xi32, #tpu.memory_space<hbm>>
      %dma_start3A_16 = tpu.memref_squeeze %dma_start3A_15 : memref<1x10240xi32, #tpu.memory_space<hbm>> -> memref<10240xi32, #tpu.memory_space<hbm>>
      %dma_start3A_17 = arith.constant 0 : i32
      %dma_start3A_18 = tpu.memref_slice %arg2[%add3A, %dma_start3A_17] : memref<32x10240xi32, #tpu.memory_space<hbm>> -> memref<1x10240xi32, #tpu.memory_space<hbm>>
      %dma_start3A_19 = tpu.memref_squeeze %dma_start3A_18 : memref<1x10240xi32, #tpu.memory_space<hbm>> -> memref<10240xi32, #tpu.memory_space<hbm>>
      tpu.enqueue_dma source(%dma_start3A_19 : memref<10240xi32, #tpu.memory_space<hbm>>) target(%arg4 : memref<10240xi32, #tpu.memory_space<vmem>>) target_semaphore(%run_scoped3A : memref<!tpu.dma_semaphore, #tpu.memory_space<semaphore_mem>>)
      %dma_wait3A = arith.constant 0 : i32
      %dma_wait3A_20 = tpu.memref_slice %arg2[%add3A, %dma_wait3A] : memref<32x10240xi32, #tpu.memory_space<hbm>> -> memref<1x10240xi32, #tpu.memory_space<hbm>>
      %dma_wait3A_21 = tpu.memref_squeeze %dma_wait3A_20 : memref<1x10240xi32, #tpu.memory_space<hbm>> -> memref<10240xi32, #tpu.memory_space<hbm>>
      %dma_wait3A_22 = arith.constant 0 : i32
      %dma_wait3A_23 = tpu.memref_slice %arg2[%add3A, %dma_wait3A_22] : memref<32x10240xi32, #tpu.memory_space<hbm>> -> memref<1x10240xi32, #tpu.memory_space<hbm>>
      %dma_wait3A_24 = tpu.memref_squeeze %dma_wait3A_23 : memref<1x10240xi32, #tpu.memory_space<hbm>> -> memref<10240xi32, #tpu.memory_space<hbm>>
      tpu.wait_dma2 semaphore(%run_scoped3A : memref<!tpu.dma_semaphore, #tpu.memory_space<semaphore_mem>>) src(%dma_wait3A_24 : memref<10240xi32, #tpu.memory_space<hbm>>) dst(%arg4 : memref<10240xi32, #tpu.memory_space<vmem>>)
      tpu.yield
    }) : () -> ()
    %broadcast_in_dim3A_7 = arith.constant 1.000000e+00 : f32
    %broadcast_in_dim3A_8 = vector.broadcast %broadcast_in_dim3A_7 : f32 to vector<16xf32>
    %scan3A_9 = arith.constant 0 : i32
    %scan3A_10 = arith.constant 0 : i32
    %scan3A_11 = arith.constant 640 : i32
    %scan3A_12 = arith.addi %scan3A_10, %scan3A_11 : i32
    %scan3A_13 = arith.constant 1 : i32
    scf.for %scan3A_15 = %scan3A_10 to %scan3A_12 step %scan3A_13  : i32 {
      %mul3A_16 = arith.constant 16 : i32
      %mul3A_17 = arith.muli %scan3A_15, %mul3A_16 : i32
      %get3A = arith.index_cast %mul3A_17 : i32 to index
      %get3A_18 = tpu.vector_load %arg4[%get3A] {strides = array<i32>} : memref<10240xi32, #tpu.memory_space<vmem>>, vector<16xi32>,
      tpu.vector_store_idx %arg5[%get3A_18], %broadcast_in_dim3A_8 {add = true} : memref<10112xf32, #tpu.memory_space<vmem>>[vector<16xi32>], vector<16xf32>,
    }
    %scan3A_14 = arith.constant 640 : i32
    "tpu.region"() ({
      %run_scoped3A = tpu.sem_alloc : memref<!tpu.dma_semaphore, #tpu.memory_space<semaphore_mem>>
      %dma_start3A = arith.constant 0 : i32
      %dma_start3A_15 = tpu.memref_slice %arg3[%add3A, %dma_start3A] : memref<32x10112xf32, #tpu.memory_space<hbm>> -> memref<1x10112xf32, #tpu.memory_space<hbm>>
      %dma_start3A_16 = tpu.memref_squeeze %dma_start3A_15 : memref<1x10112xf32, #tpu.memory_space<hbm>> -> memref<10112xf32, #tpu.memory_space<hbm>>
      %dma_start3A_17 = arith.constant 0 : i32
      %dma_start3A_18 = tpu.memref_slice %arg3[%add3A, %dma_start3A_17] : memref<32x10112xf32, #tpu.memory_space<hbm>> -> memref<1x10112xf32, #tpu.memory_space<hbm>>
      %dma_start3A_19 = tpu.memref_squeeze %dma_start3A_18 : memref<1x10112xf32, #tpu.memory_space<hbm>> -> memref<10112xf32, #tpu.memory_space<hbm>>
      tpu.enqueue_dma source(%arg5 : memref<10112xf32, #tpu.memory_space<vmem>>) target(%dma_start3A_19 : memref<10112xf32, #tpu.memory_space<hbm>>) target_semaphore(%run_scoped3A : memref<!tpu.dma_semaphore, #tpu.memory_space<semaphore_mem>>)
      %dma_wait3A = arith.constant 0 : i32
      %dma_wait3A_20 = tpu.memref_slice %arg3[%add3A, %dma_wait3A] : memref<32x10112xf32, #tpu.memory_space<hbm>> -> memref<1x10112xf32, #tpu.memory_space<hbm>>
      %dma_wait3A_21 = tpu.memref_squeeze %dma_wait3A_20 : memref<1x10112xf32, #tpu.memory_space<hbm>> -> memref<10112xf32, #tpu.memory_space<hbm>>
      %dma_wait3A_22 = arith.constant 0 : i32
      %dma_wait3A_23 = tpu.memref_slice %arg3[%add3A, %dma_wait3A_22] : memref<32x10112xf32, #tpu.memory_space<hbm>> -> memref<1x10112xf32, #tpu.memory_space<hbm>>
      %dma_wait3A_24 = tpu.memref_squeeze %dma_wait3A_23 : memref<1x10112xf32, #tpu.memory_space<hbm>> -> memref<10112xf32, #tpu.memory_space<hbm>>
      tpu.wait_dma2 semaphore(%run_scoped3A : memref<!tpu.dma_semaphore, #tpu.memory_space<semaphore_mem>>) src(%arg5 : memref<10112xf32, #tpu.memory_space<vmem>>) dst(%dma_wait3A_24 : memref<10112xf32, #tpu.memory_space<hbm>>)
      tpu.yield
    }) : () -> ()
    return
  }
}

#map = affine_map<(d0, d1) -> (0, 0)>
#map1 = affine_map<(d0, d1) -> (0, 0, 0)>
module attributes {stable_mosaic.version = 14 : i64} {
  func.func @k(%arg0: i32, %arg1: i32, %arg2: memref<10000x128xf32, #tpu.memory_space<hbm>>, %arg3: memref<32x160x64xi32, #tpu.memory_space<hbm>>, %arg4: memref<32x160x64xi32, #tpu.memory_space<hbm>>, %arg5: memref<10112x128xf32, #tpu.memory_space<hbm>>, %arg6: memref<2x10112x128xf32, #tpu.memory_space<hbm>>, %arg7: memref<2x32x64xi32, #tpu.memory_space<vmem>>, %arg8: memref<2x32x64xi32, #tpu.memory_space<vmem>>, %arg9: memref<4x64x128xf32, #tpu.memory_space<vmem>>, %arg10: memref<10112x128xf32, #tpu.memory_space<vmem_shared>>, %arg11: memref<!tpu.dma_semaphore, #tpu.memory_space<semaphore_mem>>, %arg12: memref<!tpu.dma_semaphore, #tpu.memory_space<semaphore_mem>>, %arg13: memref<!tpu.dma_semaphore, #tpu.memory_space<semaphore_mem>>) attributes {dimension_semantics = [#tpu.dimension_semantics<core_parallel>, #tpu.dimension_semantics<subcore_parallel>], iteration_bounds = array<i64: 2, 16>, scalar_prefetch = 0 : i64, scratch_operands = 7 : i64, tpu.core_type = #tpu.core_type<sc_vector_subcore>, window_params = [{transform_indices = #map}, {transform_indices = #map1}, {transform_indices = #map1}, {transform_indices = #map}, {transform_indices = #map1}]} {
    %mul3A = arith.constant 2 : i32
    %mul3A_0 = arith.muli %arg1, %mul3A : i32
    %add3A = arith.addi %mul3A_0, %arg0 : i32
    %mul3A_1 = arith.constant 632 : i32
    %mul3A_2 = arith.muli %arg1, %mul3A_1 : i32
    %dma_start3A = arith.constant 0 : i32
    %dma_start3A_3 = tpu.memref_slice %arg10[%mul3A_2, %dma_start3A] : memref<10112x128xf32, #tpu.memory_space<vmem_shared>> -> memref<632x128xf32, #tpu.memory_space<vmem_shared>>
    %dma_start3A_4 = arith.constant 0 : i32
    %dma_start3A_5 = tpu.memref_slice %arg5[%mul3A_2, %dma_start3A_4] : memref<10112x128xf32, #tpu.memory_space<hbm>> -> memref<632x128xf32, #tpu.memory_space<hbm>>
    tpu.enqueue_dma source(%dma_start3A_5 : memref<632x128xf32, #tpu.memory_space<hbm>>) target(%dma_start3A_3 : memref<632x128xf32, #tpu.memory_space<vmem_shared>>) target_semaphore(%arg12 : memref<!tpu.dma_semaphore, #tpu.memory_space<semaphore_mem>>)
    %run_scoped3A = arith.constant 0 : i32
    "tpu.region"() ({
      %run_scoped3A_12 = tpu.sem_alloc : memref<!tpu.dma_semaphore, #tpu.memory_space<semaphore_mem>>
      %dma_start3A_13 = arith.constant 0 : i32
      %dma_start3A_14 = arith.constant 0 : i32
      %dma_start3A_15 = tpu.memref_slice %arg7[%run_scoped3A, %dma_start3A_13, %dma_start3A_14] : memref<2x32x64xi32, #tpu.memory_space<vmem>> -> memref<1x32x64xi32, #tpu.memory_space<vmem>>
      %dma_start3A_16 = tpu.memref_squeeze %dma_start3A_15 : memref<1x32x64xi32, #tpu.memory_space<vmem>> -> memref<32x64xi32, #tpu.memory_space<vmem>>
      %dma_start3A_17 = arith.constant 0 : i32
      %dma_start3A_18 = arith.constant 0 : i32
      %dma_start3A_19 = tpu.memref_slice %arg3[%add3A, %dma_start3A_17, %dma_start3A_18] : memref<32x160x64xi32, #tpu.memory_space<hbm>> -> memref<1x32x64xi32, #tpu.memory_space<hbm>>
      %dma_start3A_20 = tpu.memref_squeeze %dma_start3A_19 : memref<1x32x64xi32, #tpu.memory_space<hbm>> -> memref<32x64xi32, #tpu.memory_space<hbm>>
      %dma_start3A_21 = arith.constant 0 : i32
      %dma_start3A_22 = arith.constant 0 : i32
      %dma_start3A_23 = tpu.memref_slice %arg7[%run_scoped3A, %dma_start3A_21, %dma_start3A_22] : memref<2x32x64xi32, #tpu.memory_space<vmem>> -> memref<1x32x64xi32, #tpu.memory_space<vmem>>
      %dma_start3A_24 = tpu.memref_squeeze %dma_start3A_23 : memref<1x32x64xi32, #tpu.memory_space<vmem>> -> memref<32x64xi32, #tpu.memory_space<vmem>>
      %dma_start3A_25 = arith.constant 0 : i32
      %dma_start3A_26 = arith.constant 0 : i32
      %dma_start3A_27 = tpu.memref_slice %arg3[%add3A, %dma_start3A_25, %dma_start3A_26] : memref<32x160x64xi32, #tpu.memory_space<hbm>> -> memref<1x32x64xi32, #tpu.memory_space<hbm>>
      %dma_start3A_28 = tpu.memref_squeeze %dma_start3A_27 : memref<1x32x64xi32, #tpu.memory_space<hbm>> -> memref<32x64xi32, #tpu.memory_space<hbm>>
      tpu.enqueue_dma source(%dma_start3A_28 : memref<32x64xi32, #tpu.memory_space<hbm>>) target(%dma_start3A_24 : memref<32x64xi32, #tpu.memory_space<vmem>>) target_semaphore(%run_scoped3A_12 : memref<!tpu.dma_semaphore, #tpu.memory_space<semaphore_mem>>)
      %dma_wait3A = arith.constant 0 : i32
      %dma_wait3A_29 = arith.constant 0 : i32
      %dma_wait3A_30 = tpu.memref_slice %arg7[%run_scoped3A, %dma_wait3A, %dma_wait3A_29] : memref<2x32x64xi32, #tpu.memory_space<vmem>> -> memref<1x32x64xi32, #tpu.memory_space<vmem>>
      %dma_wait3A_31 = tpu.memref_squeeze %dma_wait3A_30 : memref<1x32x64xi32, #tpu.memory_space<vmem>> -> memref<32x64xi32, #tpu.memory_space<vmem>>
      %dma_wait3A_32 = arith.constant 0 : i32
      %dma_wait3A_33 = arith.constant 0 : i32
      %dma_wait3A_34 = tpu.memref_slice %arg3[%add3A, %dma_wait3A_32, %dma_wait3A_33] : memref<32x160x64xi32, #tpu.memory_space<hbm>> -> memref<1x32x64xi32, #tpu.memory_space<hbm>>
      %dma_wait3A_35 = tpu.memref_squeeze %dma_wait3A_34 : memref<1x32x64xi32, #tpu.memory_space<hbm>> -> memref<32x64xi32, #tpu.memory_space<hbm>>
      %dma_wait3A_36 = arith.constant 0 : i32
      %dma_wait3A_37 = arith.constant 0 : i32
      %dma_wait3A_38 = tpu.memref_slice %arg7[%run_scoped3A, %dma_wait3A_36, %dma_wait3A_37] : memref<2x32x64xi32, #tpu.memory_space<vmem>> -> memref<1x32x64xi32, #tpu.memory_space<vmem>>
      %dma_wait3A_39 = tpu.memref_squeeze %dma_wait3A_38 : memref<1x32x64xi32, #tpu.memory_space<vmem>> -> memref<32x64xi32, #tpu.memory_space<vmem>>
      %dma_wait3A_40 = arith.constant 0 : i32
      %dma_wait3A_41 = arith.constant 0 : i32
      %dma_wait3A_42 = tpu.memref_slice %arg3[%add3A, %dma_wait3A_40, %dma_wait3A_41] : memref<32x160x64xi32, #tpu.memory_space<hbm>> -> memref<1x32x64xi32, #tpu.memory_space<hbm>>
      %dma_wait3A_43 = tpu.memref_squeeze %dma_wait3A_42 : memref<1x32x64xi32, #tpu.memory_space<hbm>> -> memref<32x64xi32, #tpu.memory_space<hbm>>
      tpu.wait_dma2 semaphore(%run_scoped3A_12 : memref<!tpu.dma_semaphore, #tpu.memory_space<semaphore_mem>>) src(%dma_wait3A_43 : memref<32x64xi32, #tpu.memory_space<hbm>>) dst(%dma_wait3A_39 : memref<32x64xi32, #tpu.memory_space<vmem>>)
      tpu.yield
    }) : () -> ()
    %run_scoped3A_6 = arith.constant 0 : i32
    "tpu.region"() ({
      %run_scoped3A_12 = tpu.sem_alloc : memref<!tpu.dma_semaphore, #tpu.memory_space<semaphore_mem>>
      %dma_start3A_13 = arith.constant 0 : i32
      %dma_start3A_14 = arith.constant 0 : i32
      %dma_start3A_15 = tpu.memref_slice %arg8[%run_scoped3A_6, %dma_start3A_13, %dma_start3A_14] : memref<2x32x64xi32, #tpu.memory_space<vmem>> -> memref<1x32x64xi32, #tpu.memory_space<vmem>>
      %dma_start3A_16 = tpu.memref_squeeze %dma_start3A_15 : memref<1x32x64xi32, #tpu.memory_space<vmem>> -> memref<32x64xi32, #tpu.memory_space<vmem>>
      %dma_start3A_17 = arith.constant 0 : i32
      %dma_start3A_18 = arith.constant 0 : i32
      %dma_start3A_19 = tpu.memref_slice %arg4[%add3A, %dma_start3A_17, %dma_start3A_18] : memref<32x160x64xi32, #tpu.memory_space<hbm>> -> memref<1x32x64xi32, #tpu.memory_space<hbm>>
      %dma_start3A_20 = tpu.memref_squeeze %dma_start3A_19 : memref<1x32x64xi32, #tpu.memory_space<hbm>> -> memref<32x64xi32, #tpu.memory_space<hbm>>
      %dma_start3A_21 = arith.constant 0 : i32
      %dma_start3A_22 = arith.constant 0 : i32
      %dma_start3A_23 = tpu.memref_slice %arg8[%run_scoped3A_6, %dma_start3A_21, %dma_start3A_22] : memref<2x32x64xi32, #tpu.memory_space<vmem>> -> memref<1x32x64xi32, #tpu.memory_space<vmem>>
      %dma_start3A_24 = tpu.memref_squeeze %dma_start3A_23 : memref<1x32x64xi32, #tpu.memory_space<vmem>> -> memref<32x64xi32, #tpu.memory_space<vmem>>
      %dma_start3A_25 = arith.constant 0 : i32
      %dma_start3A_26 = arith.constant 0 : i32
      %dma_start3A_27 = tpu.memref_slice %arg4[%add3A, %dma_start3A_25, %dma_start3A_26] : memref<32x160x64xi32, #tpu.memory_space<hbm>> -> memref<1x32x64xi32, #tpu.memory_space<hbm>>
      %dma_start3A_28 = tpu.memref_squeeze %dma_start3A_27 : memref<1x32x64xi32, #tpu.memory_space<hbm>> -> memref<32x64xi32, #tpu.memory_space<hbm>>
      tpu.enqueue_dma source(%dma_start3A_28 : memref<32x64xi32, #tpu.memory_space<hbm>>) target(%dma_start3A_24 : memref<32x64xi32, #tpu.memory_space<vmem>>) target_semaphore(%run_scoped3A_12 : memref<!tpu.dma_semaphore, #tpu.memory_space<semaphore_mem>>)
      %dma_wait3A = arith.constant 0 : i32
      %dma_wait3A_29 = arith.constant 0 : i32
      %dma_wait3A_30 = tpu.memref_slice %arg8[%run_scoped3A_6, %dma_wait3A, %dma_wait3A_29] : memref<2x32x64xi32, #tpu.memory_space<vmem>> -> memref<1x32x64xi32, #tpu.memory_space<vmem>>
      %dma_wait3A_31 = tpu.memref_squeeze %dma_wait3A_30 : memref<1x32x64xi32, #tpu.memory_space<vmem>> -> memref<32x64xi32, #tpu.memory_space<vmem>>
      %dma_wait3A_32 = arith.constant 0 : i32
      %dma_wait3A_33 = arith.constant 0 : i32
      %dma_wait3A_34 = tpu.memref_slice %arg4[%add3A, %dma_wait3A_32, %dma_wait3A_33] : memref<32x160x64xi32, #tpu.memory_space<hbm>> -> memref<1x32x64xi32, #tpu.memory_space<hbm>>
      %dma_wait3A_35 = tpu.memref_squeeze %dma_wait3A_34 : memref<1x32x64xi32, #tpu.memory_space<hbm>> -> memref<32x64xi32, #tpu.memory_space<hbm>>
      %dma_wait3A_36 = arith.constant 0 : i32
      %dma_wait3A_37 = arith.constant 0 : i32
      %dma_wait3A_38 = tpu.memref_slice %arg8[%run_scoped3A_6, %dma_wait3A_36, %dma_wait3A_37] : memref<2x32x64xi32, #tpu.memory_space<vmem>> -> memref<1x32x64xi32, #tpu.memory_space<vmem>>
      %dma_wait3A_39 = tpu.memref_squeeze %dma_wait3A_38 : memref<1x32x64xi32, #tpu.memory_space<vmem>> -> memref<32x64xi32, #tpu.memory_space<vmem>>
      %dma_wait3A_40 = arith.constant 0 : i32
      %dma_wait3A_41 = arith.constant 0 : i32
      %dma_wait3A_42 = tpu.memref_slice %arg4[%add3A, %dma_wait3A_40, %dma_wait3A_41] : memref<32x160x64xi32, #tpu.memory_space<hbm>> -> memref<1x32x64xi32, #tpu.memory_space<hbm>>
      %dma_wait3A_43 = tpu.memref_squeeze %dma_wait3A_42 : memref<1x32x64xi32, #tpu.memory_space<hbm>> -> memref<32x64xi32, #tpu.memory_space<hbm>>
      tpu.wait_dma2 semaphore(%run_scoped3A_12 : memref<!tpu.dma_semaphore, #tpu.memory_space<semaphore_mem>>) src(%dma_wait3A_43 : memref<32x64xi32, #tpu.memory_space<hbm>>) dst(%dma_wait3A_39 : memref<32x64xi32, #tpu.memory_space<vmem>>)
      tpu.yield
    }) : () -> ()
    %scan3A = arith.constant 0 : i32
    %scan3A_7 = arith.constant 0 : i32
    %scan3A_8 = arith.constant 5 : i32
    %scan3A_9 = arith.addi %scan3A_7, %scan3A_8 : i32
    %scan3A_10 = arith.constant 1 : i32
    scf.for %scan3A_12 = %scan3A_7 to %scan3A_9 step %scan3A_10  : i32 {
      %jit3A = arith.constant 2 : i32
      %eq3A = arith.constant 0 : i32
      %eq3A_13 = arith.cmpi eq, %jit3A, %eq3A : i32
      %jit3A_14 = arith.constant 1 : i32
      %select_n3A = arith.select %eq3A_13, %jit3A_14, %jit3A : i32
      %rem3A = arith.remsi %scan3A_12, %select_n3A : i32
      %ne3A = arith.constant 0 : i32
      %ne3A_15 = arith.cmpi ne, %rem3A, %ne3A : i32
      %lt3A = arith.constant 0 : i32
      %lt3A_16 = arith.cmpi slt, %rem3A, %lt3A : i32
      %lt3A_17 = arith.constant 0 : i32
      %lt3A_18 = arith.cmpi slt, %select_n3A, %lt3A_17 : i32
      %ne3A_19 = arith.xori %lt3A_16, %lt3A_18 : i1
      %and3A = arith.andi %ne3A_19, %ne3A_15 : i1
      %add3A_20 = arith.addi %rem3A, %select_n3A : i32
      %select_n3A_21 = arith.select %and3A, %add3A_20, %rem3A : i32
      %add3A_22 = arith.constant 1 : i32
      %add3A_23 = arith.addi %scan3A_12, %add3A_22 : i32
      %lt3A_24 = arith.constant 5 : i32
      %lt3A_25 = arith.cmpi slt, %add3A_23, %lt3A_24 : i32
      %convert_element_type3A = arith.extui %lt3A_25 : i1 to i32
      %cond3A = arith.constant 0 : i32
      %cond3A_26 = arith.cmpi ne, %convert_element_type3A, %cond3A : i32
      scf.if %cond3A_26 {
        %add3A_92 = arith.constant 1 : i32
        %add3A_93 = arith.addi %scan3A_12, %add3A_92 : i32
        %jit3A_94 = arith.constant 2 : i32
        %eq3A_95 = arith.constant 0 : i32
        %eq3A_96 = arith.cmpi eq, %jit3A_94, %eq3A_95 : i32
        %jit3A_97 = arith.constant 1 : i32
        %select_n3A_98 = arith.select %eq3A_96, %jit3A_97, %jit3A_94 : i32
        %rem3A_99 = arith.remsi %add3A_93, %select_n3A_98 : i32
        %ne3A_100 = arith.constant 0 : i32
        %ne3A_101 = arith.cmpi ne, %rem3A_99, %ne3A_100 : i32
        %lt3A_102 = arith.constant 0 : i32
        %lt3A_103 = arith.cmpi slt, %rem3A_99, %lt3A_102 : i32
        %lt3A_104 = arith.constant 0 : i32
        %lt3A_105 = arith.cmpi slt, %select_n3A_98, %lt3A_104 : i32
        %ne3A_106 = arith.xori %lt3A_103, %lt3A_105 : i1
        %and3A_107 = arith.andi %ne3A_106, %ne3A_101 : i1
        %add3A_108 = arith.addi %rem3A_99, %select_n3A_98 : i32
        %select_n3A_109 = arith.select %and3A_107, %add3A_108, %rem3A_99 : i32
        %add3A_110 = arith.constant 1 : i32
        %add3A_111 = arith.addi %scan3A_12, %add3A_110 : i32
        %mul3A_112 = arith.constant 32 : i32
        %mul3A_113 = arith.muli %add3A_111, %mul3A_112 : i32
        %dma_start3A_114 = arith.constant 0 : i32
        %dma_start3A_115 = arith.constant 0 : i32
        %dma_start3A_116 = tpu.memref_slice %arg7[%select_n3A_109, %dma_start3A_114, %dma_start3A_115] : memref<2x32x64xi32, #tpu.memory_space<vmem>> -> memref<1x32x64xi32, #tpu.memory_space<vmem>>
        %dma_start3A_117 = tpu.memref_squeeze %dma_start3A_116 : memref<1x32x64xi32, #tpu.memory_space<vmem>> -> memref<32x64xi32, #tpu.memory_space<vmem>>
        %dma_start3A_118 = arith.constant 0 : i32
        %dma_start3A_119 = tpu.memref_slice %arg3[%add3A, %mul3A_113, %dma_start3A_118] : memref<32x160x64xi32, #tpu.memory_space<hbm>> -> memref<1x32x64xi32, #tpu.memory_space<hbm>>
        %dma_start3A_120 = tpu.memref_squeeze %dma_start3A_119 : memref<1x32x64xi32, #tpu.memory_space<hbm>> -> memref<32x64xi32, #tpu.memory_space<hbm>>
        %dma_start3A_121 = arith.constant 0 : i32
        %dma_start3A_122 = arith.constant 0 : i32
        %dma_start3A_123 = tpu.memref_slice %arg7[%select_n3A_109, %dma_start3A_121, %dma_start3A_122] : memref<2x32x64xi32, #tpu.memory_space<vmem>> -> memref<1x32x64xi32, #tpu.memory_space<vmem>>
        %dma_start3A_124 = tpu.memref_squeeze %dma_start3A_123 : memref<1x32x64xi32, #tpu.memory_space<vmem>> -> memref<32x64xi32, #tpu.memory_space<vmem>>
        %dma_start3A_125 = arith.constant 0 : i32
        %dma_start3A_126 = tpu.memref_slice %arg3[%add3A, %mul3A_113, %dma_start3A_125] : memref<32x160x64xi32, #tpu.memory_space<hbm>> -> memref<1x32x64xi32, #tpu.memory_space<hbm>>
        %dma_start3A_127 = tpu.memref_squeeze %dma_start3A_126 : memref<1x32x64xi32, #tpu.memory_space<hbm>> -> memref<32x64xi32, #tpu.memory_space<hbm>>
        tpu.enqueue_dma source(%dma_start3A_127 : memref<32x64xi32, #tpu.memory_space<hbm>>) target(%dma_start3A_124 : memref<32x64xi32, #tpu.memory_space<vmem>>) target_semaphore(%arg13 : memref<!tpu.dma_semaphore, #tpu.memory_space<semaphore_mem>>)
        %dma_start3A_128 = arith.constant 0 : i32
        %dma_start3A_129 = arith.constant 0 : i32
        %dma_start3A_130 = tpu.memref_slice %arg8[%select_n3A_109, %dma_start3A_128, %dma_start3A_129] : memref<2x32x64xi32, #tpu.memory_space<vmem>> -> memref<1x32x64xi32, #tpu.memory_space<vmem>>
        %dma_start3A_131 = tpu.memref_squeeze %dma_start3A_130 : memref<1x32x64xi32, #tpu.memory_space<vmem>> -> memref<32x64xi32, #tpu.memory_space<vmem>>
        %dma_start3A_132 = arith.constant 0 : i32
        %dma_start3A_133 = tpu.memref_slice %arg4[%add3A, %mul3A_113, %dma_start3A_132] : memref<32x160x64xi32, #tpu.memory_space<hbm>> -> memref<1x32x64xi32, #tpu.memory_space<hbm>>
        %dma_start3A_134 = tpu.memref_squeeze %dma_start3A_133 : memref<1x32x64xi32, #tpu.memory_space<hbm>> -> memref<32x64xi32, #tpu.memory_space<hbm>>
        %dma_start3A_135 = arith.constant 0 : i32
        %dma_start3A_136 = arith.constant 0 : i32
        %dma_start3A_137 = tpu.memref_slice %arg8[%select_n3A_109, %dma_start3A_135, %dma_start3A_136] : memref<2x32x64xi32, #tpu.memory_space<vmem>> -> memref<1x32x64xi32, #tpu.memory_space<vmem>>
        %dma_start3A_138 = tpu.memref_squeeze %dma_start3A_137 : memref<1x32x64xi32, #tpu.memory_space<vmem>> -> memref<32x64xi32, #tpu.memory_space<vmem>>
        %dma_start3A_139 = arith.constant 0 : i32
        %dma_start3A_140 = tpu.memref_slice %arg4[%add3A, %mul3A_113, %dma_start3A_139] : memref<32x160x64xi32, #tpu.memory_space<hbm>> -> memref<1x32x64xi32, #tpu.memory_space<hbm>>
        %dma_start3A_141 = tpu.memref_squeeze %dma_start3A_140 : memref<1x32x64xi32, #tpu.memory_space<hbm>> -> memref<32x64xi32, #tpu.memory_space<hbm>>
        tpu.enqueue_dma source(%dma_start3A_141 : memref<32x64xi32, #tpu.memory_space<hbm>>) target(%dma_start3A_138 : memref<32x64xi32, #tpu.memory_space<vmem>>) target_semaphore(%arg13 : memref<!tpu.dma_semaphore, #tpu.memory_space<semaphore_mem>>)
      } else {
      }
      %dma_start3A_27 = arith.constant 0 : i32
      %dma_start3A_28 = arith.constant 0 : i32
      %dma_start3A_29 = arith.constant 0 : i32
      %dma_start3A_30 = arith.constant 0 : i32
      %dma_start3A_31 = tpu.memref_slice %arg9[%dma_start3A_28, %dma_start3A_29, %dma_start3A_30] : memref<4x64x128xf32, #tpu.memory_space<vmem>> -> memref<1x64x128xf32, #tpu.memory_space<vmem>>
      %dma_start3A_32 = tpu.memref_squeeze %dma_start3A_31 : memref<1x64x128xf32, #tpu.memory_space<vmem>> -> memref<64x128xf32, #tpu.memory_space<vmem>>
      %dma_start3A_33 = arith.constant 0 : i32
      %dma_start3A_34 = tpu.memref_slice %arg7[%select_n3A_21, %dma_start3A_27, %dma_start3A_33] : memref<2x32x64xi32, #tpu.memory_space<vmem>> -> memref<1x1x64xi32, #tpu.memory_space<vmem>>
      %dma_start3A_35 = tpu.memref_squeeze %dma_start3A_34 : memref<1x1x64xi32, #tpu.memory_space<vmem>> -> memref<64xi32, #tpu.memory_space<vmem>>
      %dma_start3A_36 = arith.constant 0 : i32
      %dma_start3A_37 = arith.constant 0 : i32
      %dma_start3A_38 = tpu.memref_slice %arg2[%dma_start3A_36, %dma_start3A_37] : memref<10000x128xf32, #tpu.memory_space<hbm>> -> memref<10000x128xf32, #tpu.memory_space<hbm>>
      tpu.enqueue_indirect_dma source(%dma_start3A_38 : memref<10000x128xf32, #tpu.memory_space<hbm>>) target(%dma_start3A_32 : memref<64x128xf32, #tpu.memory_space<vmem>>) offsets(%dma_start3A_35 : memref<64xi32, #tpu.memory_space<vmem>>) semaphore(%arg11 : memref<!tpu.dma_semaphore, #tpu.memory_space<semaphore_mem>>)
      %dma_start3A_39 = arith.constant 1 : i32
      %dma_start3A_40 = arith.constant 1 : i32
      %dma_start3A_41 = arith.constant 0 : i32
      %dma_start3A_42 = arith.constant 0 : i32
      %dma_start3A_43 = tpu.memref_slice %arg9[%dma_start3A_40, %dma_start3A_41, %dma_start3A_42] : memref<4x64x128xf32, #tpu.memory_space<vmem>> -> memref<1x64x128xf32, #tpu.memory_space<vmem>>
      %dma_start3A_44 = tpu.memref_squeeze %dma_start3A_43 : memref<1x64x128xf32, #tpu.memory_space<vmem>> -> memref<64x128xf32, #tpu.memory_space<vmem>>
      %dma_start3A_45 = arith.constant 0 : i32
      %dma_start3A_46 = tpu.memref_slice %arg7[%select_n3A_21, %dma_start3A_39, %dma_start3A_45] : memref<2x32x64xi32, #tpu.memory_space<vmem>> -> memref<1x1x64xi32, #tpu.memory_space<vmem>>
      %dma_start3A_47 = tpu.memref_squeeze %dma_start3A_46 : memref<1x1x64xi32, #tpu.memory_space<vmem>> -> memref<64xi32, #tpu.memory_space<vmem>>
      %dma_start3A_48 = arith.constant 0 : i32
      %dma_start3A_49 = arith.constant 0 : i32
      %dma_start3A_50 = tpu.memref_slice %arg2[%dma_start3A_48, %dma_start3A_49] : memref<10000x128xf32, #tpu.memory_space<hbm>> -> memref<10000x128xf32, #tpu.memory_space<hbm>>
      tpu.enqueue_indirect_dma source(%dma_start3A_50 : memref<10000x128xf32, #tpu.memory_space<hbm>>) target(%dma_start3A_44 : memref<64x128xf32, #tpu.memory_space<vmem>>) offsets(%dma_start3A_47 : memref<64xi32, #tpu.memory_space<vmem>>) semaphore(%arg11 : memref<!tpu.dma_semaphore, #tpu.memory_space<semaphore_mem>>)
      %dma_start3A_51 = arith.constant 2 : i32
      %dma_start3A_52 = arith.constant 2 : i32
      %dma_start3A_53 = arith.constant 0 : i32
      %dma_start3A_54 = arith.constant 0 : i32
      %dma_start3A_55 = tpu.memref_slice %arg9[%dma_start3A_52, %dma_start3A_53, %dma_start3A_54] : memref<4x64x128xf32, #tpu.memory_space<vmem>> -> memref<1x64x128xf32, #tpu.memory_space<vmem>>
      %dma_start3A_56 = tpu.memref_squeeze %dma_start3A_55 : memref<1x64x128xf32, #tpu.memory_space<vmem>> -> memref<64x128xf32, #tpu.memory_space<vmem>>
      %dma_start3A_57 = arith.constant 0 : i32
      %dma_start3A_58 = tpu.memref_slice %arg7[%select_n3A_21, %dma_start3A_51, %dma_start3A_57] : memref<2x32x64xi32, #tpu.memory_space<vmem>> -> memref<1x1x64xi32, #tpu.memory_space<vmem>>
      %dma_start3A_59 = tpu.memref_squeeze %dma_start3A_58 : memref<1x1x64xi32, #tpu.memory_space<vmem>> -> memref<64xi32, #tpu.memory_space<vmem>>
      %dma_start3A_60 = arith.constant 0 : i32
      %dma_start3A_61 = arith.constant 0 : i32
      %dma_start3A_62 = tpu.memref_slice %arg2[%dma_start3A_60, %dma_start3A_61] : memref<10000x128xf32, #tpu.memory_space<hbm>> -> memref<10000x128xf32, #tpu.memory_space<hbm>>
      tpu.enqueue_indirect_dma source(%dma_start3A_62 : memref<10000x128xf32, #tpu.memory_space<hbm>>) target(%dma_start3A_56 : memref<64x128xf32, #tpu.memory_space<vmem>>) offsets(%dma_start3A_59 : memref<64xi32, #tpu.memory_space<vmem>>) semaphore(%arg11 : memref<!tpu.dma_semaphore, #tpu.memory_space<semaphore_mem>>)
      %eq3A_63 = arith.constant 0 : i32
      %eq3A_64 = arith.cmpi eq, %scan3A_12, %eq3A_63 : i32
      %convert_element_type3A_65 = arith.extui %eq3A_64 : i1 to i32
      %cond3A_66 = arith.constant 0 : i32
      %cond3A_67 = arith.cmpi ne, %convert_element_type3A_65, %cond3A_66 : i32
      scf.if %cond3A_67 {
        %dma_wait3A_92 = arith.constant 0 : i32
        %dma_wait3A_93 = tpu.memref_slice %arg10[%mul3A_2, %dma_wait3A_92] : memref<10112x128xf32, #tpu.memory_space<vmem_shared>> -> memref<632x128xf32, #tpu.memory_space<vmem_shared>>
        %dma_wait3A_94 = arith.constant 0 : i32
        %dma_wait3A_95 = tpu.memref_slice %arg5[%mul3A_2, %dma_wait3A_94] : memref<10112x128xf32, #tpu.memory_space<hbm>> -> memref<632x128xf32, #tpu.memory_space<hbm>>
        tpu.wait_dma2 semaphore(%arg12 : memref<!tpu.dma_semaphore, #tpu.memory_space<semaphore_mem>>) src(%dma_wait3A_95 : memref<632x128xf32, #tpu.memory_space<hbm>>) dst(%dma_wait3A_93 : memref<632x128xf32, #tpu.memory_space<vmem_shared>>)
        %barrier3A_96 = arith.constant 0 : index
        tpu.barrier barrier_id(%barrier3A_96)
      } else {
      }
      %scan3A_68 = arith.constant 0 : i32
      %scan3A_69 = arith.constant 0 : i32
      %scan3A_70 = arith.constant 32 : i32
      %scan3A_71 = arith.addi %scan3A_69, %scan3A_70 : i32
      %scan3A_72 = arith.constant 1 : i32
      scf.for %scan3A_92 = %scan3A_69 to %scan3A_71 step %scan3A_72  : i32 {
        %jit3A_93 = arith.constant 4 : i32
        %eq3A_94 = arith.constant 0 : i32
        %eq3A_95 = arith.cmpi eq, %jit3A_93, %eq3A_94 : i32
        %jit3A_96 = arith.constant 1 : i32
        %select_n3A_97 = arith.select %eq3A_95, %jit3A_96, %jit3A_93 : i32
        %rem3A_98 = arith.remsi %scan3A_92, %select_n3A_97 : i32
        %ne3A_99 = arith.constant 0 : i32
        %ne3A_100 = arith.cmpi ne, %rem3A_98, %ne3A_99 : i32
        %lt3A_101 = arith.constant 0 : i32
        %lt3A_102 = arith.cmpi slt, %rem3A_98, %lt3A_101 : i32
        %lt3A_103 = arith.constant 0 : i32
        %lt3A_104 = arith.cmpi slt, %select_n3A_97, %lt3A_103 : i32
        %ne3A_105 = arith.xori %lt3A_102, %lt3A_104 : i1
        %and3A_106 = arith.andi %ne3A_105, %ne3A_100 : i1
        %add3A_107 = arith.addi %rem3A_98, %select_n3A_97 : i32
        %select_n3A_108 = arith.select %and3A_106, %add3A_107, %rem3A_98 : i32
        %dma_wait3A_109 = arith.constant 0 : i32
        %dma_wait3A_110 = arith.constant 0 : i32
        %dma_wait3A_111 = tpu.memref_slice %arg9[%select_n3A_108, %dma_wait3A_109, %dma_wait3A_110] : memref<4x64x128xf32, #tpu.memory_space<vmem>> -> memref<1x64x128xf32, #tpu.memory_space<vmem>>
        %dma_wait3A_112 = tpu.memref_squeeze %dma_wait3A_111 : memref<1x64x128xf32, #tpu.memory_space<vmem>> -> memref<64x128xf32, #tpu.memory_space<vmem>>
        %dma_wait3A_113 = arith.constant 0 : i32
        %dma_wait3A_114 = tpu.memref_slice %arg7[%select_n3A_21, %scan3A_92, %dma_wait3A_113] : memref<2x32x64xi32, #tpu.memory_space<vmem>> -> memref<1x1x64xi32, #tpu.memory_space<vmem>>
        %dma_wait3A_115 = tpu.memref_squeeze %dma_wait3A_114 : memref<1x1x64xi32, #tpu.memory_space<vmem>> -> memref<64xi32, #tpu.memory_space<vmem>>
        %dma_wait3A_116 = arith.constant 0 : i32
        %dma_wait3A_117 = arith.constant 0 : i32
        %dma_wait3A_118 = tpu.memref_slice %arg2[%dma_wait3A_116, %dma_wait3A_117] : memref<10000x128xf32, #tpu.memory_space<hbm>> -> memref<10000x128xf32, #tpu.memory_space<hbm>>
        tpu.wait_indirect_dma semaphore(%arg11 : memref<!tpu.dma_semaphore, #tpu.memory_space<semaphore_mem>>) src(%dma_wait3A_118 : memref<10000x128xf32, #tpu.memory_space<hbm>>) dst(%dma_wait3A_112 : memref<64x128xf32, #tpu.memory_space<vmem>>)
        %jit3A_119 = arith.constant 4 : i32
        %eq3A_120 = arith.constant 0 : i32
        %eq3A_121 = arith.cmpi eq, %jit3A_119, %eq3A_120 : i32
        %jit3A_122 = arith.constant 1 : i32
        %select_n3A_123 = arith.select %eq3A_121, %jit3A_122, %jit3A_119 : i32
        %rem3A_124 = arith.remsi %scan3A_92, %select_n3A_123 : i32
        %ne3A_125 = arith.constant 0 : i32
        %ne3A_126 = arith.cmpi ne, %rem3A_124, %ne3A_125 : i32
        %lt3A_127 = arith.constant 0 : i32
        %lt3A_128 = arith.cmpi slt, %rem3A_124, %lt3A_127 : i32
        %lt3A_129 = arith.constant 0 : i32
        %lt3A_130 = arith.cmpi slt, %select_n3A_123, %lt3A_129 : i32
        %ne3A_131 = arith.xori %lt3A_128, %lt3A_130 : i1
        %and3A_132 = arith.andi %ne3A_131, %ne3A_126 : i1
        %add3A_133 = arith.addi %rem3A_124, %select_n3A_123 : i32
        %select_n3A_134 = arith.select %and3A_132, %add3A_133, %rem3A_124 : i32
        %dma_start3A_135 = arith.constant 0 : i32
        %dma_start3A_136 = arith.constant 0 : i32
        %dma_start3A_137 = tpu.memref_slice %arg9[%select_n3A_134, %dma_start3A_135, %dma_start3A_136] : memref<4x64x128xf32, #tpu.memory_space<vmem>> -> memref<1x64x128xf32, #tpu.memory_space<vmem>>
        %dma_start3A_138 = tpu.memref_squeeze %dma_start3A_137 : memref<1x64x128xf32, #tpu.memory_space<vmem>> -> memref<64x128xf32, #tpu.memory_space<vmem>>
        %dma_start3A_139 = arith.constant 0 : i32
        %dma_start3A_140 = tpu.memref_slice %arg8[%select_n3A_21, %scan3A_92, %dma_start3A_139] : memref<2x32x64xi32, #tpu.memory_space<vmem>> -> memref<1x1x64xi32, #tpu.memory_space<vmem>>
        %dma_start3A_141 = tpu.memref_squeeze %dma_start3A_140 : memref<1x1x64xi32, #tpu.memory_space<vmem>> -> memref<64xi32, #tpu.memory_space<vmem>>
        %dma_start3A_142 = arith.constant 0 : i32
        %dma_start3A_143 = arith.constant 0 : i32
        %dma_start3A_144 = tpu.memref_slice %arg10[%dma_start3A_142, %dma_start3A_143] : memref<10112x128xf32, #tpu.memory_space<vmem_shared>> -> memref<10112x128xf32, #tpu.memory_space<vmem_shared>>
        tpu.enqueue_indirect_dma source(%dma_start3A_138 : memref<64x128xf32, #tpu.memory_space<vmem>>) target(%dma_start3A_144 : memref<10112x128xf32, #tpu.memory_space<vmem_shared>>) offsets(%dma_start3A_141 : memref<64xi32, #tpu.memory_space<vmem>>) semaphore(%arg12 : memref<!tpu.dma_semaphore, #tpu.memory_space<semaphore_mem>>) {add = true}
        %ge3A = arith.constant 1 : i32
        %ge3A_145 = arith.cmpi sge, %scan3A_92, %ge3A : i32
        %convert_element_type3A_146 = arith.extui %ge3A_145 : i1 to i32
        %cond3A_147 = arith.constant 0 : i32
        %cond3A_148 = arith.cmpi ne, %convert_element_type3A_146, %cond3A_147 : i32
        scf.if %cond3A_148 {
          %sub3A = arith.constant 1 : i32
          %sub3A_156 = arith.subi %scan3A_92, %sub3A : i32
          %jit3A_157 = arith.constant 4 : i32
          %eq3A_158 = arith.constant 0 : i32
          %eq3A_159 = arith.cmpi eq, %jit3A_157, %eq3A_158 : i32
          %jit3A_160 = arith.constant 1 : i32
          %select_n3A_161 = arith.select %eq3A_159, %jit3A_160, %jit3A_157 : i32
          %rem3A_162 = arith.remsi %sub3A_156, %select_n3A_161 : i32
          %ne3A_163 = arith.constant 0 : i32
          %ne3A_164 = arith.cmpi ne, %rem3A_162, %ne3A_163 : i32
          %lt3A_165 = arith.constant 0 : i32
          %lt3A_166 = arith.cmpi slt, %rem3A_162, %lt3A_165 : i32
          %lt3A_167 = arith.constant 0 : i32
          %lt3A_168 = arith.cmpi slt, %select_n3A_161, %lt3A_167 : i32
          %ne3A_169 = arith.xori %lt3A_166, %lt3A_168 : i1
          %and3A_170 = arith.andi %ne3A_169, %ne3A_164 : i1
          %add3A_171 = arith.addi %rem3A_162, %select_n3A_161 : i32
          %select_n3A_172 = arith.select %and3A_170, %add3A_171, %rem3A_162 : i32
          %sub3A_173 = arith.constant 1 : i32
          %sub3A_174 = arith.subi %scan3A_92, %sub3A_173 : i32
          %dma_wait3A_175 = arith.constant 0 : i32
          %dma_wait3A_176 = arith.constant 0 : i32
          %dma_wait3A_177 = tpu.memref_slice %arg9[%select_n3A_172, %dma_wait3A_175, %dma_wait3A_176] : memref<4x64x128xf32, #tpu.memory_space<vmem>> -> memref<1x64x128xf32, #tpu.memory_space<vmem>>
          %dma_wait3A_178 = tpu.memref_squeeze %dma_wait3A_177 : memref<1x64x128xf32, #tpu.memory_space<vmem>> -> memref<64x128xf32, #tpu.memory_space<vmem>>
          %dma_wait3A_179 = arith.constant 0 : i32
          %dma_wait3A_180 = tpu.memref_slice %arg8[%select_n3A_21, %sub3A_174, %dma_wait3A_179] : memref<2x32x64xi32, #tpu.memory_space<vmem>> -> memref<1x1x64xi32, #tpu.memory_space<vmem>>
          %dma_wait3A_181 = tpu.memref_squeeze %dma_wait3A_180 : memref<1x1x64xi32, #tpu.memory_space<vmem>> -> memref<64xi32, #tpu.memory_space<vmem>>
          %dma_wait3A_182 = arith.constant 0 : i32
          %dma_wait3A_183 = arith.constant 0 : i32
          %dma_wait3A_184 = tpu.memref_slice %arg10[%dma_wait3A_182, %dma_wait3A_183] : memref<10112x128xf32, #tpu.memory_space<vmem_shared>> -> memref<10112x128xf32, #tpu.memory_space<vmem_shared>>
          tpu.wait_indirect_dma semaphore(%arg12 : memref<!tpu.dma_semaphore, #tpu.memory_space<semaphore_mem>>) src(%dma_wait3A_178 : memref<64x128xf32, #tpu.memory_space<vmem>>) dst(%dma_wait3A_184 : memref<10112x128xf32, #tpu.memory_space<vmem_shared>>)
        } else {
        }
        %add3A_149 = arith.constant 3 : i32
        %add3A_150 = arith.addi %scan3A_92, %add3A_149 : i32
        %lt3A_151 = arith.constant 32 : i32
        %lt3A_152 = arith.cmpi slt, %add3A_150, %lt3A_151 : i32
        %convert_element_type3A_153 = arith.extui %lt3A_152 : i1 to i32
        %cond3A_154 = arith.constant 0 : i32
        %cond3A_155 = arith.cmpi ne, %convert_element_type3A_153, %cond3A_154 : i32
        scf.if %cond3A_155 {
          %add3A_156 = arith.constant 3 : i32
          %add3A_157 = arith.addi %scan3A_92, %add3A_156 : i32
          %add3A_158 = arith.constant 3 : i32
          %add3A_159 = arith.addi %scan3A_92, %add3A_158 : i32
          %jit3A_160 = arith.constant 4 : i32
          %eq3A_161 = arith.constant 0 : i32
          %eq3A_162 = arith.cmpi eq, %jit3A_160, %eq3A_161 : i32
          %jit3A_163 = arith.constant 1 : i32
          %select_n3A_164 = arith.select %eq3A_162, %jit3A_163, %jit3A_160 : i32
          %rem3A_165 = arith.remsi %add3A_159, %select_n3A_164 : i32
          %ne3A_166 = arith.constant 0 : i32
          %ne3A_167 = arith.cmpi ne, %rem3A_165, %ne3A_166 : i32
          %lt3A_168 = arith.constant 0 : i32
          %lt3A_169 = arith.cmpi slt, %rem3A_165, %lt3A_168 : i32
          %lt3A_170 = arith.constant 0 : i32
          %lt3A_171 = arith.cmpi slt, %select_n3A_164, %lt3A_170 : i32
          %ne3A_172 = arith.xori %lt3A_169, %lt3A_171 : i1
          %and3A_173 = arith.andi %ne3A_172, %ne3A_167 : i1
          %add3A_174 = arith.addi %rem3A_165, %select_n3A_164 : i32
          %select_n3A_175 = arith.select %and3A_173, %add3A_174, %rem3A_165 : i32
          %dma_start3A_176 = arith.constant 0 : i32
          %dma_start3A_177 = arith.constant 0 : i32
          %dma_start3A_178 = tpu.memref_slice %arg9[%select_n3A_175, %dma_start3A_176, %dma_start3A_177] : memref<4x64x128xf32, #tpu.memory_space<vmem>> -> memref<1x64x128xf32, #tpu.memory_space<vmem>>
          %dma_start3A_179 = tpu.memref_squeeze %dma_start3A_178 : memref<1x64x128xf32, #tpu.memory_space<vmem>> -> memref<64x128xf32, #tpu.memory_space<vmem>>
          %dma_start3A_180 = arith.constant 0 : i32
          %dma_start3A_181 = tpu.memref_slice %arg7[%select_n3A_21, %add3A_157, %dma_start3A_180] : memref<2x32x64xi32, #tpu.memory_space<vmem>> -> memref<1x1x64xi32, #tpu.memory_space<vmem>>
          %dma_start3A_182 = tpu.memref_squeeze %dma_start3A_181 : memref<1x1x64xi32, #tpu.memory_space<vmem>> -> memref<64xi32, #tpu.memory_space<vmem>>
          %dma_start3A_183 = arith.constant 0 : i32
          %dma_start3A_184 = arith.constant 0 : i32
          %dma_start3A_185 = tpu.memref_slice %arg2[%dma_start3A_183, %dma_start3A_184] : memref<10000x128xf32, #tpu.memory_space<hbm>> -> memref<10000x128xf32, #tpu.memory_space<hbm>>
          tpu.enqueue_indirect_dma source(%dma_start3A_185 : memref<10000x128xf32, #tpu.memory_space<hbm>>) target(%dma_start3A_179 : memref<64x128xf32, #tpu.memory_space<vmem>>) offsets(%dma_start3A_182 : memref<64xi32, #tpu.memory_space<vmem>>) semaphore(%arg11 : memref<!tpu.dma_semaphore, #tpu.memory_space<semaphore_mem>>)
        } else {
        }
      }
      %scan3A_73 = arith.constant 32 : i32
      %dma_wait3A = arith.constant 3 : i32
      %dma_wait3A_74 = arith.constant 31 : i32
      %dma_wait3A_75 = arith.constant 0 : i32
      %dma_wait3A_76 = arith.constant 0 : i32
      %dma_wait3A_77 = tpu.memref_slice %arg9[%dma_wait3A, %dma_wait3A_75, %dma_wait3A_76] : memref<4x64x128xf32, #tpu.memory_space<vmem>> -> memref<1x64x128xf32, #tpu.memory_space<vmem>>
      %dma_wait3A_78 = tpu.memref_squeeze %dma_wait3A_77 : memref<1x64x128xf32, #tpu.memory_space<vmem>> -> memref<64x128xf32, #tpu.memory_space<vmem>>
      %dma_wait3A_79 = arith.constant 0 : i32
      %dma_wait3A_80 = tpu.memref_slice %arg8[%select_n3A_21, %dma_wait3A_74, %dma_wait3A_79] : memref<2x32x64xi32, #tpu.memory_space<vmem>> -> memref<1x1x64xi32, #tpu.memory_space<vmem>>
      %dma_wait3A_81 = tpu.memref_squeeze %dma_wait3A_80 : memref<1x1x64xi32, #tpu.memory_space<vmem>> -> memref<64xi32, #tpu.memory_space<vmem>>
      %dma_wait3A_82 = arith.constant 0 : i32
      %dma_wait3A_83 = arith.constant 0 : i32
      %dma_wait3A_84 = tpu.memref_slice %arg10[%dma_wait3A_82, %dma_wait3A_83] : memref<10112x128xf32, #tpu.memory_space<vmem_shared>> -> memref<10112x128xf32, #tpu.memory_space<vmem_shared>>
      tpu.wait_indirect_dma semaphore(%arg12 : memref<!tpu.dma_semaphore, #tpu.memory_space<semaphore_mem>>) src(%dma_wait3A_78 : memref<64x128xf32, #tpu.memory_space<vmem>>) dst(%dma_wait3A_84 : memref<10112x128xf32, #tpu.memory_space<vmem_shared>>)
      %add3A_85 = arith.constant 1 : i32
      %add3A_86 = arith.addi %scan3A_12, %add3A_85 : i32
      %lt3A_87 = arith.constant 5 : i32
      %lt3A_88 = arith.cmpi slt, %add3A_86, %lt3A_87 : i32
      %convert_element_type3A_89 = arith.extui %lt3A_88 : i1 to i32
      %cond3A_90 = arith.constant 0 : i32
      %cond3A_91 = arith.cmpi ne, %convert_element_type3A_89, %cond3A_90 : i32
      scf.if %cond3A_91 {
        %add3A_92 = arith.constant 1 : i32
        %add3A_93 = arith.addi %scan3A_12, %add3A_92 : i32
        %jit3A_94 = arith.constant 2 : i32
        %eq3A_95 = arith.constant 0 : i32
        %eq3A_96 = arith.cmpi eq, %jit3A_94, %eq3A_95 : i32
        %jit3A_97 = arith.constant 1 : i32
        %select_n3A_98 = arith.select %eq3A_96, %jit3A_97, %jit3A_94 : i32
        %rem3A_99 = arith.remsi %add3A_93, %select_n3A_98 : i32
        %ne3A_100 = arith.constant 0 : i32
        %ne3A_101 = arith.cmpi ne, %rem3A_99, %ne3A_100 : i32
        %lt3A_102 = arith.constant 0 : i32
        %lt3A_103 = arith.cmpi slt, %rem3A_99, %lt3A_102 : i32
        %lt3A_104 = arith.constant 0 : i32
        %lt3A_105 = arith.cmpi slt, %select_n3A_98, %lt3A_104 : i32
        %ne3A_106 = arith.xori %lt3A_103, %lt3A_105 : i1
        %and3A_107 = arith.andi %ne3A_106, %ne3A_101 : i1
        %add3A_108 = arith.addi %rem3A_99, %select_n3A_98 : i32
        %select_n3A_109 = arith.select %and3A_107, %add3A_108, %rem3A_99 : i32
        %add3A_110 = arith.constant 1 : i32
        %add3A_111 = arith.addi %scan3A_12, %add3A_110 : i32
        %mul3A_112 = arith.constant 32 : i32
        %mul3A_113 = arith.muli %add3A_111, %mul3A_112 : i32
        %dma_wait3A_114 = arith.constant 0 : i32
        %dma_wait3A_115 = arith.constant 0 : i32
        %dma_wait3A_116 = tpu.memref_slice %arg7[%select_n3A_109, %dma_wait3A_114, %dma_wait3A_115] : memref<2x32x64xi32, #tpu.memory_space<vmem>> -> memref<1x32x64xi32, #tpu.memory_space<vmem>>
        %dma_wait3A_117 = tpu.memref_squeeze %dma_wait3A_116 : memref<1x32x64xi32, #tpu.memory_space<vmem>> -> memref<32x64xi32, #tpu.memory_space<vmem>>
        %dma_wait3A_118 = arith.constant 0 : i32
        %dma_wait3A_119 = tpu.memref_slice %arg3[%add3A, %mul3A_113, %dma_wait3A_118] : memref<32x160x64xi32, #tpu.memory_space<hbm>> -> memref<1x32x64xi32, #tpu.memory_space<hbm>>
        %dma_wait3A_120 = tpu.memref_squeeze %dma_wait3A_119 : memref<1x32x64xi32, #tpu.memory_space<hbm>> -> memref<32x64xi32, #tpu.memory_space<hbm>>
        %dma_wait3A_121 = arith.constant 0 : i32
        %dma_wait3A_122 = arith.constant 0 : i32
        %dma_wait3A_123 = tpu.memref_slice %arg7[%select_n3A_109, %dma_wait3A_121, %dma_wait3A_122] : memref<2x32x64xi32, #tpu.memory_space<vmem>> -> memref<1x32x64xi32, #tpu.memory_space<vmem>>
        %dma_wait3A_124 = tpu.memref_squeeze %dma_wait3A_123 : memref<1x32x64xi32, #tpu.memory_space<vmem>> -> memref<32x64xi32, #tpu.memory_space<vmem>>
        %dma_wait3A_125 = arith.constant 0 : i32
        %dma_wait3A_126 = tpu.memref_slice %arg3[%add3A, %mul3A_113, %dma_wait3A_125] : memref<32x160x64xi32, #tpu.memory_space<hbm>> -> memref<1x32x64xi32, #tpu.memory_space<hbm>>
        %dma_wait3A_127 = tpu.memref_squeeze %dma_wait3A_126 : memref<1x32x64xi32, #tpu.memory_space<hbm>> -> memref<32x64xi32, #tpu.memory_space<hbm>>
        tpu.wait_dma2 semaphore(%arg13 : memref<!tpu.dma_semaphore, #tpu.memory_space<semaphore_mem>>) src(%dma_wait3A_127 : memref<32x64xi32, #tpu.memory_space<hbm>>) dst(%dma_wait3A_124 : memref<32x64xi32, #tpu.memory_space<vmem>>)
        %dma_wait3A_128 = arith.constant 0 : i32
        %dma_wait3A_129 = arith.constant 0 : i32
        %dma_wait3A_130 = tpu.memref_slice %arg8[%select_n3A_109, %dma_wait3A_128, %dma_wait3A_129] : memref<2x32x64xi32, #tpu.memory_space<vmem>> -> memref<1x32x64xi32, #tpu.memory_space<vmem>>
        %dma_wait3A_131 = tpu.memref_squeeze %dma_wait3A_130 : memref<1x32x64xi32, #tpu.memory_space<vmem>> -> memref<32x64xi32, #tpu.memory_space<vmem>>
        %dma_wait3A_132 = arith.constant 0 : i32
        %dma_wait3A_133 = tpu.memref_slice %arg4[%add3A, %mul3A_113, %dma_wait3A_132] : memref<32x160x64xi32, #tpu.memory_space<hbm>> -> memref<1x32x64xi32, #tpu.memory_space<hbm>>
        %dma_wait3A_134 = tpu.memref_squeeze %dma_wait3A_133 : memref<1x32x64xi32, #tpu.memory_space<hbm>> -> memref<32x64xi32, #tpu.memory_space<hbm>>
        %dma_wait3A_135 = arith.constant 0 : i32
        %dma_wait3A_136 = arith.constant 0 : i32
        %dma_wait3A_137 = tpu.memref_slice %arg8[%select_n3A_109, %dma_wait3A_135, %dma_wait3A_136] : memref<2x32x64xi32, #tpu.memory_space<vmem>> -> memref<1x32x64xi32, #tpu.memory_space<vmem>>
        %dma_wait3A_138 = tpu.memref_squeeze %dma_wait3A_137 : memref<1x32x64xi32, #tpu.memory_space<vmem>> -> memref<32x64xi32, #tpu.memory_space<vmem>>
        %dma_wait3A_139 = arith.constant 0 : i32
        %dma_wait3A_140 = tpu.memref_slice %arg4[%add3A, %mul3A_113, %dma_wait3A_139] : memref<32x160x64xi32, #tpu.memory_space<hbm>> -> memref<1x32x64xi32, #tpu.memory_space<hbm>>
        %dma_wait3A_141 = tpu.memref_squeeze %dma_wait3A_140 : memref<1x32x64xi32, #tpu.memory_space<hbm>> -> memref<32x64xi32, #tpu.memory_space<hbm>>
        tpu.wait_dma2 semaphore(%arg13 : memref<!tpu.dma_semaphore, #tpu.memory_space<semaphore_mem>>) src(%dma_wait3A_141 : memref<32x64xi32, #tpu.memory_space<hbm>>) dst(%dma_wait3A_138 : memref<32x64xi32, #tpu.memory_space<vmem>>)
      } else {
      }
    }
    %scan3A_11 = arith.constant 5 : i32
    %barrier3A = arith.constant 0 : index
    tpu.barrier barrier_id(%barrier3A)
    "tpu.region"() ({
      %run_scoped3A_12 = tpu.sem_alloc : memref<!tpu.dma_semaphore, #tpu.memory_space<semaphore_mem>>
      %dma_start3A_13 = arith.constant 0 : i32
      %dma_start3A_14 = tpu.memref_slice %arg6[%arg0, %mul3A_2, %dma_start3A_13] : memref<2x10112x128xf32, #tpu.memory_space<hbm>> -> memref<1x632x128xf32, #tpu.memory_space<hbm>>
      %dma_start3A_15 = tpu.memref_squeeze %dma_start3A_14 : memref<1x632x128xf32, #tpu.memory_space<hbm>> -> memref<632x128xf32, #tpu.memory_space<hbm>>
      %dma_start3A_16 = arith.constant 0 : i32
      %dma_start3A_17 = tpu.memref_slice %arg10[%mul3A_2, %dma_start3A_16] : memref<10112x128xf32, #tpu.memory_space<vmem_shared>> -> memref<632x128xf32, #tpu.memory_space<vmem_shared>>
      tpu.enqueue_dma source(%dma_start3A_17 : memref<632x128xf32, #tpu.memory_space<vmem_shared>>) target(%dma_start3A_15 : memref<632x128xf32, #tpu.memory_space<hbm>>) target_semaphore(%run_scoped3A_12 : memref<!tpu.dma_semaphore, #tpu.memory_space<semaphore_mem>>)
      %dma_wait3A = arith.constant 0 : i32
      %dma_wait3A_18 = tpu.memref_slice %arg6[%arg0, %mul3A_2, %dma_wait3A] : memref<2x10112x128xf32, #tpu.memory_space<hbm>> -> memref<1x632x128xf32, #tpu.memory_space<hbm>>
      %dma_wait3A_19 = tpu.memref_squeeze %dma_wait3A_18 : memref<1x632x128xf32, #tpu.memory_space<hbm>> -> memref<632x128xf32, #tpu.memory_space<hbm>>
      %dma_wait3A_20 = arith.constant 0 : i32
      %dma_wait3A_21 = tpu.memref_slice %arg10[%mul3A_2, %dma_wait3A_20] : memref<10112x128xf32, #tpu.memory_space<vmem_shared>> -> memref<632x128xf32, #tpu.memory_space<vmem_shared>>
      tpu.wait_dma2 semaphore(%run_scoped3A_12 : memref<!tpu.dma_semaphore, #tpu.memory_space<semaphore_mem>>) src(%dma_wait3A_21 : memref<632x128xf32, #tpu.memory_space<vmem_shared>>) dst(%dma_wait3A_19 : memref<632x128xf32, #tpu.memory_space<hbm>>)
      tpu.yield
    }) : () -> ()
    return
  }
}

#map = affine_map<(d0, d1) -> (0, 0)>
#map1 = affine_map<(d0, d1) -> (0, 0, 0)>
module attributes {stable_mosaic.version = 14 : i64} {
  func.func @k(%arg0: i32, %arg1: i32, %arg2: memref<10000x128xf32, #tpu.memory_space<hbm>>, %arg3: memref<32x160x64xi32, #tpu.memory_space<hbm>>, %arg4: memref<32x160x64xi32, #tpu.memory_space<hbm>>, %arg5: memref<10112x128xf32, #tpu.memory_space<hbm>>, %arg6: memref<2x10112x128xf32, #tpu.memory_space<hbm>>, %arg7: memref<2x32x64xi32, #tpu.memory_space<vmem>>, %arg8: memref<2x32x64xi32, #tpu.memory_space<vmem>>, %arg9: memref<4x64x128xf32, #tpu.memory_space<vmem>>, %arg10: memref<10112x128xf32, #tpu.memory_space<vmem_shared>>, %arg11: memref<!tpu.dma_semaphore, #tpu.memory_space<semaphore_mem>>, %arg12: memref<!tpu.dma_semaphore, #tpu.memory_space<semaphore_mem>>, %arg13: memref<!tpu.dma_semaphore, #tpu.memory_space<semaphore_mem>>) attributes {dimension_semantics = [#tpu.dimension_semantics<core_parallel>, #tpu.dimension_semantics<subcore_parallel>], iteration_bounds = array<i64: 2, 16>, scalar_prefetch = 0 : i64, scratch_operands = 7 : i64, tpu.core_type = #tpu.core_type<sc_vector_subcore>, window_params = [{transform_indices = #map}, {transform_indices = #map1}, {transform_indices = #map1}, {transform_indices = #map}, {transform_indices = #map1}]} {
    %mul3A = arith.constant 2 : i32
    %mul3A_0 = arith.muli %arg1, %mul3A : i32
    %add3A = arith.addi %mul3A_0, %arg0 : i32
    %mul3A_1 = arith.constant 632 : i32
    %mul3A_2 = arith.muli %arg1, %mul3A_1 : i32
    %dma_start3A = arith.constant 0 : i32
    %dma_start3A_3 = tpu.memref_slice %arg10[%mul3A_2, %dma_start3A] : memref<10112x128xf32, #tpu.memory_space<vmem_shared>> -> memref<632x128xf32, #tpu.memory_space<vmem_shared>>
    %dma_start3A_4 = arith.constant 0 : i32
    %dma_start3A_5 = tpu.memref_slice %arg5[%mul3A_2, %dma_start3A_4] : memref<10112x128xf32, #tpu.memory_space<hbm>> -> memref<632x128xf32, #tpu.memory_space<hbm>>
    tpu.enqueue_dma source(%dma_start3A_5 : memref<632x128xf32, #tpu.memory_space<hbm>>) target(%dma_start3A_3 : memref<632x128xf32, #tpu.memory_space<vmem_shared>>) target_semaphore(%arg12 : memref<!tpu.dma_semaphore, #tpu.memory_space<semaphore_mem>>)
    %run_scoped3A = arith.constant 0 : i32
    "tpu.region"() ({
      %run_scoped3A_12 = tpu.sem_alloc : memref<!tpu.dma_semaphore, #tpu.memory_space<semaphore_mem>>
      %dma_start3A_13 = arith.constant 0 : i32
      %dma_start3A_14 = arith.constant 0 : i32
      %dma_start3A_15 = tpu.memref_slice %arg7[%run_scoped3A, %dma_start3A_13, %dma_start3A_14] : memref<2x32x64xi32, #tpu.memory_space<vmem>> -> memref<1x32x64xi32, #tpu.memory_space<vmem>>
      %dma_start3A_16 = tpu.memref_squeeze %dma_start3A_15 : memref<1x32x64xi32, #tpu.memory_space<vmem>> -> memref<32x64xi32, #tpu.memory_space<vmem>>
      %dma_start3A_17 = arith.constant 0 : i32
      %dma_start3A_18 = arith.constant 0 : i32
      %dma_start3A_19 = tpu.memref_slice %arg3[%add3A, %dma_start3A_17, %dma_start3A_18] : memref<32x160x64xi32, #tpu.memory_space<hbm>> -> memref<1x32x64xi32, #tpu.memory_space<hbm>>
      %dma_start3A_20 = tpu.memref_squeeze %dma_start3A_19 : memref<1x32x64xi32, #tpu.memory_space<hbm>> -> memref<32x64xi32, #tpu.memory_space<hbm>>
      %dma_start3A_21 = arith.constant 0 : i32
      %dma_start3A_22 = arith.constant 0 : i32
      %dma_start3A_23 = tpu.memref_slice %arg7[%run_scoped3A, %dma_start3A_21, %dma_start3A_22] : memref<2x32x64xi32, #tpu.memory_space<vmem>> -> memref<1x32x64xi32, #tpu.memory_space<vmem>>
      %dma_start3A_24 = tpu.memref_squeeze %dma_start3A_23 : memref<1x32x64xi32, #tpu.memory_space<vmem>> -> memref<32x64xi32, #tpu.memory_space<vmem>>
      %dma_start3A_25 = arith.constant 0 : i32
      %dma_start3A_26 = arith.constant 0 : i32
      %dma_start3A_27 = tpu.memref_slice %arg3[%add3A, %dma_start3A_25, %dma_start3A_26] : memref<32x160x64xi32, #tpu.memory_space<hbm>> -> memref<1x32x64xi32, #tpu.memory_space<hbm>>
      %dma_start3A_28 = tpu.memref_squeeze %dma_start3A_27 : memref<1x32x64xi32, #tpu.memory_space<hbm>> -> memref<32x64xi32, #tpu.memory_space<hbm>>
      tpu.enqueue_dma source(%dma_start3A_28 : memref<32x64xi32, #tpu.memory_space<hbm>>) target(%dma_start3A_24 : memref<32x64xi32, #tpu.memory_space<vmem>>) target_semaphore(%run_scoped3A_12 : memref<!tpu.dma_semaphore, #tpu.memory_space<semaphore_mem>>)
      %dma_wait3A = arith.constant 0 : i32
      %dma_wait3A_29 = arith.constant 0 : i32
      %dma_wait3A_30 = tpu.memref_slice %arg7[%run_scoped3A, %dma_wait3A, %dma_wait3A_29] : memref<2x32x64xi32, #tpu.memory_space<vmem>> -> memref<1x32x64xi32, #tpu.memory_space<vmem>>
      %dma_wait3A_31 = tpu.memref_squeeze %dma_wait3A_30 : memref<1x32x64xi32, #tpu.memory_space<vmem>> -> memref<32x64xi32, #tpu.memory_space<vmem>>
      %dma_wait3A_32 = arith.constant 0 : i32
      %dma_wait3A_33 = arith.constant 0 : i32
      %dma_wait3A_34 = tpu.memref_slice %arg3[%add3A, %dma_wait3A_32, %dma_wait3A_33] : memref<32x160x64xi32, #tpu.memory_space<hbm>> -> memref<1x32x64xi32, #tpu.memory_space<hbm>>
      %dma_wait3A_35 = tpu.memref_squeeze %dma_wait3A_34 : memref<1x32x64xi32, #tpu.memory_space<hbm>> -> memref<32x64xi32, #tpu.memory_space<hbm>>
      %dma_wait3A_36 = arith.constant 0 : i32
      %dma_wait3A_37 = arith.constant 0 : i32
      %dma_wait3A_38 = tpu.memref_slice %arg7[%run_scoped3A, %dma_wait3A_36, %dma_wait3A_37] : memref<2x32x64xi32, #tpu.memory_space<vmem>> -> memref<1x32x64xi32, #tpu.memory_space<vmem>>
      %dma_wait3A_39 = tpu.memref_squeeze %dma_wait3A_38 : memref<1x32x64xi32, #tpu.memory_space<vmem>> -> memref<32x64xi32, #tpu.memory_space<vmem>>
      %dma_wait3A_40 = arith.constant 0 : i32
      %dma_wait3A_41 = arith.constant 0 : i32
      %dma_wait3A_42 = tpu.memref_slice %arg3[%add3A, %dma_wait3A_40, %dma_wait3A_41] : memref<32x160x64xi32, #tpu.memory_space<hbm>> -> memref<1x32x64xi32, #tpu.memory_space<hbm>>
      %dma_wait3A_43 = tpu.memref_squeeze %dma_wait3A_42 : memref<1x32x64xi32, #tpu.memory_space<hbm>> -> memref<32x64xi32, #tpu.memory_space<hbm>>
      tpu.wait_dma2 semaphore(%run_scoped3A_12 : memref<!tpu.dma_semaphore, #tpu.memory_space<semaphore_mem>>) src(%dma_wait3A_43 : memref<32x64xi32, #tpu.memory_space<hbm>>) dst(%dma_wait3A_39 : memref<32x64xi32, #tpu.memory_space<vmem>>)
      tpu.yield
    }) : () -> ()
    %run_scoped3A_6 = arith.constant 0 : i32
    "tpu.region"() ({
      %run_scoped3A_12 = tpu.sem_alloc : memref<!tpu.dma_semaphore, #tpu.memory_space<semaphore_mem>>
      %dma_start3A_13 = arith.constant 0 : i32
      %dma_start3A_14 = arith.constant 0 : i32
      %dma_start3A_15 = tpu.memref_slice %arg8[%run_scoped3A_6, %dma_start3A_13, %dma_start3A_14] : memref<2x32x64xi32, #tpu.memory_space<vmem>> -> memref<1x32x64xi32, #tpu.memory_space<vmem>>
      %dma_start3A_16 = tpu.memref_squeeze %dma_start3A_15 : memref<1x32x64xi32, #tpu.memory_space<vmem>> -> memref<32x64xi32, #tpu.memory_space<vmem>>
      %dma_start3A_17 = arith.constant 0 : i32
      %dma_start3A_18 = arith.constant 0 : i32
      %dma_start3A_19 = tpu.memref_slice %arg4[%add3A, %dma_start3A_17, %dma_start3A_18] : memref<32x160x64xi32, #tpu.memory_space<hbm>> -> memref<1x32x64xi32, #tpu.memory_space<hbm>>
      %dma_start3A_20 = tpu.memref_squeeze %dma_start3A_19 : memref<1x32x64xi32, #tpu.memory_space<hbm>> -> memref<32x64xi32, #tpu.memory_space<hbm>>
      %dma_start3A_21 = arith.constant 0 : i32
      %dma_start3A_22 = arith.constant 0 : i32
      %dma_start3A_23 = tpu.memref_slice %arg8[%run_scoped3A_6, %dma_start3A_21, %dma_start3A_22] : memref<2x32x64xi32, #tpu.memory_space<vmem>> -> memref<1x32x64xi32, #tpu.memory_space<vmem>>
      %dma_start3A_24 = tpu.memref_squeeze %dma_start3A_23 : memref<1x32x64xi32, #tpu.memory_space<vmem>> -> memref<32x64xi32, #tpu.memory_space<vmem>>
      %dma_start3A_25 = arith.constant 0 : i32
      %dma_start3A_26 = arith.constant 0 : i32
      %dma_start3A_27 = tpu.memref_slice %arg4[%add3A, %dma_start3A_25, %dma_start3A_26] : memref<32x160x64xi32, #tpu.memory_space<hbm>> -> memref<1x32x64xi32, #tpu.memory_space<hbm>>
      %dma_start3A_28 = tpu.memref_squeeze %dma_start3A_27 : memref<1x32x64xi32, #tpu.memory_space<hbm>> -> memref<32x64xi32, #tpu.memory_space<hbm>>
      tpu.enqueue_dma source(%dma_start3A_28 : memref<32x64xi32, #tpu.memory_space<hbm>>) target(%dma_start3A_24 : memref<32x64xi32, #tpu.memory_space<vmem>>) target_semaphore(%run_scoped3A_12 : memref<!tpu.dma_semaphore, #tpu.memory_space<semaphore_mem>>)
      %dma_wait3A = arith.constant 0 : i32
      %dma_wait3A_29 = arith.constant 0 : i32
      %dma_wait3A_30 = tpu.memref_slice %arg8[%run_scoped3A_6, %dma_wait3A, %dma_wait3A_29] : memref<2x32x64xi32, #tpu.memory_space<vmem>> -> memref<1x32x64xi32, #tpu.memory_space<vmem>>
      %dma_wait3A_31 = tpu.memref_squeeze %dma_wait3A_30 : memref<1x32x64xi32, #tpu.memory_space<vmem>> -> memref<32x64xi32, #tpu.memory_space<vmem>>
      %dma_wait3A_32 = arith.constant 0 : i32
      %dma_wait3A_33 = arith.constant 0 : i32
      %dma_wait3A_34 = tpu.memref_slice %arg4[%add3A, %dma_wait3A_32, %dma_wait3A_33] : memref<32x160x64xi32, #tpu.memory_space<hbm>> -> memref<1x32x64xi32, #tpu.memory_space<hbm>>
      %dma_wait3A_35 = tpu.memref_squeeze %dma_wait3A_34 : memref<1x32x64xi32, #tpu.memory_space<hbm>> -> memref<32x64xi32, #tpu.memory_space<hbm>>
      %dma_wait3A_36 = arith.constant 0 : i32
      %dma_wait3A_37 = arith.constant 0 : i32
      %dma_wait3A_38 = tpu.memref_slice %arg8[%run_scoped3A_6, %dma_wait3A_36, %dma_wait3A_37] : memref<2x32x64xi32, #tpu.memory_space<vmem>> -> memref<1x32x64xi32, #tpu.memory_space<vmem>>
      %dma_wait3A_39 = tpu.memref_squeeze %dma_wait3A_38 : memref<1x32x64xi32, #tpu.memory_space<vmem>> -> memref<32x64xi32, #tpu.memory_space<vmem>>
      %dma_wait3A_40 = arith.constant 0 : i32
      %dma_wait3A_41 = arith.constant 0 : i32
      %dma_wait3A_42 = tpu.memref_slice %arg4[%add3A, %dma_wait3A_40, %dma_wait3A_41] : memref<32x160x64xi32, #tpu.memory_space<hbm>> -> memref<1x32x64xi32, #tpu.memory_space<hbm>>
      %dma_wait3A_43 = tpu.memref_squeeze %dma_wait3A_42 : memref<1x32x64xi32, #tpu.memory_space<hbm>> -> memref<32x64xi32, #tpu.memory_space<hbm>>
      tpu.wait_dma2 semaphore(%run_scoped3A_12 : memref<!tpu.dma_semaphore, #tpu.memory_space<semaphore_mem>>) src(%dma_wait3A_43 : memref<32x64xi32, #tpu.memory_space<hbm>>) dst(%dma_wait3A_39 : memref<32x64xi32, #tpu.memory_space<vmem>>)
      tpu.yield
    }) : () -> ()
    %scan3A = arith.constant 0 : i32
    %scan3A_7 = arith.constant 0 : i32
    %scan3A_8 = arith.constant 5 : i32
    %scan3A_9 = arith.addi %scan3A_7, %scan3A_8 : i32
    %scan3A_10 = arith.constant 1 : i32
    scf.for %scan3A_12 = %scan3A_7 to %scan3A_9 step %scan3A_10  : i32 {
      %jit3A = arith.constant 2 : i32
      %eq3A = arith.constant 0 : i32
      %eq3A_13 = arith.cmpi eq, %jit3A, %eq3A : i32
      %jit3A_14 = arith.constant 1 : i32
      %select_n3A = arith.select %eq3A_13, %jit3A_14, %jit3A : i32
      %rem3A = arith.remsi %scan3A_12, %select_n3A : i32
      %ne3A = arith.constant 0 : i32
      %ne3A_15 = arith.cmpi ne, %rem3A, %ne3A : i32
      %lt3A = arith.constant 0 : i32
      %lt3A_16 = arith.cmpi slt, %rem3A, %lt3A : i32
      %lt3A_17 = arith.constant 0 : i32
      %lt3A_18 = arith.cmpi slt, %select_n3A, %lt3A_17 : i32
      %ne3A_19 = arith.xori %lt3A_16, %lt3A_18 : i1
      %and3A = arith.andi %ne3A_19, %ne3A_15 : i1
      %add3A_20 = arith.addi %rem3A, %select_n3A : i32
      %select_n3A_21 = arith.select %and3A, %add3A_20, %rem3A : i32
      %add3A_22 = arith.constant 1 : i32
      %add3A_23 = arith.addi %scan3A_12, %add3A_22 : i32
      %lt3A_24 = arith.constant 5 : i32
      %lt3A_25 = arith.cmpi slt, %add3A_23, %lt3A_24 : i32
      %convert_element_type3A = arith.extui %lt3A_25 : i1 to i32
      %cond3A = arith.constant 0 : i32
      %cond3A_26 = arith.cmpi ne, %convert_element_type3A, %cond3A : i32
      scf.if %cond3A_26 {
        %add3A_92 = arith.constant 1 : i32
        %add3A_93 = arith.addi %scan3A_12, %add3A_92 : i32
        %jit3A_94 = arith.constant 2 : i32
        %eq3A_95 = arith.constant 0 : i32
        %eq3A_96 = arith.cmpi eq, %jit3A_94, %eq3A_95 : i32
        %jit3A_97 = arith.constant 1 : i32
        %select_n3A_98 = arith.select %eq3A_96, %jit3A_97, %jit3A_94 : i32
        %rem3A_99 = arith.remsi %add3A_93, %select_n3A_98 : i32
        %ne3A_100 = arith.constant 0 : i32
        %ne3A_101 = arith.cmpi ne, %rem3A_99, %ne3A_100 : i32
        %lt3A_102 = arith.constant 0 : i32
        %lt3A_103 = arith.cmpi slt, %rem3A_99, %lt3A_102 : i32
        %lt3A_104 = arith.constant 0 : i32
        %lt3A_105 = arith.cmpi slt, %select_n3A_98, %lt3A_104 : i32
        %ne3A_106 = arith.xori %lt3A_103, %lt3A_105 : i1
        %and3A_107 = arith.andi %ne3A_106, %ne3A_101 : i1
        %add3A_108 = arith.addi %rem3A_99, %select_n3A_98 : i32
        %select_n3A_109 = arith.select %and3A_107, %add3A_108, %rem3A_99 : i32
        %add3A_110 = arith.constant 1 : i32
        %add3A_111 = arith.addi %scan3A_12, %add3A_110 : i32
        %mul3A_112 = arith.constant 32 : i32
        %mul3A_113 = arith.muli %add3A_111, %mul3A_112 : i32
        %dma_start3A_114 = arith.constant 0 : i32
        %dma_start3A_115 = arith.constant 0 : i32
        %dma_start3A_116 = tpu.memref_slice %arg7[%select_n3A_109, %dma_start3A_114, %dma_start3A_115] : memref<2x32x64xi32, #tpu.memory_space<vmem>> -> memref<1x32x64xi32, #tpu.memory_space<vmem>>
        %dma_start3A_117 = tpu.memref_squeeze %dma_start3A_116 : memref<1x32x64xi32, #tpu.memory_space<vmem>> -> memref<32x64xi32, #tpu.memory_space<vmem>>
        %dma_start3A_118 = arith.constant 0 : i32
        %dma_start3A_119 = tpu.memref_slice %arg3[%add3A, %mul3A_113, %dma_start3A_118] : memref<32x160x64xi32, #tpu.memory_space<hbm>> -> memref<1x32x64xi32, #tpu.memory_space<hbm>>
        %dma_start3A_120 = tpu.memref_squeeze %dma_start3A_119 : memref<1x32x64xi32, #tpu.memory_space<hbm>> -> memref<32x64xi32, #tpu.memory_space<hbm>>
        %dma_start3A_121 = arith.constant 0 : i32
        %dma_start3A_122 = arith.constant 0 : i32
        %dma_start3A_123 = tpu.memref_slice %arg7[%select_n3A_109, %dma_start3A_121, %dma_start3A_122] : memref<2x32x64xi32, #tpu.memory_space<vmem>> -> memref<1x32x64xi32, #tpu.memory_space<vmem>>
        %dma_start3A_124 = tpu.memref_squeeze %dma_start3A_123 : memref<1x32x64xi32, #tpu.memory_space<vmem>> -> memref<32x64xi32, #tpu.memory_space<vmem>>
        %dma_start3A_125 = arith.constant 0 : i32
        %dma_start3A_126 = tpu.memref_slice %arg3[%add3A, %mul3A_113, %dma_start3A_125] : memref<32x160x64xi32, #tpu.memory_space<hbm>> -> memref<1x32x64xi32, #tpu.memory_space<hbm>>
        %dma_start3A_127 = tpu.memref_squeeze %dma_start3A_126 : memref<1x32x64xi32, #tpu.memory_space<hbm>> -> memref<32x64xi32, #tpu.memory_space<hbm>>
        tpu.enqueue_dma source(%dma_start3A_127 : memref<32x64xi32, #tpu.memory_space<hbm>>) target(%dma_start3A_124 : memref<32x64xi32, #tpu.memory_space<vmem>>) target_semaphore(%arg13 : memref<!tpu.dma_semaphore, #tpu.memory_space<semaphore_mem>>)
        %dma_start3A_128 = arith.constant 0 : i32
        %dma_start3A_129 = arith.constant 0 : i32
        %dma_start3A_130 = tpu.memref_slice %arg8[%select_n3A_109, %dma_start3A_128, %dma_start3A_129] : memref<2x32x64xi32, #tpu.memory_space<vmem>> -> memref<1x32x64xi32, #tpu.memory_space<vmem>>
        %dma_start3A_131 = tpu.memref_squeeze %dma_start3A_130 : memref<1x32x64xi32, #tpu.memory_space<vmem>> -> memref<32x64xi32, #tpu.memory_space<vmem>>
        %dma_start3A_132 = arith.constant 0 : i32
        %dma_start3A_133 = tpu.memref_slice %arg4[%add3A, %mul3A_113, %dma_start3A_132] : memref<32x160x64xi32, #tpu.memory_space<hbm>> -> memref<1x32x64xi32, #tpu.memory_space<hbm>>
        %dma_start3A_134 = tpu.memref_squeeze %dma_start3A_133 : memref<1x32x64xi32, #tpu.memory_space<hbm>> -> memref<32x64xi32, #tpu.memory_space<hbm>>
        %dma_start3A_135 = arith.constant 0 : i32
        %dma_start3A_136 = arith.constant 0 : i32
        %dma_start3A_137 = tpu.memref_slice %arg8[%select_n3A_109, %dma_start3A_135, %dma_start3A_136] : memref<2x32x64xi32, #tpu.memory_space<vmem>> -> memref<1x32x64xi32, #tpu.memory_space<vmem>>
        %dma_start3A_138 = tpu.memref_squeeze %dma_start3A_137 : memref<1x32x64xi32, #tpu.memory_space<vmem>> -> memref<32x64xi32, #tpu.memory_space<vmem>>
        %dma_start3A_139 = arith.constant 0 : i32
        %dma_start3A_140 = tpu.memref_slice %arg4[%add3A, %mul3A_113, %dma_start3A_139] : memref<32x160x64xi32, #tpu.memory_space<hbm>> -> memref<1x32x64xi32, #tpu.memory_space<hbm>>
        %dma_start3A_141 = tpu.memref_squeeze %dma_start3A_140 : memref<1x32x64xi32, #tpu.memory_space<hbm>> -> memref<32x64xi32, #tpu.memory_space<hbm>>
        tpu.enqueue_dma source(%dma_start3A_141 : memref<32x64xi32, #tpu.memory_space<hbm>>) target(%dma_start3A_138 : memref<32x64xi32, #tpu.memory_space<vmem>>) target_semaphore(%arg13 : memref<!tpu.dma_semaphore, #tpu.memory_space<semaphore_mem>>)
      } else {
      }
      %dma_start3A_27 = arith.constant 0 : i32
      %dma_start3A_28 = arith.constant 0 : i32
      %dma_start3A_29 = arith.constant 0 : i32
      %dma_start3A_30 = arith.constant 0 : i32
      %dma_start3A_31 = tpu.memref_slice %arg9[%dma_start3A_28, %dma_start3A_29, %dma_start3A_30] : memref<4x64x128xf32, #tpu.memory_space<vmem>> -> memref<1x64x128xf32, #tpu.memory_space<vmem>>
      %dma_start3A_32 = tpu.memref_squeeze %dma_start3A_31 : memref<1x64x128xf32, #tpu.memory_space<vmem>> -> memref<64x128xf32, #tpu.memory_space<vmem>>
      %dma_start3A_33 = arith.constant 0 : i32
      %dma_start3A_34 = tpu.memref_slice %arg7[%select_n3A_21, %dma_start3A_27, %dma_start3A_33] : memref<2x32x64xi32, #tpu.memory_space<vmem>> -> memref<1x1x64xi32, #tpu.memory_space<vmem>>
      %dma_start3A_35 = tpu.memref_squeeze %dma_start3A_34 : memref<1x1x64xi32, #tpu.memory_space<vmem>> -> memref<64xi32, #tpu.memory_space<vmem>>
      %dma_start3A_36 = arith.constant 0 : i32
      %dma_start3A_37 = arith.constant 0 : i32
      %dma_start3A_38 = tpu.memref_slice %arg2[%dma_start3A_36, %dma_start3A_37] : memref<10000x128xf32, #tpu.memory_space<hbm>> -> memref<10000x128xf32, #tpu.memory_space<hbm>>
      tpu.enqueue_indirect_dma source(%dma_start3A_38 : memref<10000x128xf32, #tpu.memory_space<hbm>>) target(%dma_start3A_32 : memref<64x128xf32, #tpu.memory_space<vmem>>) offsets(%dma_start3A_35 : memref<64xi32, #tpu.memory_space<vmem>>) semaphore(%arg11 : memref<!tpu.dma_semaphore, #tpu.memory_space<semaphore_mem>>)
      %dma_start3A_39 = arith.constant 1 : i32
      %dma_start3A_40 = arith.constant 1 : i32
      %dma_start3A_41 = arith.constant 0 : i32
      %dma_start3A_42 = arith.constant 0 : i32
      %dma_start3A_43 = tpu.memref_slice %arg9[%dma_start3A_40, %dma_start3A_41, %dma_start3A_42] : memref<4x64x128xf32, #tpu.memory_space<vmem>> -> memref<1x64x128xf32, #tpu.memory_space<vmem>>
      %dma_start3A_44 = tpu.memref_squeeze %dma_start3A_43 : memref<1x64x128xf32, #tpu.memory_space<vmem>> -> memref<64x128xf32, #tpu.memory_space<vmem>>
      %dma_start3A_45 = arith.constant 0 : i32
      %dma_start3A_46 = tpu.memref_slice %arg7[%select_n3A_21, %dma_start3A_39, %dma_start3A_45] : memref<2x32x64xi32, #tpu.memory_space<vmem>> -> memref<1x1x64xi32, #tpu.memory_space<vmem>>
      %dma_start3A_47 = tpu.memref_squeeze %dma_start3A_46 : memref<1x1x64xi32, #tpu.memory_space<vmem>> -> memref<64xi32, #tpu.memory_space<vmem>>
      %dma_start3A_48 = arith.constant 0 : i32
      %dma_start3A_49 = arith.constant 0 : i32
      %dma_start3A_50 = tpu.memref_slice %arg2[%dma_start3A_48, %dma_start3A_49] : memref<10000x128xf32, #tpu.memory_space<hbm>> -> memref<10000x128xf32, #tpu.memory_space<hbm>>
      tpu.enqueue_indirect_dma source(%dma_start3A_50 : memref<10000x128xf32, #tpu.memory_space<hbm>>) target(%dma_start3A_44 : memref<64x128xf32, #tpu.memory_space<vmem>>) offsets(%dma_start3A_47 : memref<64xi32, #tpu.memory_space<vmem>>) semaphore(%arg11 : memref<!tpu.dma_semaphore, #tpu.memory_space<semaphore_mem>>)
      %dma_start3A_51 = arith.constant 2 : i32
      %dma_start3A_52 = arith.constant 2 : i32
      %dma_start3A_53 = arith.constant 0 : i32
      %dma_start3A_54 = arith.constant 0 : i32
      %dma_start3A_55 = tpu.memref_slice %arg9[%dma_start3A_52, %dma_start3A_53, %dma_start3A_54] : memref<4x64x128xf32, #tpu.memory_space<vmem>> -> memref<1x64x128xf32, #tpu.memory_space<vmem>>
      %dma_start3A_56 = tpu.memref_squeeze %dma_start3A_55 : memref<1x64x128xf32, #tpu.memory_space<vmem>> -> memref<64x128xf32, #tpu.memory_space<vmem>>
      %dma_start3A_57 = arith.constant 0 : i32
      %dma_start3A_58 = tpu.memref_slice %arg7[%select_n3A_21, %dma_start3A_51, %dma_start3A_57] : memref<2x32x64xi32, #tpu.memory_space<vmem>> -> memref<1x1x64xi32, #tpu.memory_space<vmem>>
      %dma_start3A_59 = tpu.memref_squeeze %dma_start3A_58 : memref<1x1x64xi32, #tpu.memory_space<vmem>> -> memref<64xi32, #tpu.memory_space<vmem>>
      %dma_start3A_60 = arith.constant 0 : i32
      %dma_start3A_61 = arith.constant 0 : i32
      %dma_start3A_62 = tpu.memref_slice %arg2[%dma_start3A_60, %dma_start3A_61] : memref<10000x128xf32, #tpu.memory_space<hbm>> -> memref<10000x128xf32, #tpu.memory_space<hbm>>
      tpu.enqueue_indirect_dma source(%dma_start3A_62 : memref<10000x128xf32, #tpu.memory_space<hbm>>) target(%dma_start3A_56 : memref<64x128xf32, #tpu.memory_space<vmem>>) offsets(%dma_start3A_59 : memref<64xi32, #tpu.memory_space<vmem>>) semaphore(%arg11 : memref<!tpu.dma_semaphore, #tpu.memory_space<semaphore_mem>>)
      %eq3A_63 = arith.constant 0 : i32
      %eq3A_64 = arith.cmpi eq, %scan3A_12, %eq3A_63 : i32
      %convert_element_type3A_65 = arith.extui %eq3A_64 : i1 to i32
      %cond3A_66 = arith.constant 0 : i32
      %cond3A_67 = arith.cmpi ne, %convert_element_type3A_65, %cond3A_66 : i32
      scf.if %cond3A_67 {
        %dma_wait3A_92 = arith.constant 0 : i32
        %dma_wait3A_93 = tpu.memref_slice %arg10[%mul3A_2, %dma_wait3A_92] : memref<10112x128xf32, #tpu.memory_space<vmem_shared>> -> memref<632x128xf32, #tpu.memory_space<vmem_shared>>
        %dma_wait3A_94 = arith.constant 0 : i32
        %dma_wait3A_95 = tpu.memref_slice %arg5[%mul3A_2, %dma_wait3A_94] : memref<10112x128xf32, #tpu.memory_space<hbm>> -> memref<632x128xf32, #tpu.memory_space<hbm>>
        tpu.wait_dma2 semaphore(%arg12 : memref<!tpu.dma_semaphore, #tpu.memory_space<semaphore_mem>>) src(%dma_wait3A_95 : memref<632x128xf32, #tpu.memory_space<hbm>>) dst(%dma_wait3A_93 : memref<632x128xf32, #tpu.memory_space<vmem_shared>>)
        %barrier3A_96 = arith.constant 0 : index
        tpu.barrier barrier_id(%barrier3A_96)
      } else {
      }
      %scan3A_68 = arith.constant 0 : i32
      %scan3A_69 = arith.constant 0 : i32
      %scan3A_70 = arith.constant 32 : i32
      %scan3A_71 = arith.addi %scan3A_69, %scan3A_70 : i32
      %scan3A_72 = arith.constant 1 : i32
      scf.for %scan3A_92 = %scan3A_69 to %scan3A_71 step %scan3A_72  : i32 {
        %jit3A_93 = arith.constant 4 : i32
        %eq3A_94 = arith.constant 0 : i32
        %eq3A_95 = arith.cmpi eq, %jit3A_93, %eq3A_94 : i32
        %jit3A_96 = arith.constant 1 : i32
        %select_n3A_97 = arith.select %eq3A_95, %jit3A_96, %jit3A_93 : i32
        %rem3A_98 = arith.remsi %scan3A_92, %select_n3A_97 : i32
        %ne3A_99 = arith.constant 0 : i32
        %ne3A_100 = arith.cmpi ne, %rem3A_98, %ne3A_99 : i32
        %lt3A_101 = arith.constant 0 : i32
        %lt3A_102 = arith.cmpi slt, %rem3A_98, %lt3A_101 : i32
        %lt3A_103 = arith.constant 0 : i32
        %lt3A_104 = arith.cmpi slt, %select_n3A_97, %lt3A_103 : i32
        %ne3A_105 = arith.xori %lt3A_102, %lt3A_104 : i1
        %and3A_106 = arith.andi %ne3A_105, %ne3A_100 : i1
        %add3A_107 = arith.addi %rem3A_98, %select_n3A_97 : i32
        %select_n3A_108 = arith.select %and3A_106, %add3A_107, %rem3A_98 : i32
        %dma_wait3A_109 = arith.constant 0 : i32
        %dma_wait3A_110 = arith.constant 0 : i32
        %dma_wait3A_111 = tpu.memref_slice %arg9[%select_n3A_108, %dma_wait3A_109, %dma_wait3A_110] : memref<4x64x128xf32, #tpu.memory_space<vmem>> -> memref<1x64x128xf32, #tpu.memory_space<vmem>>
        %dma_wait3A_112 = tpu.memref_squeeze %dma_wait3A_111 : memref<1x64x128xf32, #tpu.memory_space<vmem>> -> memref<64x128xf32, #tpu.memory_space<vmem>>
        %dma_wait3A_113 = arith.constant 0 : i32
        %dma_wait3A_114 = tpu.memref_slice %arg7[%select_n3A_21, %scan3A_92, %dma_wait3A_113] : memref<2x32x64xi32, #tpu.memory_space<vmem>> -> memref<1x1x64xi32, #tpu.memory_space<vmem>>
        %dma_wait3A_115 = tpu.memref_squeeze %dma_wait3A_114 : memref<1x1x64xi32, #tpu.memory_space<vmem>> -> memref<64xi32, #tpu.memory_space<vmem>>
        %dma_wait3A_116 = arith.constant 0 : i32
        %dma_wait3A_117 = arith.constant 0 : i32
        %dma_wait3A_118 = tpu.memref_slice %arg2[%dma_wait3A_116, %dma_wait3A_117] : memref<10000x128xf32, #tpu.memory_space<hbm>> -> memref<10000x128xf32, #tpu.memory_space<hbm>>
        tpu.wait_indirect_dma semaphore(%arg11 : memref<!tpu.dma_semaphore, #tpu.memory_space<semaphore_mem>>) src(%dma_wait3A_118 : memref<10000x128xf32, #tpu.memory_space<hbm>>) dst(%dma_wait3A_112 : memref<64x128xf32, #tpu.memory_space<vmem>>)
        %jit3A_119 = arith.constant 4 : i32
        %eq3A_120 = arith.constant 0 : i32
        %eq3A_121 = arith.cmpi eq, %jit3A_119, %eq3A_120 : i32
        %jit3A_122 = arith.constant 1 : i32
        %select_n3A_123 = arith.select %eq3A_121, %jit3A_122, %jit3A_119 : i32
        %rem3A_124 = arith.remsi %scan3A_92, %select_n3A_123 : i32
        %ne3A_125 = arith.constant 0 : i32
        %ne3A_126 = arith.cmpi ne, %rem3A_124, %ne3A_125 : i32
        %lt3A_127 = arith.constant 0 : i32
        %lt3A_128 = arith.cmpi slt, %rem3A_124, %lt3A_127 : i32
        %lt3A_129 = arith.constant 0 : i32
        %lt3A_130 = arith.cmpi slt, %select_n3A_123, %lt3A_129 : i32
        %ne3A_131 = arith.xori %lt3A_128, %lt3A_130 : i1
        %and3A_132 = arith.andi %ne3A_131, %ne3A_126 : i1
        %add3A_133 = arith.addi %rem3A_124, %select_n3A_123 : i32
        %select_n3A_134 = arith.select %and3A_132, %add3A_133, %rem3A_124 : i32
        %dma_start3A_135 = arith.constant 0 : i32
        %dma_start3A_136 = arith.constant 0 : i32
        %dma_start3A_137 = tpu.memref_slice %arg9[%select_n3A_134, %dma_start3A_135, %dma_start3A_136] : memref<4x64x128xf32, #tpu.memory_space<vmem>> -> memref<1x64x128xf32, #tpu.memory_space<vmem>>
        %dma_start3A_138 = tpu.memref_squeeze %dma_start3A_137 : memref<1x64x128xf32, #tpu.memory_space<vmem>> -> memref<64x128xf32, #tpu.memory_space<vmem>>
        %dma_start3A_139 = arith.constant 0 : i32
        %dma_start3A_140 = tpu.memref_slice %arg8[%select_n3A_21, %scan3A_92, %dma_start3A_139] : memref<2x32x64xi32, #tpu.memory_space<vmem>> -> memref<1x1x64xi32, #tpu.memory_space<vmem>>
        %dma_start3A_141 = tpu.memref_squeeze %dma_start3A_140 : memref<1x1x64xi32, #tpu.memory_space<vmem>> -> memref<64xi32, #tpu.memory_space<vmem>>
        %dma_start3A_142 = arith.constant 0 : i32
        %dma_start3A_143 = arith.constant 0 : i32
        %dma_start3A_144 = tpu.memref_slice %arg10[%dma_start3A_142, %dma_start3A_143] : memref<10112x128xf32, #tpu.memory_space<vmem_shared>> -> memref<10112x128xf32, #tpu.memory_space<vmem_shared>>
        tpu.enqueue_indirect_dma source(%dma_start3A_138 : memref<64x128xf32, #tpu.memory_space<vmem>>) target(%dma_start3A_144 : memref<10112x128xf32, #tpu.memory_space<vmem_shared>>) offsets(%dma_start3A_141 : memref<64xi32, #tpu.memory_space<vmem>>) semaphore(%arg12 : memref<!tpu.dma_semaphore, #tpu.memory_space<semaphore_mem>>) {add = true}
        %ge3A = arith.constant 1 : i32
        %ge3A_145 = arith.cmpi sge, %scan3A_92, %ge3A : i32
        %convert_element_type3A_146 = arith.extui %ge3A_145 : i1 to i32
        %cond3A_147 = arith.constant 0 : i32
        %cond3A_148 = arith.cmpi ne, %convert_element_type3A_146, %cond3A_147 : i32
        scf.if %cond3A_148 {
          %sub3A = arith.constant 1 : i32
          %sub3A_156 = arith.subi %scan3A_92, %sub3A : i32
          %jit3A_157 = arith.constant 4 : i32
          %eq3A_158 = arith.constant 0 : i32
          %eq3A_159 = arith.cmpi eq, %jit3A_157, %eq3A_158 : i32
          %jit3A_160 = arith.constant 1 : i32
          %select_n3A_161 = arith.select %eq3A_159, %jit3A_160, %jit3A_157 : i32
          %rem3A_162 = arith.remsi %sub3A_156, %select_n3A_161 : i32
          %ne3A_163 = arith.constant 0 : i32
          %ne3A_164 = arith.cmpi ne, %rem3A_162, %ne3A_163 : i32
          %lt3A_165 = arith.constant 0 : i32
          %lt3A_166 = arith.cmpi slt, %rem3A_162, %lt3A_165 : i32
          %lt3A_167 = arith.constant 0 : i32
          %lt3A_168 = arith.cmpi slt, %select_n3A_161, %lt3A_167 : i32
          %ne3A_169 = arith.xori %lt3A_166, %lt3A_168 : i1
          %and3A_170 = arith.andi %ne3A_169, %ne3A_164 : i1
          %add3A_171 = arith.addi %rem3A_162, %select_n3A_161 : i32
          %select_n3A_172 = arith.select %and3A_170, %add3A_171, %rem3A_162 : i32
          %sub3A_173 = arith.constant 1 : i32
          %sub3A_174 = arith.subi %scan3A_92, %sub3A_173 : i32
          %dma_wait3A_175 = arith.constant 0 : i32
          %dma_wait3A_176 = arith.constant 0 : i32
          %dma_wait3A_177 = tpu.memref_slice %arg9[%select_n3A_172, %dma_wait3A_175, %dma_wait3A_176] : memref<4x64x128xf32, #tpu.memory_space<vmem>> -> memref<1x64x128xf32, #tpu.memory_space<vmem>>
          %dma_wait3A_178 = tpu.memref_squeeze %dma_wait3A_177 : memref<1x64x128xf32, #tpu.memory_space<vmem>> -> memref<64x128xf32, #tpu.memory_space<vmem>>
          %dma_wait3A_179 = arith.constant 0 : i32
          %dma_wait3A_180 = tpu.memref_slice %arg8[%select_n3A_21, %sub3A_174, %dma_wait3A_179] : memref<2x32x64xi32, #tpu.memory_space<vmem>> -> memref<1x1x64xi32, #tpu.memory_space<vmem>>
          %dma_wait3A_181 = tpu.memref_squeeze %dma_wait3A_180 : memref<1x1x64xi32, #tpu.memory_space<vmem>> -> memref<64xi32, #tpu.memory_space<vmem>>
          %dma_wait3A_182 = arith.constant 0 : i32
          %dma_wait3A_183 = arith.constant 0 : i32
          %dma_wait3A_184 = tpu.memref_slice %arg10[%dma_wait3A_182, %dma_wait3A_183] : memref<10112x128xf32, #tpu.memory_space<vmem_shared>> -> memref<10112x128xf32, #tpu.memory_space<vmem_shared>>
          tpu.wait_indirect_dma semaphore(%arg12 : memref<!tpu.dma_semaphore, #tpu.memory_space<semaphore_mem>>) src(%dma_wait3A_178 : memref<64x128xf32, #tpu.memory_space<vmem>>) dst(%dma_wait3A_184 : memref<10112x128xf32, #tpu.memory_space<vmem_shared>>)
        } else {
        }
        %add3A_149 = arith.constant 3 : i32
        %add3A_150 = arith.addi %scan3A_92, %add3A_149 : i32
        %lt3A_151 = arith.constant 32 : i32
        %lt3A_152 = arith.cmpi slt, %add3A_150, %lt3A_151 : i32
        %convert_element_type3A_153 = arith.extui %lt3A_152 : i1 to i32
        %cond3A_154 = arith.constant 0 : i32
        %cond3A_155 = arith.cmpi ne, %convert_element_type3A_153, %cond3A_154 : i32
        scf.if %cond3A_155 {
          %add3A_156 = arith.constant 3 : i32
          %add3A_157 = arith.addi %scan3A_92, %add3A_156 : i32
          %add3A_158 = arith.constant 3 : i32
          %add3A_159 = arith.addi %scan3A_92, %add3A_158 : i32
          %jit3A_160 = arith.constant 4 : i32
          %eq3A_161 = arith.constant 0 : i32
          %eq3A_162 = arith.cmpi eq, %jit3A_160, %eq3A_161 : i32
          %jit3A_163 = arith.constant 1 : i32
          %select_n3A_164 = arith.select %eq3A_162, %jit3A_163, %jit3A_160 : i32
          %rem3A_165 = arith.remsi %add3A_159, %select_n3A_164 : i32
          %ne3A_166 = arith.constant 0 : i32
          %ne3A_167 = arith.cmpi ne, %rem3A_165, %ne3A_166 : i32
          %lt3A_168 = arith.constant 0 : i32
          %lt3A_169 = arith.cmpi slt, %rem3A_165, %lt3A_168 : i32
          %lt3A_170 = arith.constant 0 : i32
          %lt3A_171 = arith.cmpi slt, %select_n3A_164, %lt3A_170 : i32
          %ne3A_172 = arith.xori %lt3A_169, %lt3A_171 : i1
          %and3A_173 = arith.andi %ne3A_172, %ne3A_167 : i1
          %add3A_174 = arith.addi %rem3A_165, %select_n3A_164 : i32
          %select_n3A_175 = arith.select %and3A_173, %add3A_174, %rem3A_165 : i32
          %dma_start3A_176 = arith.constant 0 : i32
          %dma_start3A_177 = arith.constant 0 : i32
          %dma_start3A_178 = tpu.memref_slice %arg9[%select_n3A_175, %dma_start3A_176, %dma_start3A_177] : memref<4x64x128xf32, #tpu.memory_space<vmem>> -> memref<1x64x128xf32, #tpu.memory_space<vmem>>
          %dma_start3A_179 = tpu.memref_squeeze %dma_start3A_178 : memref<1x64x128xf32, #tpu.memory_space<vmem>> -> memref<64x128xf32, #tpu.memory_space<vmem>>
          %dma_start3A_180 = arith.constant 0 : i32
          %dma_start3A_181 = tpu.memref_slice %arg7[%select_n3A_21, %add3A_157, %dma_start3A_180] : memref<2x32x64xi32, #tpu.memory_space<vmem>> -> memref<1x1x64xi32, #tpu.memory_space<vmem>>
          %dma_start3A_182 = tpu.memref_squeeze %dma_start3A_181 : memref<1x1x64xi32, #tpu.memory_space<vmem>> -> memref<64xi32, #tpu.memory_space<vmem>>
          %dma_start3A_183 = arith.constant 0 : i32
          %dma_start3A_184 = arith.constant 0 : i32
          %dma_start3A_185 = tpu.memref_slice %arg2[%dma_start3A_183, %dma_start3A_184] : memref<10000x128xf32, #tpu.memory_space<hbm>> -> memref<10000x128xf32, #tpu.memory_space<hbm>>
          tpu.enqueue_indirect_dma source(%dma_start3A_185 : memref<10000x128xf32, #tpu.memory_space<hbm>>) target(%dma_start3A_179 : memref<64x128xf32, #tpu.memory_space<vmem>>) offsets(%dma_start3A_182 : memref<64xi32, #tpu.memory_space<vmem>>) semaphore(%arg11 : memref<!tpu.dma_semaphore, #tpu.memory_space<semaphore_mem>>)
        } else {
        }
      }
      %scan3A_73 = arith.constant 32 : i32
      %dma_wait3A = arith.constant 3 : i32
      %dma_wait3A_74 = arith.constant 31 : i32
      %dma_wait3A_75 = arith.constant 0 : i32
      %dma_wait3A_76 = arith.constant 0 : i32
      %dma_wait3A_77 = tpu.memref_slice %arg9[%dma_wait3A, %dma_wait3A_75, %dma_wait3A_76] : memref<4x64x128xf32, #tpu.memory_space<vmem>> -> memref<1x64x128xf32, #tpu.memory_space<vmem>>
      %dma_wait3A_78 = tpu.memref_squeeze %dma_wait3A_77 : memref<1x64x128xf32, #tpu.memory_space<vmem>> -> memref<64x128xf32, #tpu.memory_space<vmem>>
      %dma_wait3A_79 = arith.constant 0 : i32
      %dma_wait3A_80 = tpu.memref_slice %arg8[%select_n3A_21, %dma_wait3A_74, %dma_wait3A_79] : memref<2x32x64xi32, #tpu.memory_space<vmem>> -> memref<1x1x64xi32, #tpu.memory_space<vmem>>
      %dma_wait3A_81 = tpu.memref_squeeze %dma_wait3A_80 : memref<1x1x64xi32, #tpu.memory_space<vmem>> -> memref<64xi32, #tpu.memory_space<vmem>>
      %dma_wait3A_82 = arith.constant 0 : i32
      %dma_wait3A_83 = arith.constant 0 : i32
      %dma_wait3A_84 = tpu.memref_slice %arg10[%dma_wait3A_82, %dma_wait3A_83] : memref<10112x128xf32, #tpu.memory_space<vmem_shared>> -> memref<10112x128xf32, #tpu.memory_space<vmem_shared>>
      tpu.wait_indirect_dma semaphore(%arg12 : memref<!tpu.dma_semaphore, #tpu.memory_space<semaphore_mem>>) src(%dma_wait3A_78 : memref<64x128xf32, #tpu.memory_space<vmem>>) dst(%dma_wait3A_84 : memref<10112x128xf32, #tpu.memory_space<vmem_shared>>)
      %add3A_85 = arith.constant 1 : i32
      %add3A_86 = arith.addi %scan3A_12, %add3A_85 : i32
      %lt3A_87 = arith.constant 5 : i32
      %lt3A_88 = arith.cmpi slt, %add3A_86, %lt3A_87 : i32
      %convert_element_type3A_89 = arith.extui %lt3A_88 : i1 to i32
      %cond3A_90 = arith.constant 0 : i32
      %cond3A_91 = arith.cmpi ne, %convert_element_type3A_89, %cond3A_90 : i32
      scf.if %cond3A_91 {
        %add3A_92 = arith.constant 1 : i32
        %add3A_93 = arith.addi %scan3A_12, %add3A_92 : i32
        %jit3A_94 = arith.constant 2 : i32
        %eq3A_95 = arith.constant 0 : i32
        %eq3A_96 = arith.cmpi eq, %jit3A_94, %eq3A_95 : i32
        %jit3A_97 = arith.constant 1 : i32
        %select_n3A_98 = arith.select %eq3A_96, %jit3A_97, %jit3A_94 : i32
        %rem3A_99 = arith.remsi %add3A_93, %select_n3A_98 : i32
        %ne3A_100 = arith.constant 0 : i32
        %ne3A_101 = arith.cmpi ne, %rem3A_99, %ne3A_100 : i32
        %lt3A_102 = arith.constant 0 : i32
        %lt3A_103 = arith.cmpi slt, %rem3A_99, %lt3A_102 : i32
        %lt3A_104 = arith.constant 0 : i32
        %lt3A_105 = arith.cmpi slt, %select_n3A_98, %lt3A_104 : i32
        %ne3A_106 = arith.xori %lt3A_103, %lt3A_105 : i1
        %and3A_107 = arith.andi %ne3A_106, %ne3A_101 : i1
        %add3A_108 = arith.addi %rem3A_99, %select_n3A_98 : i32
        %select_n3A_109 = arith.select %and3A_107, %add3A_108, %rem3A_99 : i32
        %add3A_110 = arith.constant 1 : i32
        %add3A_111 = arith.addi %scan3A_12, %add3A_110 : i32
        %mul3A_112 = arith.constant 32 : i32
        %mul3A_113 = arith.muli %add3A_111, %mul3A_112 : i32
        %dma_wait3A_114 = arith.constant 0 : i32
        %dma_wait3A_115 = arith.constant 0 : i32
        %dma_wait3A_116 = tpu.memref_slice %arg7[%select_n3A_109, %dma_wait3A_114, %dma_wait3A_115] : memref<2x32x64xi32, #tpu.memory_space<vmem>> -> memref<1x32x64xi32, #tpu.memory_space<vmem>>
        %dma_wait3A_117 = tpu.memref_squeeze %dma_wait3A_116 : memref<1x32x64xi32, #tpu.memory_space<vmem>> -> memref<32x64xi32, #tpu.memory_space<vmem>>
        %dma_wait3A_118 = arith.constant 0 : i32
        %dma_wait3A_119 = tpu.memref_slice %arg3[%add3A, %mul3A_113, %dma_wait3A_118] : memref<32x160x64xi32, #tpu.memory_space<hbm>> -> memref<1x32x64xi32, #tpu.memory_space<hbm>>
        %dma_wait3A_120 = tpu.memref_squeeze %dma_wait3A_119 : memref<1x32x64xi32, #tpu.memory_space<hbm>> -> memref<32x64xi32, #tpu.memory_space<hbm>>
        %dma_wait3A_121 = arith.constant 0 : i32
        %dma_wait3A_122 = arith.constant 0 : i32
        %dma_wait3A_123 = tpu.memref_slice %arg7[%select_n3A_109, %dma_wait3A_121, %dma_wait3A_122] : memref<2x32x64xi32, #tpu.memory_space<vmem>> -> memref<1x32x64xi32, #tpu.memory_space<vmem>>
        %dma_wait3A_124 = tpu.memref_squeeze %dma_wait3A_123 : memref<1x32x64xi32, #tpu.memory_space<vmem>> -> memref<32x64xi32, #tpu.memory_space<vmem>>
        %dma_wait3A_125 = arith.constant 0 : i32
        %dma_wait3A_126 = tpu.memref_slice %arg3[%add3A, %mul3A_113, %dma_wait3A_125] : memref<32x160x64xi32, #tpu.memory_space<hbm>> -> memref<1x32x64xi32, #tpu.memory_space<hbm>>
        %dma_wait3A_127 = tpu.memref_squeeze %dma_wait3A_126 : memref<1x32x64xi32, #tpu.memory_space<hbm>> -> memref<32x64xi32, #tpu.memory_space<hbm>>
        tpu.wait_dma2 semaphore(%arg13 : memref<!tpu.dma_semaphore, #tpu.memory_space<semaphore_mem>>) src(%dma_wait3A_127 : memref<32x64xi32, #tpu.memory_space<hbm>>) dst(%dma_wait3A_124 : memref<32x64xi32, #tpu.memory_space<vmem>>)
        %dma_wait3A_128 = arith.constant 0 : i32
        %dma_wait3A_129 = arith.constant 0 : i32
        %dma_wait3A_130 = tpu.memref_slice %arg8[%select_n3A_109, %dma_wait3A_128, %dma_wait3A_129] : memref<2x32x64xi32, #tpu.memory_space<vmem>> -> memref<1x32x64xi32, #tpu.memory_space<vmem>>
        %dma_wait3A_131 = tpu.memref_squeeze %dma_wait3A_130 : memref<1x32x64xi32, #tpu.memory_space<vmem>> -> memref<32x64xi32, #tpu.memory_space<vmem>>
        %dma_wait3A_132 = arith.constant 0 : i32
        %dma_wait3A_133 = tpu.memref_slice %arg4[%add3A, %mul3A_113, %dma_wait3A_132] : memref<32x160x64xi32, #tpu.memory_space<hbm>> -> memref<1x32x64xi32, #tpu.memory_space<hbm>>
        %dma_wait3A_134 = tpu.memref_squeeze %dma_wait3A_133 : memref<1x32x64xi32, #tpu.memory_space<hbm>> -> memref<32x64xi32, #tpu.memory_space<hbm>>
        %dma_wait3A_135 = arith.constant 0 : i32
        %dma_wait3A_136 = arith.constant 0 : i32
        %dma_wait3A_137 = tpu.memref_slice %arg8[%select_n3A_109, %dma_wait3A_135, %dma_wait3A_136] : memref<2x32x64xi32, #tpu.memory_space<vmem>> -> memref<1x32x64xi32, #tpu.memory_space<vmem>>
        %dma_wait3A_138 = tpu.memref_squeeze %dma_wait3A_137 : memref<1x32x64xi32, #tpu.memory_space<vmem>> -> memref<32x64xi32, #tpu.memory_space<vmem>>
        %dma_wait3A_139 = arith.constant 0 : i32
        %dma_wait3A_140 = tpu.memref_slice %arg4[%add3A, %mul3A_113, %dma_wait3A_139] : memref<32x160x64xi32, #tpu.memory_space<hbm>> -> memref<1x32x64xi32, #tpu.memory_space<hbm>>
        %dma_wait3A_141 = tpu.memref_squeeze %dma_wait3A_140 : memref<1x32x64xi32, #tpu.memory_space<hbm>> -> memref<32x64xi32, #tpu.memory_space<hbm>>
        tpu.wait_dma2 semaphore(%arg13 : memref<!tpu.dma_semaphore, #tpu.memory_space<semaphore_mem>>) src(%dma_wait3A_141 : memref<32x64xi32, #tpu.memory_space<hbm>>) dst(%dma_wait3A_138 : memref<32x64xi32, #tpu.memory_space<vmem>>)
      } else {
      }
    }
    %scan3A_11 = arith.constant 5 : i32
    %barrier3A = arith.constant 0 : index
    tpu.barrier barrier_id(%barrier3A)
    "tpu.region"() ({
      %run_scoped3A_12 = tpu.sem_alloc : memref<!tpu.dma_semaphore, #tpu.memory_space<semaphore_mem>>
      %dma_start3A_13 = arith.constant 0 : i32
      %dma_start3A_14 = tpu.memref_slice %arg6[%arg0, %mul3A_2, %dma_start3A_13] : memref<2x10112x128xf32, #tpu.memory_space<hbm>> -> memref<1x632x128xf32, #tpu.memory_space<hbm>>
      %dma_start3A_15 = tpu.memref_squeeze %dma_start3A_14 : memref<1x632x128xf32, #tpu.memory_space<hbm>> -> memref<632x128xf32, #tpu.memory_space<hbm>>
      %dma_start3A_16 = arith.constant 0 : i32
      %dma_start3A_17 = tpu.memref_slice %arg10[%mul3A_2, %dma_start3A_16] : memref<10112x128xf32, #tpu.memory_space<vmem_shared>> -> memref<632x128xf32, #tpu.memory_space<vmem_shared>>
      tpu.enqueue_dma source(%dma_start3A_17 : memref<632x128xf32, #tpu.memory_space<vmem_shared>>) target(%dma_start3A_15 : memref<632x128xf32, #tpu.memory_space<hbm>>) target_semaphore(%run_scoped3A_12 : memref<!tpu.dma_semaphore, #tpu.memory_space<semaphore_mem>>)
      %dma_wait3A = arith.constant 0 : i32
      %dma_wait3A_18 = tpu.memref_slice %arg6[%arg0, %mul3A_2, %dma_wait3A] : memref<2x10112x128xf32, #tpu.memory_space<hbm>> -> memref<1x632x128xf32, #tpu.memory_space<hbm>>
      %dma_wait3A_19 = tpu.memref_squeeze %dma_wait3A_18 : memref<1x632x128xf32, #tpu.memory_space<hbm>> -> memref<632x128xf32, #tpu.memory_space<hbm>>
      %dma_wait3A_20 = arith.constant 0 : i32
      %dma_wait3A_21 = tpu.memref_slice %arg10[%mul3A_2, %dma_wait3A_20] : memref<10112x128xf32, #tpu.memory_space<vmem_shared>> -> memref<632x128xf32, #tpu.memory_space<vmem_shared>>
      tpu.wait_dma2 semaphore(%run_scoped3A_12 : memref<!tpu.dma_semaphore, #tpu.memory_space<semaphore_mem>>) src(%dma_wait3A_21 : memref<632x128xf32, #tpu.memory_space<vmem_shared>>) dst(%dma_wait3A_19 : memref<632x128xf32, #tpu.memory_space<hbm>>)
      tpu.yield
    }) : () -> ()
    return
  }
}

module attributes {stable_mosaic.version = 14 : i64} {
  func.func @body(%arg0: memref<10000x128xf32, #tpu.memory_space<vmem>>, %arg1: memref<128x128xf32, #tpu.memory_space<vmem>>, %arg2: memref<32x10112xf32, #tpu.memory_space<vmem>>, %arg3: memref<10000x128xf32, #tpu.memory_space<vmem>>, %arg4: memref<10000x1xf32, #tpu.memory_space<vmem>>) attributes {dimension_semantics = [], scalar_prefetch = 0 : i64, scratch_operands = 0 : i64, tpu.core_type = #tpu.core_type<tc>} {
    %broadcast_in_dim3A = arith.constant 1.000000e+00 : f32
    %broadcast_in_dim3A_0 = vector.broadcast %broadcast_in_dim3A : f32 to vector<32x1xf32>
    %get3A = arith.constant 0 : index
    %get3A_1 = arith.constant 0 : index
    %get3A_2 = vector.load %arg2[%get3A, %get3A_1] : memref<32x10112xf32, #tpu.memory_space<vmem>>, vector<32x10112xf32>
    %dot_general3A = arith.constant dense<0.000000e+00> : vector<10112x1xf32>
    %dot_general3A_3 = tpu.matmul %get3A_2, %broadcast_in_dim3A_0, %dot_general3A {dimension_numbers = #tpu.dot_dimension_numbers<[0], [0], [1], [1], [0, 1, 1, 1], [], []>, transpose_lhs_hint = false} : vector<32x10112xf32>, vector<32x1xf32>, vector<10112x1xf32> -> vector<10112x1xf32>
    %add3A = arith.constant 1.000000e+00 : f32
    %add3A_4 = vector.broadcast %add3A : f32 to vector<10112x1xf32>
    %add3A_5 = arith.addf %add3A_4, %dot_general3A_3 : vector<10112x1xf32>
    %rsqrt3A = math.rsqrt %add3A_5 : vector<10112x1xf32>
    %slice3A = vector.extract_strided_slice %rsqrt3A {offsets = [0, 0], sizes = [10000, 1], strides = [1, 1]} : vector<10112x1xf32> to vector<10000x1xf32>
    %swap3A = arith.constant 0 : index
    %swap3A_6 = arith.constant 0 : index
    %swap3A_7 = vector.load %arg4[%swap3A, %swap3A_6] : memref<10000x1xf32, #tpu.memory_space<vmem>>, vector<10000x1xf32>
    tpu.vector_store %arg4[%swap3A, %swap3A_6], %slice3A {strides = array<i32>} : memref<10000x1xf32, #tpu.memory_space<vmem>>, vector<10000x1xf32>,
    %get3A_8 = arith.constant 0 : index
    %get3A_9 = arith.constant 0 : index
    %get3A_10 = vector.load %arg0[%get3A_8, %get3A_9] : memref<10000x128xf32, #tpu.memory_space<vmem>>, vector<10000x128xf32>
    %get3A_11 = arith.constant 0 : index
    %get3A_12 = arith.constant 0 : index
    %get3A_13 = vector.load %arg1[%get3A_11, %get3A_12] : memref<128x128xf32, #tpu.memory_space<vmem>>, vector<128x128xf32>
    %dot_general3A_14 = arith.constant dense<0.000000e+00> : vector<10000x128xf32>
    %dot_general3A_15 = tpu.matmul %get3A_10, %get3A_13, %dot_general3A_14 {dimension_numbers = #tpu.dot_dimension_numbers<[1], [0], [0], [1], [0, 0, 1, 1], [], []>, transpose_lhs_hint = false} : vector<10000x128xf32>, vector<128x128xf32>, vector<10000x128xf32> -> vector<10000x128xf32>
    %mul3A = vector.broadcast %slice3A : vector<10000x1xf32> to vector<10000x128xf32>
    %mul3A_16 = arith.mulf %dot_general3A_15, %mul3A : vector<10000x128xf32>
    %swap3A_17 = arith.constant 0 : index
    %swap3A_18 = arith.constant 0 : index
    %swap3A_19 = vector.load %arg3[%swap3A_17, %swap3A_18] : memref<10000x128xf32, #tpu.memory_space<vmem>>, vector<10000x128xf32>
    tpu.vector_store %arg3[%swap3A_17, %swap3A_18], %mul3A_16 {strides = array<i32>} : memref<10000x128xf32, #tpu.memory_space<vmem>>, vector<10000x128xf32>,
    return
  }
}

module attributes {stable_mosaic.version = 14 : i64} {
  func.func @body(%arg0: i32, %arg1: memref<2x1000x128xf32, #tpu.memory_space<vmem>>, %arg2: memref<1000x128xf32, #tpu.memory_space<vmem>>, %arg3: memref<1000x1xf32, #tpu.memory_space<vmem>>, %arg4: memref<1x128xf32, #tpu.memory_space<vmem>>, %arg5: memref<128x128xf32, #tpu.memory_space<vmem>>, %arg6: memref<1000x128xf32, #tpu.memory_space<vmem>>) attributes {dimension_semantics = [#tpu.dimension_semantics<arbitrary>], iteration_bounds = array<i64: 10>, scalar_prefetch = 0 : i64, scratch_operands = 0 : i64, tpu.core_type = #tpu.core_type<tc>, window_params = [{transform_indices = @transform_0, window_bounds = array<i64: 2, 1000, 128>}, {transform_indices = @transform_1, window_bounds = array<i64: 1000, 128>}, {transform_indices = @transform_2, window_bounds = array<i64: 1000, 1>}, {pipeline_mode = #tpu.pipeline_mode<synchronous>, transform_indices = @transform_3, window_bounds = array<i64: 1, 128>}, {pipeline_mode = #tpu.pipeline_mode<synchronous>, transform_indices = @transform_4, window_bounds = array<i64: 128, 128>}, {transform_indices = @transform_5, window_bounds = array<i64: 1000, 128>}]} {
    %get3A = arith.constant 0 : index
    %get3A_0 = arith.constant 0 : index
    %get3A_1 = vector.load %arg3[%get3A, %get3A_0] : memref<1000x1xf32, #tpu.memory_space<vmem>>, vector<1000x1xf32>
    %get3A_2 = arith.constant 0 : index
    %get3A_3 = arith.constant 0 : index
    %get3A_4 = arith.constant 0 : index
    %get3A_5 = vector.load %arg1[%get3A_2, %get3A_3, %get3A_4] : memref<2x1000x128xf32, #tpu.memory_space<vmem>>, vector<1x1000x128xf32>
    %get3A_6 = vector.shape_cast %get3A_5 : vector<1x1000x128xf32> to vector<1000x128xf32>
    %get3A_7 = arith.constant 1 : index
    %get3A_8 = arith.constant 0 : index
    %get3A_9 = arith.constant 0 : index
    %get3A_10 = vector.load %arg1[%get3A_7, %get3A_8, %get3A_9] : memref<2x1000x128xf32, #tpu.memory_space<vmem>>, vector<1x1000x128xf32>
    %get3A_11 = vector.shape_cast %get3A_10 : vector<1x1000x128xf32> to vector<1000x128xf32>
    %add3A = arith.addf %get3A_6, %get3A_11 : vector<1000x128xf32>
    %get3A_12 = arith.constant 0 : index
    %get3A_13 = arith.constant 0 : index
    %get3A_14 = vector.load %arg2[%get3A_12, %get3A_13] : memref<1000x128xf32, #tpu.memory_space<vmem>>, vector<1000x128xf32>
    %add3A_15 = arith.addf %add3A, %get3A_14 : vector<1000x128xf32>
    %mul3A = vector.broadcast %get3A_1 : vector<1000x1xf32> to vector<1000x128xf32>
    %mul3A_16 = arith.mulf %add3A_15, %mul3A : vector<1000x128xf32>
    %get3A_17 = arith.constant 0 : index
    %get3A_18 = arith.constant 0 : index
    %get3A_19 = vector.load %arg4[%get3A_17, %get3A_18] : memref<1x128xf32, #tpu.memory_space<vmem>>, vector<1x128xf32>
    %add3A_20 = vector.broadcast %get3A_19 : vector<1x128xf32> to vector<1000x128xf32>
    %add3A_21 = arith.addf %mul3A_16, %add3A_20 : vector<1000x128xf32>
    %max3A = arith.constant 0.000000e+00 : f32
    %max3A_22 = vector.broadcast %max3A : f32 to vector<1000x128xf32>
    %max3A_23 = arith.maximumf %add3A_21, %max3A_22 : vector<1000x128xf32>
    %get3A_24 = arith.constant 0 : index
    %get3A_25 = arith.constant 0 : index
    %get3A_26 = vector.load %arg5[%get3A_24, %get3A_25] : memref<128x128xf32, #tpu.memory_space<vmem>>, vector<128x128xf32>
    %dot_general3A = arith.constant dense<0.000000e+00> : vector<1000x128xf32>
    %dot_general3A_27 = tpu.matmul %max3A_23, %get3A_26, %dot_general3A {dimension_numbers = #tpu.dot_dimension_numbers<[1], [0], [0], [1], [0, 0, 1, 1], [], []>, transpose_lhs_hint = false} : vector<1000x128xf32>, vector<128x128xf32>, vector<1000x128xf32> -> vector<1000x128xf32>
    %mul3A_28 = vector.broadcast %get3A_1 : vector<1000x1xf32> to vector<1000x128xf32>
    %mul3A_29 = arith.mulf %dot_general3A_27, %mul3A_28 : vector<1000x128xf32>
    %swap3A = arith.constant 0 : index
    %swap3A_30 = arith.constant 0 : index
    %swap3A_31 = vector.load %arg6[%swap3A, %swap3A_30] : memref<1000x128xf32, #tpu.memory_space<vmem>>, vector<1000x128xf32>
    tpu.vector_store %arg6[%swap3A, %swap3A_30], %mul3A_29 {strides = array<i32>} : memref<1000x128xf32, #tpu.memory_space<vmem>>, vector<1000x128xf32>,
    return
  }
  func.func @transform_0(%arg0: i32) -> (i32, i32, i32) {
    %c0_i32 = arith.constant 0 : i32
    %c0_i32_0 = arith.constant 0 : i32
    %c0_i32_1 = arith.constant 0 : i32
    return %c0_i32, %arg0, %c0_i32_0 : i32, i32, i32
  }
  func.func @transform_1(%arg0: i32) -> (i32, i32) {
    %c0_i32 = arith.constant 0 : i32
    %c0_i32_0 = arith.constant 0 : i32
    return %arg0, %c0_i32 : i32, i32
  }
  func.func @transform_2(%arg0: i32) -> (i32, i32) {
    %c0_i32 = arith.constant 0 : i32
    %c0_i32_0 = arith.constant 0 : i32
    return %arg0, %c0_i32 : i32, i32
  }
  func.func @transform_3(%arg0: i32) -> (i32, i32) {
    %c0_i32 = arith.constant 0 : i32
    %c0_i32_0 = arith.constant 0 : i32
    %c0_i32_1 = arith.constant 0 : i32
    return %c0_i32, %c0_i32_0 : i32, i32
  }
  func.func @transform_4(%arg0: i32) -> (i32, i32) {
    %c0_i32 = arith.constant 0 : i32
    %c0_i32_0 = arith.constant 0 : i32
    %c0_i32_1 = arith.constant 0 : i32
    return %c0_i32, %c0_i32_0 : i32, i32
  }
  func.func @transform_5(%arg0: i32) -> (i32, i32) {
    %c0_i32 = arith.constant 0 : i32
    %c0_i32_0 = arith.constant 0 : i32
    return %arg0, %c0_i32 : i32, i32
  }
}

module attributes {stable_mosaic.version = 14 : i64} {
  func.func @body(%arg0: i32, %arg1: memref<2x1000x128xf32, #tpu.memory_space<vmem>>, %arg2: memref<1000x128xf32, #tpu.memory_space<vmem>>, %arg3: memref<1000x1xf32, #tpu.memory_space<vmem>>, %arg4: memref<1x128xf32, #tpu.memory_space<vmem>>, %arg5: memref<1000x1xi32, #tpu.memory_space<vmem>>, %arg6: memref<128x1195xf32, #tpu.memory_space<vmem>>, %arg7: memref<1x1195xf32, #tpu.memory_space<vmem>>, %arg8: memref<64x1195xf32, #tpu.memory_space<vmem>>, %arg9: memref<64x128xf32, #tpu.memory_space<vmem>>, %arg10: memref<64x1xf32, #tpu.memory_space<vmem>>) attributes {dimension_semantics = [#tpu.dimension_semantics<arbitrary>], iteration_bounds = array<i64: 10>, scalar_prefetch = 0 : i64, scratch_operands = 2 : i64, tpu.core_type = #tpu.core_type<tc>, window_params = [{transform_indices = @transform_0, window_bounds = array<i64: 2, 1000, 128>}, {transform_indices = @transform_1, window_bounds = array<i64: 1000, 128>}, {transform_indices = @transform_2, window_bounds = array<i64: 1000, 1>}, {pipeline_mode = #tpu.pipeline_mode<synchronous>, transform_indices = @transform_3, window_bounds = array<i64: 1, 128>}, {transform_indices = @transform_4, window_bounds = array<i64: 1000, 1>}, {pipeline_mode = #tpu.pipeline_mode<synchronous>, transform_indices = @transform_5, window_bounds = array<i64: 128, 1195>}, {pipeline_mode = #tpu.pipeline_mode<synchronous>, transform_indices = @transform_6, window_bounds = array<i64: 1, 1195>}, {pipeline_mode = #tpu.pipeline_mode<synchronous>, transform_indices = @transform_7, window_bounds = array<i64: 64, 1195>}]} {
    %get3A = arith.constant 0 : index
    %get3A_0 = arith.constant 0 : index
    %get3A_1 = arith.constant 0 : index
    %get3A_2 = vector.load %arg1[%get3A, %get3A_0, %get3A_1] : memref<2x1000x128xf32, #tpu.memory_space<vmem>>, vector<1x1000x128xf32>
    %get3A_3 = vector.shape_cast %get3A_2 : vector<1x1000x128xf32> to vector<1000x128xf32>
    %get3A_4 = arith.constant 1 : index
    %get3A_5 = arith.constant 0 : index
    %get3A_6 = arith.constant 0 : index
    %get3A_7 = vector.load %arg1[%get3A_4, %get3A_5, %get3A_6] : memref<2x1000x128xf32, #tpu.memory_space<vmem>>, vector<1x1000x128xf32>
    %get3A_8 = vector.shape_cast %get3A_7 : vector<1x1000x128xf32> to vector<1000x128xf32>
    %add3A = arith.addf %get3A_3, %get3A_8 : vector<1000x128xf32>
    %get3A_9 = arith.constant 0 : index
    %get3A_10 = arith.constant 0 : index
    %get3A_11 = vector.load %arg2[%get3A_9, %get3A_10] : memref<1000x128xf32, #tpu.memory_space<vmem>>, vector<1000x128xf32>
    %add3A_12 = arith.addf %add3A, %get3A_11 : vector<1000x128xf32>
    %get3A_13 = arith.constant 0 : index
    %get3A_14 = arith.constant 0 : index
    %get3A_15 = vector.load %arg3[%get3A_13, %get3A_14] : memref<1000x1xf32, #tpu.memory_space<vmem>>, vector<1000x1xf32>
    %mul3A = vector.broadcast %get3A_15 : vector<1000x1xf32> to vector<1000x128xf32>
    %mul3A_16 = arith.mulf %add3A_12, %mul3A : vector<1000x128xf32>
    %get3A_17 = arith.constant 0 : index
    %get3A_18 = arith.constant 0 : index
    %get3A_19 = vector.load %arg4[%get3A_17, %get3A_18] : memref<1x128xf32, #tpu.memory_space<vmem>>, vector<1x128xf32>
    %add3A_20 = vector.broadcast %get3A_19 : vector<1x128xf32> to vector<1000x128xf32>
    %add3A_21 = arith.addf %mul3A_16, %add3A_20 : vector<1000x128xf32>
    %max3A = arith.constant 0.000000e+00 : f32
    %max3A_22 = vector.broadcast %max3A : f32 to vector<1000x128xf32>
    %max3A_23 = arith.maximumf %add3A_21, %max3A_22 : vector<1000x128xf32>
    %get3A_24 = arith.constant 0 : index
    %get3A_25 = arith.constant 0 : index
    %get3A_26 = vector.load %arg5[%get3A_24, %get3A_25] : memref<1000x1xi32, #tpu.memory_space<vmem>>, vector<1000x1xi32>
    %iota3A = tpu.iota {dimensions = array<i32: 1>} : vector<1x64xi32>
    %eq3A = vector.broadcast %get3A_26 : vector<1000x1xi32> to vector<1000x64xi32>
    %eq3A_27 = vector.broadcast %iota3A : vector<1x64xi32> to vector<1000x64xi32>
    %eq3A_28 = arith.cmpi eq, %eq3A, %eq3A_27 : vector<1000x64xi32>
    %convert_element_type3A = arith.extui %eq3A_28 : vector<1000x64xi1> to vector<1000x64xi32>
    %convert_element_type3A_29 = arith.sitofp %convert_element_type3A : vector<1000x64xi32> to vector<1000x64xf32>
    %dot_general3A = arith.constant dense<0.000000e+00> : vector<64x128xf32>
    %dot_general3A_30 = tpu.matmul %convert_element_type3A_29, %max3A_23, %dot_general3A {dimension_numbers = #tpu.dot_dimension_numbers<[0], [0], [1], [1], [0, 1, 1, 1], [], []>, transpose_lhs_hint = false} : vector<1000x64xf32>, vector<1000x128xf32>, vector<64x128xf32> -> vector<64x128xf32>
    %broadcast_in_dim3A = arith.constant 1.000000e+00 : f32
    %broadcast_in_dim3A_31 = vector.broadcast %broadcast_in_dim3A : f32 to vector<1000x1xf32>
    %dot_general3A_32 = arith.constant dense<0.000000e+00> : vector<64x1xf32>
    %dot_general3A_33 = tpu.matmul %convert_element_type3A_29, %broadcast_in_dim3A_31, %dot_general3A_32 {dimension_numbers = #tpu.dot_dimension_numbers<[0], [0], [1], [1], [0, 1, 1, 1], [], []>, transpose_lhs_hint = false} : vector<1000x64xf32>, vector<1000x1xf32>, vector<64x1xf32> -> vector<64x1xf32>
    %eq3A_34 = arith.constant 0 : i32
    %eq3A_35 = arith.cmpi eq, %arg0, %eq3A_34 : i32
    %convert_element_type3A_36 = arith.extui %eq3A_35 : i1 to i32
    %cond3A = arith.constant 0 : i32
    %cond3A_37 = arith.cmpi ne, %convert_element_type3A_36, %cond3A : i32
    scf.if %cond3A_37 {
      %broadcast_in_dim3A_56 = arith.constant 0.000000e+00 : f32
      %broadcast_in_dim3A_57 = vector.broadcast %broadcast_in_dim3A_56 : f32 to vector<64x128xf32>
      %swap3A_58 = arith.constant 0 : index
      %swap3A_59 = arith.constant 0 : index
      %swap3A_60 = vector.load %arg9[%swap3A_58, %swap3A_59] : memref<64x128xf32, #tpu.memory_space<vmem>>, vector<64x128xf32>
      tpu.vector_store %arg9[%swap3A_58, %swap3A_59], %broadcast_in_dim3A_57 {strides = array<i32>} : memref<64x128xf32, #tpu.memory_space<vmem>>, vector<64x128xf32>,
      %broadcast_in_dim3A_61 = arith.constant 0.000000e+00 : f32
      %broadcast_in_dim3A_62 = vector.broadcast %broadcast_in_dim3A_61 : f32 to vector<64x1xf32>
      %swap3A_63 = arith.constant 0 : index
      %swap3A_64 = arith.constant 0 : index
      %swap3A_65 = vector.load %arg10[%swap3A_63, %swap3A_64] : memref<64x1xf32, #tpu.memory_space<vmem>>, vector<64x1xf32>
      tpu.vector_store %arg10[%swap3A_63, %swap3A_64], %broadcast_in_dim3A_62 {strides = array<i32>} : memref<64x1xf32, #tpu.memory_space<vmem>>, vector<64x1xf32>,
    } else {
    }
    %get3A_38 = arith.constant 0 : index
    %get3A_39 = arith.constant 0 : index
    %get3A_40 = vector.load %arg9[%get3A_38, %get3A_39] : memref<64x128xf32, #tpu.memory_space<vmem>>, vector<64x128xf32>
    %add3A_41 = arith.addf %get3A_40, %dot_general3A_30 : vector<64x128xf32>
    %swap3A = arith.constant 0 : index
    %swap3A_42 = arith.constant 0 : index
    %swap3A_43 = vector.load %arg9[%swap3A, %swap3A_42] : memref<64x128xf32, #tpu.memory_space<vmem>>, vector<64x128xf32>
    tpu.vector_store %arg9[%swap3A, %swap3A_42], %add3A_41 {strides = array<i32>} : memref<64x128xf32, #tpu.memory_space<vmem>>, vector<64x128xf32>,
    %get3A_44 = arith.constant 0 : index
    %get3A_45 = arith.constant 0 : index
    %get3A_46 = vector.load %arg10[%get3A_44, %get3A_45] : memref<64x1xf32, #tpu.memory_space<vmem>>, vector<64x1xf32>
    %add3A_47 = arith.addf %get3A_46, %dot_general3A_33 : vector<64x1xf32>
    %swap3A_48 = arith.constant 0 : index
    %swap3A_49 = arith.constant 0 : index
    %swap3A_50 = vector.load %arg10[%swap3A_48, %swap3A_49] : memref<64x1xf32, #tpu.memory_space<vmem>>, vector<64x1xf32>
    tpu.vector_store %arg10[%swap3A_48, %swap3A_49], %add3A_47 {strides = array<i32>} : memref<64x1xf32, #tpu.memory_space<vmem>>, vector<64x1xf32>,
    %eq3A_51 = arith.constant 9 : i32
    %eq3A_52 = arith.cmpi eq, %arg0, %eq3A_51 : i32
    %convert_element_type3A_53 = arith.extui %eq3A_52 : i1 to i32
    %cond3A_54 = arith.constant 0 : i32
    %cond3A_55 = arith.cmpi ne, %convert_element_type3A_53, %cond3A_54 : i32
    scf.if %cond3A_55 {
      %get3A_56 = arith.constant 0 : index
      %get3A_57 = arith.constant 0 : index
      %get3A_58 = vector.load %arg9[%get3A_56, %get3A_57] : memref<64x128xf32, #tpu.memory_space<vmem>>, vector<64x128xf32>
      %get3A_59 = arith.constant 0 : index
      %get3A_60 = arith.constant 0 : index
      %get3A_61 = vector.load %arg10[%get3A_59, %get3A_60] : memref<64x1xf32, #tpu.memory_space<vmem>>, vector<64x1xf32>
      %max3A_62 = arith.constant 1.000000e+00 : f32
      %max3A_63 = vector.broadcast %max3A_62 : f32 to vector<64x1xf32>
      %max3A_64 = arith.maximumf %get3A_61, %max3A_63 : vector<64x1xf32>
      %div3A = vector.broadcast %max3A_64 : vector<64x1xf32> to vector<64x128xf32>
      %div3A_65 = arith.divf %get3A_58, %div3A : vector<64x128xf32>
      %get3A_66 = arith.constant 0 : index
      %get3A_67 = arith.constant 0 : index
      %get3A_68 = vector.load %arg6[%get3A_66, %get3A_67] : memref<128x1195xf32, #tpu.memory_space<vmem>>, vector<128x1195xf32>
      %dot_general3A_69 = arith.constant dense<0.000000e+00> : vector<64x1195xf32>
      %dot_general3A_70 = tpu.matmul %div3A_65, %get3A_68, %dot_general3A_69 {dimension_numbers = #tpu.dot_dimension_numbers<[1], [0], [0], [1], [0, 0, 1, 1], [], []>, transpose_lhs_hint = false} : vector<64x128xf32>, vector<128x1195xf32>, vector<64x1195xf32> -> vector<64x1195xf32>
      %get3A_71 = arith.constant 0 : index
      %get3A_72 = arith.constant 0 : index
      %get3A_73 = vector.load %arg7[%get3A_71, %get3A_72] : memref<1x1195xf32, #tpu.memory_space<vmem>>, vector<1x1195xf32>
      %add3A_74 = vector.broadcast %get3A_73 : vector<1x1195xf32> to vector<64x1195xf32>
      %add3A_75 = arith.addf %dot_general3A_70, %add3A_74 : vector<64x1195xf32>
      %swap3A_76 = arith.constant 0 : index
      %swap3A_77 = arith.constant 0 : index
      %swap3A_78 = vector.load %arg8[%swap3A_76, %swap3A_77] : memref<64x1195xf32, #tpu.memory_space<vmem>>, vector<64x1195xf32>
      tpu.vector_store %arg8[%swap3A_76, %swap3A_77], %add3A_75 {strides = array<i32>} : memref<64x1195xf32, #tpu.memory_space<vmem>>, vector<64x1195xf32>,
    } else {
    }
    return
  }
  func.func @transform_0(%arg0: i32) -> (i32, i32, i32) {
    %c0_i32 = arith.constant 0 : i32
    %c0_i32_0 = arith.constant 0 : i32
    %c0_i32_1 = arith.constant 0 : i32
    return %c0_i32, %arg0, %c0_i32_0 : i32, i32, i32
  }
  func.func @transform_1(%arg0: i32) -> (i32, i32) {
    %c0_i32 = arith.constant 0 : i32
    %c0_i32_0 = arith.constant 0 : i32
    return %arg0, %c0_i32 : i32, i32
  }
  func.func @transform_2(%arg0: i32) -> (i32, i32) {
    %c0_i32 = arith.constant 0 : i32
    %c0_i32_0 = arith.constant 0 : i32
    return %arg0, %c0_i32 : i32, i32
  }
  func.func @transform_3(%arg0: i32) -> (i32, i32) {
    %c0_i32 = arith.constant 0 : i32
    %c0_i32_0 = arith.constant 0 : i32
    %c0_i32_1 = arith.constant 0 : i32
    return %c0_i32, %c0_i32_0 : i32, i32
  }
  func.func @transform_4(%arg0: i32) -> (i32, i32) {
    %c0_i32 = arith.constant 0 : i32
    %c0_i32_0 = arith.constant 0 : i32
    return %arg0, %c0_i32 : i32, i32
  }
  func.func @transform_5(%arg0: i32) -> (i32, i32) {
    %c0_i32 = arith.constant 0 : i32
    %c0_i32_0 = arith.constant 0 : i32
    %c0_i32_1 = arith.constant 0 : i32
    return %c0_i32, %c0_i32_0 : i32, i32
  }
  func.func @transform_6(%arg0: i32) -> (i32, i32) {
    %c0_i32 = arith.constant 0 : i32
    %c0_i32_0 = arith.constant 0 : i32
    %c0_i32_1 = arith.constant 0 : i32
    return %c0_i32, %c0_i32_0 : i32, i32
  }
  func.func @transform_7(%arg0: i32) -> (i32, i32) {
    %c0_i32 = arith.constant 0 : i32
    %c0_i32_0 = arith.constant 0 : i32
    %c0_i32_1 = arith.constant 0 : i32
    return %c0_i32, %c0_i32_0 : i32, i32
  }
}

</mosaic_0001>

<sc_bundles>
// kernel: kernel.10.cloned.1.call-start
scs
__scs_entry_jumppad:
0x0: {  	(pc) =	sbr.rel $0x88, $3  }
0x1: {  	(tag) =	ssettag $0x0;
	lr =	simm.s32 $0x1  }
0x2: {  	[smem:$0x3F96] =	sst lr;
	_ =	strace $0xD0000000  }
0x3: {  	_ = 	snop  }
0x4: {  	_ = 	snop  }
0x5: {  	_ = 	snop  }
0x6: {  	_ = 	snop  }
0x7: {  	_ = 	snop  }
__scs_overlays_trampoline_lowered:
0x8: {  	[smem:$0x3FA5] =	sst s0  }
0x9: {  	[smem:$0x3FA6] =	sst s1  }
0xa: {  	[smem:$0x3FA7] =	sst s2  }
0xb: {  	[smem:$0x3FA8] =	sst s3  }
0xc: {  	[smem:$0x3FA9] =	sst s4  }
0xd: {  	[smem:$0x3FAA] =	sst s5  }
0xe: {  	[smem:$0x3FAB] =	sst s6  }
0xf: {  	[smem:$0x3FAC] =	sst s7  }
0x10: {  	[smem:$0x3FAD] =	sst s8  }
0x11: {  	[smem:$0x3FAE] =	sst s9;
	s0 =	simm.s32 @!p0 $0x0  }
0x12: {  	s1 =	sld [smem:$0x3F94];
	s0 =	simm.s32 @p0 $0x1  }
0x13: {  	[smem:$0x3FAF] =	sst s0;
	s0 =	simm.s32 @!p1 $0x0  }
0x14: {  	s2 =	sld [smem:$0x3F93];
	s0 =	simm.s32 @p1 $0x1  }
0x15: {  	[smem:$0x3FB0] =	sst s0;
	s0 =	simm.s32 @!p2 $0x0  }
0x16: {  	s3 =	sld [smem:$0x3FDB];
	s0 =	simm.s32 @p2 $0x1  }
0x17: {  	s4 =	simm.s32 $0x1BF5;
	[smem:$0x3FB2] =	sst s0  }
0x18: {  	s0 =	sld [smem:$0x3F95];
	_ =	swait.ge [sflag:s4], $0x0  }
0x19: {  	s7 =	sld [smem:$0x3F96]  }
0x1a: {  	s8 =	sadd.s32 $0xFFFFE003, lr  }
0x1b: {  	s9 =	sadd.s32 $0xFFFFFEF7, lr;
	s5 =	simm.s32 $0xFFFFFFFF;
	p2 =	slt.u32 s8, $0xFFFFF086  }
0x1c: {  	p1 =	slt.u32 s9, $0xF7A;
	s5 =	simm.s32 @!p2 $0x0  }
0x1d: {  	s5 =	simm.s32 @p1 $0x1;
	p0 =	seq.s32 s7, s2  }
0x1e: {  	s7 =	smul.u32 @!p0 $0xF7A, s2;
	p2 =	seq.s32 @!p0 s5, $0x0  }
0x1f: {  	s9 =	smul.u32 $0xF7A, s1;
	s8 =	simm.s32 @!p0 $0x1BF5;
	p2 =	por !p2, p0  }
0x20: {  	[sflag:s8] =	ssyncset.s32 @!p0 $0xFFFFF086;
	s6 =	sadd.s32 @!p0 s3, s7;
	s7 =	simm.s32 @!p0 $0x108  }
0x21: {  	s3 =	sadd.s32 s3, s9;
	s6 =	sadd.s32 @!p0 $0x88, s6;
	s7 =	simm.s32 @p2 $0x1082  }
0x22: {  	[simem:s7], [sflag:s8] =	dma.local @!p0 [hbm:s6], $0xF7A  }
0x23: {  	s9 =	sor.u32 $0xD0000000, s2;
	s6 =	simm.s32 $0x108;
	_ =	swait.ge @!p0 [sflag:s8], $0x0  }
0x24: {  	s3 =	sadd.s32 $0x88, s3;
	s6 =	simm.s32 @!p1 $0x1082;
	[sflag:s4] =	ssyncset.s32 $0xFFFFF086  }
0x25: {  	[simem:s6], [sflag:s4] =	dma.local [hbm:s3], $0xF7A  }
0x26: {  	[smem:$0x3F96] =	sst s1;
	(tag) =	ssettag s2;
	_ =	strace s9  }
0x27: {  	s1 =	sld [smem:$0x3FA6]  }
0x28: {  	s2 =	sld [smem:$0x3FA7]  }
0x29: {  	s4 =	sld [smem:$0x3FA9]  }
0x2a: {  	p0 =	seq.s32 s5, $0x0;
	s5 =	sld [smem:$0x3FAA]  }
0x2b: {  	s6 =	sld [smem:$0x3FAB]  }
0x2c: {  	s7 =	sld [smem:$0x3FAC]  }
0x2d: {  	s3 =	simm.s32 $0x108;
	s8 =	sld [smem:$0x3FAD]  }
0x2e: {  	s3 =	simm.s32 @!p0 $0x1082;
	s9 =	sld [smem:$0x3FAE]  }
0x2f: {  	lr =	sadd.s32 s0, s3;
	s0 =	sld [smem:$0x3FA5]  }
0x30: {  	s3 =	sld [smem:$0x3FA8]  }
0x31: {  	[smem:$0x3FB1] =	sst s10  }
0x32: {  	s10 =	sld [smem:$0x3FAF];
	_ =	sdelay $0x3  }
0x33: {  	p0 =	seq.s32 s10, $0x1;
	s10 =	sld [smem:$0x3FB1];
	_ =	sdelay $0x3  }
0x34: {  	[smem:$0x3FB1] =	sst s10  }
0x35: {  	s10 =	sld [smem:$0x3FB0];
	_ =	sdelay $0x3  }
0x36: {  	p1 =	seq.s32 s10, $0x1;
	s10 =	sld [smem:$0x3FB1];
	_ =	sdelay $0x3  }
0x37: {  	[smem:$0x3FB1] =	sst s10  }
0x38: {  	s10 =	sld [smem:$0x3FB2]  }
0x39: {  	_ = 	snop;
	(pc) =	sbr.ind lr, $3  }
0x3a: {  	_ = 	snop  }
0x3b: {  	_ = 	snop  }
0x3c: {  	p2 =	seq.s32 s10, $0x1;
	s10 =	sld [smem:$0x3FB1]  }
0x3d: {  	_ =	shalt  }
0x3e: {  	_ =	shalt  }
0x3f: {  	_ =	shalt  }
0x40: {  	_ =	shalt  }
0x41: {  	_ =	shalt  }
0x42: {  	_ =	shalt  }
0x43: {  	_ =	shalt  }
0x44: {  	_ =	shalt  }
0x45: {  	_ =	shalt  }
0x46: {  	_ =	shalt  }
0x47: {  	_ =	shalt  }
0x48: {  	_ =	shalt  }
0x49: {  	_ =	shalt  }
0x4a: {  	_ =	shalt  }
0x4b: {  	_ =	shalt  }
0x4c: {  	_ =	shalt  }
0x4d: {  	_ =	shalt  }
0x4e: {  	_ =	shalt  }
0x4f: {  	_ =	shalt  }
0x50: {  	_ =	shalt  }
0x51: {  	_ =	shalt  }
0x52: {  	_ =	shalt  }
0x53: {  	_ =	shalt  }
0x54: {  	_ =	shalt  }
0x55: {  	_ =	shalt  }
0x56: {  	_ =	shalt  }
0x57: {  	_ =	shalt  }
0x58: {  	_ =	shalt  }
0x59: {  	_ =	shalt  }
0x5a: {  	_ =	shalt  }
0x5b: {  	_ =	shalt  }
0x5c: {  	_ =	shalt  }
0x5d: {  	_ =	shalt  }
0x5e: {  	_ =	shalt  }
0x5f: {  	_ =	shalt  }
0x60: {  	_ =	shalt  }
0x61: {  	_ =	shalt  }
0x62: {  	_ =	shalt  }
0x63: {  	_ =	shalt  }
0x64: {  	_ =	shalt  }
0x65: {  	_ =	shalt  }
0x66: {  	_ =	shalt  }
0x67: {  	_ =	shalt  }
0x68: {  	_ =	shalt  }
0x69: {  	_ =	shalt  }
0x6a: {  	_ =	shalt  }
0x6b: {  	_ =	shalt  }
0x6c: {  	_ =	shalt  }
0x6d: {  	_ =	shalt  }
0x6e: {  	_ =	shalt  }
0x6f: {  	_ =	shalt  }
0x70: {  	_ =	shalt  }
0x71: {  	_ =	shalt  }
0x72: {  	_ =	shalt  }
0x73: {  	_ =	shalt  }
0x74: {  	_ =	shalt  }
0x75: {  	_ =	shalt  }
0x76: {  	_ =	shalt  }
0x77: {  	_ =	shalt  }
0x78: {  	_ =	shalt  }
0x79: {  	_ =	shalt  }
0x7a: {  	_ =	shalt  }
0x7b: {  	_ =	shalt  }
0x7c: {  	_ =	shalt  }
0x7d: {  	_ =	shalt  }
0x7e: {  	_ =	shalt  }
0x7f: {  	_ =	shalt  }
0x80: {  	_ =	shalt  }
0x81: {  	_ =	shalt  }
0x82: {  	_ =	shalt  }
0x83: {  	_ =	shalt  }
0x84: {  	_ =	shalt  }
0x85: {  	_ =	shalt  }
0x86: {  	_ =	shalt  }
0x87: {  	_ =	shalt  }
.Lfunc_end0:
.L_simem_size_0:
called_computation_lowered:
.L_overlay_start_0:
0x88: {  	s2 =	sld [smem:$0x3FD9]  }
0x89: {  	s3 =	sld [smem:$0x3FFE];
	_ =	sdelay $0x1  }
0x8a: {  	s1 =	srdreg.scid  }
0x8b: {  	s0 =	sand.u32 $0x1, s1  }
0x8c: {  	s16 =	sshll.u32 s0, $0xA;
	s2 =	sadd.s32 s3, s2  }
0x8d: {  	s2 =	sadd.s32 s2, s16  }
0x8e: {  	[smem:$0x3FBD] =	sst s2  }
0x8f: {  	_ = 	snop  }
0x90: {  	(tm) =	ssettm $0x1  }
0x91: {  	s17 =	sld [smem:$0x3FFB];
	_ =	sdelay $0x3  }
0x92: {  	_ =	strace s17  }
0x93: {  	s2 =	sld [smem:$0x3FFC];
	_ =	sdelay $0x3  }
0x94: {  	_ =	strace s2  }
0x95: {  	s2 =	sld [smem:$0x3FFD];
	_ =	sdelay $0x3  }
0x96: {  	_ =	strace s2  }
0x97: {  	_ =	strace $0x8FFFFFFF  }
0x98: {  	s18 =	sld [smem:$0x3FDB];
	_ =	sdelay $0x1  }
0x99: {  	s19 =	simm.s32 $_scs_section_size  }
0x9a: {  	s4 =	simm.s32 $_size__tile_overlayer_lowered;
	s5 =	simm.s32 $_tile_overlayer_lowered  }
0x9b: {  	s22 =	simm.s32 $0x1BFF;
	s21 =	sshll.u32 s5, $0x1;
	s2 =	sadd.s32 s19, s18  }
0x9c: {  	s6 =	simm.s32 $0x0;
	s20 =	sshll.u32 s4, $0x1;
	s4 =	sadd.s32 s21, s2  }
0x9d: {  	[timem:s6], [sflag:s22] =	dma.local [hbm:s4], s20  }
0x9e: {  	_ =	swait.ge [sflag:s22], s20  }
0x9f: {  	s3 =	ssub.s32 $0x0, s20;
	[sflag:s22] =	ssyncset.done $0x0  }
0xa0: {  	[sflag:s22] =	ssyncadd.s32 s3;
	_ =	sdelay $0x1  }
0xa1: {  	s23 =	simm.s32 $0x1B8B  }
0xa2: {  	_ =	swait.ge [sflag:s23], $0x1  }
0xa3: {  	[sflag:s23] =	ssyncset.done $0x0  }
0xa4: {  	s25 =	simm.s32 $0x1B8E;
	s24 =	sld [smem:$0x3FFE];
	[sflag:s23] =	ssyncadd.s32 $0xFFFFFFFF  }
0xa5: {  	s26 =	simm.s32 $execute0_lowered;
	[smem:$0x3FD2] =	sst s25  }
0xa6: {  	s4 =	sshll.u32 s26, $0x1;
	_ =	strace $0x80000046;
	[dreg:$0x1] =	wrdreg $0xFFFFFFFF  }
0xa7: {  	s28 =	simm.s32 $_size_execute0_lowered;
	s2 =	sadd.s32 s2, s4;
	[dreg:$0x0] =	wrdreg $0x0  }
0xa8: {  	s4 =	sshll.u32 s28, $0x1;
	[dreg:$0x2] =	wrdreg s2  }
0xa9: {  	[dreg:$0x3] =	wrdreg s4  }
0xaa: {  	[dreg:$0x4] =	wrdreg $0xC0  }
0xab: {  	_ =	task [dreg:s6], $0x5FFFF  }
0xac: {  	[dreg:$0x1] =	wrdreg $0xFFFFFFFF  }
0xad: {  	[dreg:$0x0] =	wrdreg $0x60  }
0xae: {  	[dreg:$0x2] =	wrdreg s24  }
0xaf: {  	[dreg:$0x3] =	wrdreg $0x9  }
0xb0: {  	_ =	task.clear_ibuf [dreg:s6], $0x4FFFF;
	_ =	strace $0x90000046  }
0xb1: {  	s29 =	simm.s32 $0x9;
	_ =	strace $0x80000048  }
0xb2: {  	_ =	swait.ge [sflag:s29], $0x1  }
0xb3: {  	[sflag:s29] =	ssyncadd.s32 $0xFFFFFFFF  }
0xb4: {  	_ =	strace $0x90000048  }
0xb5: {  	_ =	sfence  }
0xb6: {  	s30 =	sld [smem:$0x0];
	_ =	sdelay $0x2  }
0xb7: {  	s31 =	sshll.u32 s1, $0xD;
	s1 =	sshrl.u32 s1, $0x2  }
0xb8: {  	s3 =	sand.u32 $0x4000, s31;
	s1 =	sadd.s32 s1, s30  }
0xb9: {  	s0 =	sor.u32 s3, s0;
	s1 =	sshll.u32 s1, $0x11  }
0xba: {  	s0 =	sor.u32 s1, s0  }
0xbb: {  	s0 =	sadd.s32 $0x8F2B, s0  }
0xbc: {  	[sflag:s0] =	ssyncadd.remote.s32 $0x1  }
0xbd: {  	_ =	sfence.sel $0xFFFF  }
0xbe: {  	[dreg:$0x0] =	wrdreg $0xFFFFFFFF;
	(pc) =	sbr.abs _section_cstart, $3  }
0xbf: {  	[dreg:$0x1] =	wrdreg $0xFFFFFFFF  }
0xc0: {  	_ =	task.clear_ibuf [dreg:s6], $0x2FFFF;
	_ =	strace $0x9FFFFFFF  }
0xc1: {  	(tm) =	ssettm $0x7FFFFFFF  }
tec
execute0_lowered:
.L_overlay_start_1:
0x0: {  	(tag) =	ssettag $0x1  }
0x1: {  	s3 =	rddreg [dreg:$0x0]  }
0x2: {  	s0 =	rddreg [dreg:$0x1];
	s2 =	simm.s32 $0x0;
	s4 =	srdreg.scid  }
0x3: {  	s1 =	stileid.u32;
	s9 =	simm.s32 $0x2800;
	s4 =	sand.u32 $0x1, s4  }
0x4: {  	s5 =	sshrl.u32 s1, $0x2;
	s6 =	sshll.u32 s1, $0x8;
	[smem:$0x7FF] =	sst s2  }
0x5: {  	s7 =	sshll.u32 s4, $0x7;
	s6 =	sand.u32 $0x300, s6;
	s8 =	smul.u32 $0x14000, s5  }
0x6: {  	s5 =	smul.u32 $0x13C00, s5;
	s4 =	ssub.s32 $0x2, s4;
	s6 =	sor.u32 s7, s6  }
0x7: {  	_ =	strace $0x80000047;
	s31 =	sshrl.u32 s4, $0x1;
	s7 =	sor.u32 s8, s6  }
0x8: {  	s5 =	sor.u32 s5, s6;
	s6 =	simm.s32 $0x80;
	s7 =	sshrl.u32 s7, $0x3  }
0x9: {  	s8 =	simm.s32 $0x1;
	s5 =	sshrl.u32 s5, $0x3;
	s30 =	sadd.s32 s7, s3  }
0xa: {  	s5 =	sadd.s32 s5, s3;
	s7 =	ssub.s32 s4, s31;
	s3 =	sadd.s32 $0x3400, s30  }
0xb: {  	v0 =	vimm.f32 $0.0e+00;
	v1 =	vimm.f32 $1.000000000e+00;
	s4 =	sadd.s32 $0xD400, s5;
	s5 =	smax.u32 s7, $0x1;
	s7 =	simm.s32 $0x400  }
.LBB2_1:
0xc: {  	s10 =	simm.s32 $0x40;
	s11 =	simm.s32 $0x0  }
.LBB2_2:
0xd: {  	p0 =	sne.s32 s10, $0x9DC0;
	[tilespmem:s11+$0x2800] =	vst v0;
	s11 =	smov.u32 s10;
	s10 =	sadd.s32 $0x40, s10  }
.Ltmp0:
0xe: {  	(pc) =	sbr.rel @p0 .LBB2_2-.Ltmp0, $2  }
0xf: {  	_ =	sdelay $0x2  }
0x10: {  	s11 =	sshra.s32 s11, $0x2  }
0x11: {  	[tilespmem:s11+$0x2800] =	vst v0;
	s10 =	simm.s32 $0x0  }
0x12: {  	[tilespmem:s10], [sflag:$0x1] =	stream.strided.gather [hbm4b:s3+s6], $0x2800, s7, s6, $0x38;
	[tilespmem:$0x4F80] =	vst v63  }
0x13: {  	_ =	swait.ge [sflag:s8], $0x2800  }
0x14: {  	[sflag:s8] =	ssyncset.done $0x0  }
0x15: {  	s11 =	simm.s32 $0x0;
	s10 =	simm.s32 $0x40;
	[sflag:s8] =	ssyncadd.s32 $0xFFFFD800  }
.LBB2_4:
0x16: {  	p0 =	sne.s32 s10, $0x9FC0;
	v2 =	vld [tilespmem:s11+$0x0];
	_ =	sdelay $0x3  }
.Ltmp1:
0x17: {  	(pc) =	sbr.rel @p0 .LBB2_4-.Ltmp1, $2  }
0x18: {  	_ =	sdelay $0x2  }
0x19: {  	s11 =	sshra.s32 s10, $0x2;
	s10 =	sadd.s32 $0x40, s10;
	[tilespmem:v2+s9+$0x0] =	vst.idx.add.f32.msk $0xffff, v1  }
0x1a: {  	v2 =	vld [tilespmem:s11+$0x0];
	_ =	sdelay $0x5  }
0x1b: {  	s2 =	sadd.s32 $0x1, s2  }
0x1c: {  	p0 =	sne.s32 s2, s5  }
.Ltmp2:
0x1d: {  	[tilespmem:v2+s9+$0x0] =	vst.idx.add.f32.msk $0xffff, v1;
	(pc) =	sbr.rel @p0 .LBB2_1-.Ltmp2, $4  }
0x1e: {  	[hbm4b:s4+s6] =	stream.strided.scatter [tilespmem:s9], [sflag:$0x1], $0x2780, s7, s6, $0x38;
	[tilespmem:$0x4F80] =	vst v63  }
0x1f: {  	_ =	swait.ge [sflag:s8], $0x2780  }
0x20: {  	[sflag:s8] =	ssyncset.done $0x0  }
0x21: {  	[sflag:s8] =	ssyncadd.s32 $0xFFFFD880  }
0x22: {  	_ =	sfence.sel $0x180000  }
0x23: {  	[bflag:$0x0] =	sbarrier.arrive $0xFFFF  }
0x24: {  	p0 =	sne.s32 s1, $0x0;
	_ =	strace $0x90000047  }
0x25: {  	s0 =	sadd.s32 @!p0 $0x100000, s0;
	[bflag:$0x2] =	sbarrier.arrive $0xFFFF  }
0x26: {  	[sflag:s0] =	ssyncadd.tile.s32 @!p0 $0x1;
	_ =	shalt  }
.Lfunc_end2:
_tile_overlayer_lowered:
.L_overlay_start_2:
0x27: {  	(tag) =	ssettag $0x2  }
0x28: {  	s0 =	rddreg [dreg:$0x0];
	s2 =	stileid.u32  }
0x29: {  	s1 =	rddreg [dreg:$0x1];
	p0 =	sne.s32 s2, $0x0  }
0x2a: {  	s3 =	rddreg [dreg:$0x2];
	[bflag:$0x3] =	sbarrier.arrive $0xFFFF;
	s2 =	simm.s32 @!p0 $0x1C01  }
0x2b: {  	[timem:s3], [sflag:s2] =	dma.local @!p0 [hbm:s0], s1  }
0x2c: {  	s0 =	simm.s32 @!p0 $0x1  }
0x2d: {  	_ =	swait.ge @!p0 [sflag:s0], s1  }
0x2e: {  	s1 =	ssub.s32 @!p0 $0x0, s1;
	[sflag:s0] =	ssyncset.done @!p0 $0x0  }
0x2f: {  	[sflag:s0] =	ssyncadd.s32 @!p0 s1  }
0x30: {  	[bflag:$0x3] =	sbarrier.arrive $0xFFFF  }
0x31: {  	_ =	shalt  }

// kernel: kernel.13.cloned.1.call-start
scs
__scs_entry_jumppad:
0x0: {  	(pc) =	sbr.rel $0x88, $3  }
0x1: {  	(tag) =	ssettag $0x0;
	lr =	simm.s32 $0x1  }
0x2: {  	[smem:$0x3F96] =	sst lr;
	_ =	strace $0xD0000000  }
0x3: {  	_ = 	snop  }
0x4: {  	_ = 	snop  }
0x5: {  	_ = 	snop  }
0x6: {  	_ = 	snop  }
0x7: {  	_ = 	snop  }
__scs_overlays_trampoline_lowered:
0x8: {  	[smem:$0x3FA5] =	sst s0  }
0x9: {  	[smem:$0x3FA6] =	sst s1  }
0xa: {  	[smem:$0x3FA7] =	sst s2  }
0xb: {  	[smem:$0x3FA8] =	sst s3  }
0xc: {  	[smem:$0x3FA9] =	sst s4  }
0xd: {  	[smem:$0x3FAA] =	sst s5  }
0xe: {  	[smem:$0x3FAB] =	sst s6  }
0xf: {  	[smem:$0x3FAC] =	sst s7  }
0x10: {  	[smem:$0x3FAD] =	sst s8  }
0x11: {  	[smem:$0x3FAE] =	sst s9;
	s0 =	simm.s32 @!p0 $0x0  }
0x12: {  	s1 =	sld [smem:$0x3F94];
	s0 =	simm.s32 @p0 $0x1  }
0x13: {  	[smem:$0x3FAF] =	sst s0;
	s0 =	simm.s32 @!p1 $0x0  }
0x14: {  	s2 =	sld [smem:$0x3F93];
	s0 =	simm.s32 @p1 $0x1  }
0x15: {  	[smem:$0x3FB0] =	sst s0;
	s0 =	simm.s32 @!p2 $0x0  }
0x16: {  	s3 =	sld [smem:$0x3FDB];
	s0 =	simm.s32 @p2 $0x1  }
0x17: {  	s4 =	simm.s32 $0x1BF5;
	[smem:$0x3FB2] =	sst s0  }
0x18: {  	s0 =	sld [smem:$0x3F95];
	_ =	swait.ge [sflag:s4], $0x0  }
0x19: {  	s7 =	sld [smem:$0x3F96]  }
0x1a: {  	s8 =	sadd.s32 $0xFFFFE003, lr  }
0x1b: {  	s9 =	sadd.s32 $0xFFFFFEF7, lr;
	s5 =	simm.s32 $0xFFFFFFFF;
	p2 =	slt.u32 s8, $0xFFFFF086  }
0x1c: {  	p1 =	slt.u32 s9, $0xF7A;
	s5 =	simm.s32 @!p2 $0x0  }
0x1d: {  	s5 =	simm.s32 @p1 $0x1;
	p0 =	seq.s32 s7, s2  }
0x1e: {  	s7 =	smul.u32 @!p0 $0xF7A, s2;
	p2 =	seq.s32 @!p0 s5, $0x0  }
0x1f: {  	s9 =	smul.u32 $0xF7A, s1;
	s8 =	simm.s32 @!p0 $0x1BF5;
	p2 =	por !p2, p0  }
0x20: {  	[sflag:s8] =	ssyncset.s32 @!p0 $0xFFFFF086;
	s6 =	sadd.s32 @!p0 s3, s7;
	s7 =	simm.s32 @!p0 $0x108  }
0x21: {  	s3 =	sadd.s32 s3, s9;
	s6 =	sadd.s32 @!p0 $0x88, s6;
	s7 =	simm.s32 @p2 $0x1082  }
0x22: {  	[simem:s7], [sflag:s8] =	dma.local @!p0 [hbm:s6], $0xF7A  }
0x23: {  	s9 =	sor.u32 $0xD0000000, s2;
	s6 =	simm.s32 $0x108;
	_ =	swait.ge @!p0 [sflag:s8], $0x0  }
0x24: {  	s3 =	sadd.s32 $0x88, s3;
	s6 =	simm.s32 @!p1 $0x1082;
	[sflag:s4] =	ssyncset.s32 $0xFFFFF086  }
0x25: {  	[simem:s6], [sflag:s4] =	dma.local [hbm:s3], $0xF7A  }
0x26: {  	[smem:$0x3F96] =	sst s1;
	(tag) =	ssettag s2;
	_ =	strace s9  }
0x27: {  	s1 =	sld [smem:$0x3FA6]  }
0x28: {  	s2 =	sld [smem:$0x3FA7]  }
0x29: {  	s4 =	sld [smem:$0x3FA9]  }
0x2a: {  	p0 =	seq.s32 s5, $0x0;
	s5 =	sld [smem:$0x3FAA]  }
0x2b: {  	s6 =	sld [smem:$0x3FAB]  }
0x2c: {  	s7 =	sld [smem:$0x3FAC]  }
0x2d: {  	s3 =	simm.s32 $0x108;
	s8 =	sld [smem:$0x3FAD]  }
0x2e: {  	s3 =	simm.s32 @!p0 $0x1082;
	s9 =	sld [smem:$0x3FAE]  }
0x2f: {  	lr =	sadd.s32 s0, s3;
	s0 =	sld [smem:$0x3FA5]  }
0x30: {  	s3 =	sld [smem:$0x3FA8]  }
0x31: {  	[smem:$0x3FB1] =	sst s10  }
0x32: {  	s10 =	sld [smem:$0x3FAF];
	_ =	sdelay $0x3  }
0x33: {  	p0 =	seq.s32 s10, $0x1;
	s10 =	sld [smem:$0x3FB1];
	_ =	sdelay $0x3  }
0x34: {  	[smem:$0x3FB1] =	sst s10  }
0x35: {  	s10 =	sld [smem:$0x3FB0];
	_ =	sdelay $0x3  }
0x36: {  	p1 =	seq.s32 s10, $0x1;
	s10 =	sld [smem:$0x3FB1];
	_ =	sdelay $0x3  }
0x37: {  	[smem:$0x3FB1] =	sst s10  }
0x38: {  	s10 =	sld [smem:$0x3FB2]  }
0x39: {  	_ = 	snop;
	(pc) =	sbr.ind lr, $3  }
0x3a: {  	_ = 	snop  }
0x3b: {  	_ = 	snop  }
0x3c: {  	p2 =	seq.s32 s10, $0x1;
	s10 =	sld [smem:$0x3FB1]  }
0x3d: {  	_ =	shalt  }
0x3e: {  	_ =	shalt  }
0x3f: {  	_ =	shalt  }
0x40: {  	_ =	shalt  }
0x41: {  	_ =	shalt  }
0x42: {  	_ =	shalt  }
0x43: {  	_ =	shalt  }
0x44: {  	_ =	shalt  }
0x45: {  	_ =	shalt  }
0x46: {  	_ =	shalt  }
0x47: {  	_ =	shalt  }
0x48: {  	_ =	shalt  }
0x49: {  	_ =	shalt  }
0x4a: {  	_ =	shalt  }
0x4b: {  	_ =	shalt  }
0x4c: {  	_ =	shalt  }
0x4d: {  	_ =	shalt  }
0x4e: {  	_ =	shalt  }
0x4f: {  	_ =	shalt  }
0x50: {  	_ =	shalt  }
0x51: {  	_ =	shalt  }
0x52: {  	_ =	shalt  }
0x53: {  	_ =	shalt  }
0x54: {  	_ =	shalt  }
0x55: {  	_ =	shalt  }
0x56: {  	_ =	shalt  }
0x57: {  	_ =	shalt  }
0x58: {  	_ =	shalt  }
0x59: {  	_ =	shalt  }
0x5a: {  	_ =	shalt  }
0x5b: {  	_ =	shalt  }
0x5c: {  	_ =	shalt  }
0x5d: {  	_ =	shalt  }
0x5e: {  	_ =	shalt  }
0x5f: {  	_ =	shalt  }
0x60: {  	_ =	shalt  }
0x61: {  	_ =	shalt  }
0x62: {  	_ =	shalt  }
0x63: {  	_ =	shalt  }
0x64: {  	_ =	shalt  }
0x65: {  	_ =	shalt  }
0x66: {  	_ =	shalt  }
0x67: {  	_ =	shalt  }
0x68: {  	_ =	shalt  }
0x69: {  	_ =	shalt  }
0x6a: {  	_ =	shalt  }
0x6b: {  	_ =	shalt  }
0x6c: {  	_ =	shalt  }
0x6d: {  	_ =	shalt  }
0x6e: {  	_ =	shalt  }
0x6f: {  	_ =	shalt  }
0x70: {  	_ =	shalt  }
0x71: {  	_ =	shalt  }
0x72: {  	_ =	shalt  }
0x73: {  	_ =	shalt  }
0x74: {  	_ =	shalt  }
0x75: {  	_ =	shalt  }
0x76: {  	_ =	shalt  }
0x77: {  	_ =	shalt  }
0x78: {  	_ =	shalt  }
0x79: {  	_ =	shalt  }
0x7a: {  	_ =	shalt  }
0x7b: {  	_ =	shalt  }
0x7c: {  	_ =	shalt  }
0x7d: {  	_ =	shalt  }
0x7e: {  	_ =	shalt  }
0x7f: {  	_ =	shalt  }
0x80: {  	_ =	shalt  }
0x81: {  	_ =	shalt  }
0x82: {  	_ =	shalt  }
0x83: {  	_ =	shalt  }
0x84: {  	_ =	shalt  }
0x85: {  	_ =	shalt  }
0x86: {  	_ =	shalt  }
0x87: {  	_ =	shalt  }
.Lfunc_end0:
.L_simem_size_0:
called_computation.1_lowered:
.L_overlay_start_0:
0x88: {  	s2 =	sld [smem:$0x3FD9]  }
0x89: {  	s3 =	sld [smem:$0x3FFE];
	_ =	sdelay $0x1  }
0x8a: {  	s1 =	srdreg.scid  }
0x8b: {  	s0 =	sand.u32 $0x1, s1  }
0x8c: {  	s16 =	sshll.u32 s0, $0xA;
	s2 =	sadd.s32 s3, s2  }
0x8d: {  	s2 =	sadd.s32 s2, s16  }
0x8e: {  	[smem:$0x3FBD] =	sst s2  }
0x8f: {  	_ = 	snop  }
0x90: {  	(tm) =	ssettm $0x1  }
0x91: {  	s17 =	sld [smem:$0x3FFB];
	_ =	sdelay $0x3  }
0x92: {  	_ =	strace s17  }
0x93: {  	s2 =	sld [smem:$0x3FFC];
	_ =	sdelay $0x3  }
0x94: {  	_ =	strace s2  }
0x95: {  	s2 =	sld [smem:$0x3FFD];
	_ =	sdelay $0x3  }
0x96: {  	_ =	strace s2  }
0x97: {  	_ =	strace $0x8FFFFFFF  }
0x98: {  	s18 =	sld [smem:$0x3FDB];
	_ =	sdelay $0x1  }
0x99: {  	s19 =	simm.s32 $_scs_section_size  }
0x9a: {  	s4 =	simm.s32 $_size__tile_overlayer_lowered;
	s5 =	simm.s32 $_tile_overlayer_lowered  }
0x9b: {  	s22 =	simm.s32 $0x1BFF;
	s21 =	sshll.u32 s5, $0x1;
	s2 =	sadd.s32 s19, s18  }
0x9c: {  	s6 =	simm.s32 $0x0;
	s20 =	sshll.u32 s4, $0x1;
	s4 =	sadd.s32 s21, s2  }
0x9d: {  	[timem:s6], [sflag:s22] =	dma.local [hbm:s4], s20  }
0x9e: {  	_ =	swait.ge [sflag:s22], s20  }
0x9f: {  	s3 =	ssub.s32 $0x0, s20;
	[sflag:s22] =	ssyncset.done $0x0  }
0xa0: {  	[sflag:s22] =	ssyncadd.s32 s3;
	_ =	sdelay $0x1  }
0xa1: {  	s23 =	simm.s32 $0x1B8B  }
0xa2: {  	_ =	swait.ge [sflag:s23], $0x1  }
0xa3: {  	[sflag:s23] =	ssyncset.done $0x0  }
0xa4: {  	s25 =	simm.s32 $0x1B8E;
	s24 =	sld [smem:$0x3FFE];
	[sflag:s23] =	ssyncadd.s32 $0xFFFFFFFF  }
0xa5: {  	s26 =	simm.s32 $execute0_lowered;
	[smem:$0x3FD2] =	sst s25  }
0xa6: {  	s4 =	sshll.u32 s26, $0x1;
	_ =	strace $0x80000049;
	[dreg:$0x1] =	wrdreg $0xFFFFFFFF  }
0xa7: {  	s28 =	simm.s32 $_size_execute0_lowered;
	s2 =	sadd.s32 s2, s4;
	[dreg:$0x0] =	wrdreg $0x0  }
0xa8: {  	s4 =	sshll.u32 s28, $0x1;
	[dreg:$0x2] =	wrdreg s2  }
0xa9: {  	[dreg:$0x3] =	wrdreg s4  }
0xaa: {  	[dreg:$0x4] =	wrdreg $0xC0  }
0xab: {  	_ =	task [dreg:s6], $0x5FFFF  }
0xac: {  	[dreg:$0x1] =	wrdreg $0xFFFFFFFF  }
0xad: {  	[dreg:$0x0] =	wrdreg $0x60  }
0xae: {  	[dreg:$0x2] =	wrdreg s24  }
0xaf: {  	[dreg:$0x3] =	wrdreg $0xC0000  }
0xb0: {  	[dreg:$0x4] =	wrdreg $0x9  }
0xb1: {  	_ =	task.clear_ibuf [dreg:s6], $0x5FFFF;
	_ =	strace $0x90000049  }
0xb2: {  	s29 =	simm.s32 $0x9;
	_ =	strace $0x8000004B  }
0xb3: {  	_ =	swait.ge [sflag:s29], $0x1  }
0xb4: {  	[sflag:s29] =	ssyncadd.s32 $0xFFFFFFFF  }
0xb5: {  	_ =	strace $0x9000004B  }
0xb6: {  	_ =	sfence  }
0xb7: {  	s30 =	sld [smem:$0x0];
	_ =	sdelay $0x2  }
0xb8: {  	s31 =	sshll.u32 s1, $0xD;
	s1 =	sshrl.u32 s1, $0x2  }
0xb9: {  	s3 =	sand.u32 $0x4000, s31;
	s1 =	sadd.s32 s1, s30  }
0xba: {  	s0 =	sor.u32 s3, s0;
	s1 =	sshll.u32 s1, $0x11  }
0xbb: {  	s0 =	sor.u32 s1, s0  }
0xbc: {  	s0 =	sadd.s32 $0x8F2B, s0  }
0xbd: {  	[sflag:s0] =	ssyncadd.remote.s32 $0x1  }
0xbe: {  	_ =	sfence.sel $0xFFFF  }
0xbf: {  	[dreg:$0x0] =	wrdreg $0xFFFFFFFF;
	(pc) =	sbr.abs _section_cstart, $3  }
0xc0: {  	[dreg:$0x1] =	wrdreg $0xFFFFFFFF  }
0xc1: {  	_ =	task.clear_ibuf [dreg:s6], $0x2FFFF;
	_ =	strace $0x9FFFFFFF  }
0xc2: {  	(tm) =	ssettm $0x7FFFFFFF  }
0xc3: {  	_ =	shalt  }
tec
execute0_lowered:
.L_overlay_start_1:
0x0: {  	(tag) =	ssettag $0x1  }
0x1: {  	s0 =	rddreg [dreg:$0x0]  }
0x2: {  	s2 =	rddreg [dreg:$0x1];
	s4 =	simm.s32 $0x0;
	s3 =	stileid.u32  }
0x3: {  	s1 =	srdreg.scid;
	s17 =	simm.s32 $0x1;
	s18 =	simm.s32 $0x40  }
0x4: {  	s19 =	simm.s32 $0x4000;
	s20 =	simm.s32 $0x6000;
	s21 =	simm.s32 $0x8000  }
0x5: {  	s22 =	simm.s32 $0xA000;
	s23 =	simm.s32 $0x2;
	s24 =	simm.s32 $0x4  }
0x6: {  	s25 =	simm.s32 $0x0;
	[smem:$0x7FF] =	sst s4;
	s7 =	smul.u32 $0x13C00, s3  }
0x7: {  	s1 =	sand.u32 $0x1, s1;
	s4 =	sadd.s32 $0x3F200, s0;
	s5 =	sadd.s32 $0x2B200, s0  }
0x8: {  	s6 =	sadd.s32 $0x17200, s0;
	s29 =	smul.u32 $0x4F000, s3;
	s10 =	sshll.u32 s3, $0x1  }
0x9: {  	_ =	strace $0x8000004A;
	s8 =	smul.u32 $0x13C000, s1;
	s11 =	ssub.s32 $0x2, s1  }
0xa: {  	s1 =	sor.u32 s1, s10;
	s9 =	sshrl.u32 s7, $0x3;
	s30 =	sshrl.u32 s11, $0x1  }
0xb: {  	s9 =	sadd.s32 s9, s0;
	s7 =	sadd.s32 s7, s8;
	s8 =	sshrl.u32 s29, $0x2  }
.Ltmp0:
0xc: {  	s31 =	ssub.s32 s11, s30;
	s7 =	sshrl.u32 s7, $0x3;
	(pc) =	sbr.rel .LBB2_1-.Ltmp0, $4  }
0xd: {  	s15 =	sadd.s32 s8, s2;
	s0 =	sadd.s32 s7, s0;
	s7 =	smul.u32 $0x5000, s1  }
0xe: {  	s8 =	sshll.u32 s3, $0x6;
	s9 =	sadd.s32 $0x66400, s9;
	s14 =	smax.u32 s31, $0x1  }
0xf: {  	s10 =	sor.u32 $0x1C02, s8;
	s15 =	sshrl.u32 s15, $0x3;
	s12 =	sshrl.u32 s7, $0x3  }
0x10: {  	s13 =	sadd.s32 $0x8DC00, s0;
	s11 =	sadd.s32 s5, s12;
	s12 =	sadd.s32 s6, s12  }
.LBB2_6:
0x11: {  	s25 =	sadd.s32 $0x1, s25  }
0x12: {  	p0 =	sne.s32 s25, s14  }
.Ltmp1:
0x13: {  	[bflag:$0x0] =	sbarrier.arrive $0xFFFF;
	s0 =	sor.u32 $0x1C04, s8;
	(pc) =	sbr.rel @!p0 .LBB2_7-.Ltmp1, $4  }
0x14: {  	[hbm:s13], [sflag:s0] =	dma.local [spmem:s15], $0x2780  }
0x15: {  	_ =	swait.ge [sflag:s24], $0x2780  }
0x16: {  	[sflag:s24] =	ssyncset.done $0x0  }
0x17: {  	[sflag:s24] =	ssyncadd.s32 $0xFFFFD880  }
.LBB2_1:
0x18: {  	[spmem:s15], [sflag:s10] =	dma.local [hbm:s9], $0x2780  }
0x19: {  	s0 =	simm.s32 $0x0  }
0x1a: {  	[tilespmem:s0], [sflag:$0x4] =	stream.linear.gather [hbm4b:s11+s0], $0x1000, $0x38;
	[tilespmem:$0x1FC00] =	vst v63  }
0x1b: {  	_ =	swait.ge [sflag:s24], $0x1000  }
0x1c: {  	[sflag:s24] =	ssyncset.done $0x0  }
0x1d: {  	s1 =	simm.s32 $0x2000;
	[sflag:s24] =	ssyncadd.s32 $0xFFFFF000  }
0x1e: {  	[tilespmem:s1], [sflag:$0x4] =	stream.linear.gather [hbm4b:s12+s0], $0x1000, $0x38;
	[tilespmem:$0x1FC00] =	vst v63  }
0x1f: {  	p0 =	por $0x0, $0x0;
	s26 =	simm.s32 $0x0;
	s0 =	simm.s32 $0x4  }
.LBB2_2:
0x20: {  	s1 =	smov.u32 s26  }
0x21: {  	s26 =	sadd.s32 $0x1, s26;
	p1 =	seq.s32 s1, $0x4  }
0x22: {  	_ =	swait.ge [sflag:s0], $0x1000;
	s16 =	sshll.u32 @!p1 s26, $0xC  }
0x23: {  	[sflag:s0] =	ssyncset.done $0x0;
	s28 =	sadd.s32 @!p1 s7, s16  }
0x24: {  	[sflag:s0] =	ssyncadd.s32 $0xFFFFF000;
	s0 =	sshrl.u32 @!p1 s28, $0x3  }
0x25: {  	s29 =	simm.s32 @!p1 $0x0;
	s16 =	sand.u32 @!p1 $0x1000, s16;
	s28 =	sadd.s32 @!p1 s5, s0  }
0x26: {  	[tilespmem:s16], [sflag:$0x3] =	stream.linear.gather @!p1 [hbm4b:s28+s29], $0x1000, $0x38;
	[tilespmem:$0x1FC00] =	vst v63  }
0x27: {  	s0 =	sadd.s32 @!p1 s6, s0;
	s16 =	sor.u32 @!p1 $0x2000, s16  }
0x28: {  	[tilespmem:s16], [sflag:$0x3] =	stream.linear.gather @!p1 [hbm4b:s0+s29], $0x1000, $0x38;
	[tilespmem:$0x1FC00] =	vst v63  }
0x29: {  	s16 =	sshll.u32 s1, $0xC  }
0x2a: {  	s0 =	sand.u32 $0x1000, s16  }
0x2b: {  	[tilespmem:s19], [sflag:$0x1] =	stream.indirect.gather [hbm4b:s4+s18], $0x80, s0, s18, $0xb8;
	[tilespmem:$0x1FC00] =	vst v63  }
0x2c: {  	p2 =	sne.s32 s1, $0x0;
	s3 =	sor.u32 $0x80, s0  }
0x2d: {  	[tilespmem:s20], [sflag:$0x1] =	stream.indirect.gather [hbm4b:s4+s18], $0x80, s3, s18, $0xb8;
	[tilespmem:$0x1FC00] =	vst v63  }
0x2e: {  	s1 =	simm.s32 @!p2 $0x2;
	s3 =	sor.u32 $0x100, s0  }
0x2f: {  	[tilespmem:s21], [sflag:$0x1] =	stream.indirect.gather [hbm4b:s4+s18], $0x80, s3, s18, $0xb8;
	[tilespmem:$0x1FC00] =	vst v63  }
0x30: {  	_ =	swait.ge @!p2 [sflag:s1], $0x2780  }
0x31: {  	[sflag:s1] =	ssyncset.done @!p2 $0x0  }
0x32: {  	[sflag:s1] =	ssyncadd.s32 @!p2 $0xFFFFD880  }
0x33: {  	s3 =	simm.s32 $0x1;
	[bflag:$0x0] =	sbarrier.arrive @!p2 $0xFFFF  }
0x34: {  	s16 =	simm.s32 $0x1;
	_ =	swait.ge [sflag:s3], $0x2000  }
0x35: {  	s16 =	simm.s32 @!p0 $0x0;
	[sflag:s3] =	ssyncset.done $0x0  }
0x36: {  	s28 =	sor.u32 $0x2000, s0;
	s16 =	sshll.u32 s16, $0xC;
	[sflag:s3] =	ssyncadd.s32 $0xFFFFE000  }
0x37: {  	[spmem:s2] =	stream.indirect.scatter.add.f32 [tilespmem:s19], [sflag:$0x2], $0x80, s28, s18, $0xb8;
	[tilespmem:$0x1FC00] =	vst v63  }
0x38: {  	s29 =	simm.s32 $0x2;
	s0 =	sadd.s32 $0x180, s0;
	s1 =	sor.u32 $0x2080, s16  }
0x39: {  	[tilespmem:s22], [sflag:$0x1] =	stream.indirect.gather [hbm4b:s4+s18], $0x80, s0, s18, $0xb8;
	[tilespmem:$0x1FC00] =	vst v63  }
0x3a: {  	s30 =	sadd.s32 $0x80, s1;
	s3 =	simm.s32 $0x2000;
	_ =	swait.ge [sflag:s17], $0x2000  }
0x3b: {  	s28 =	sor.u32 $0x200, s16;
	s16 =	sand.u32 $0x6000, s3;
	[sflag:s17] =	ssyncset.done $0x0  }
0x3c: {  	p2 =	por $0x0, $0x0;
	s16 =	sadd.s32 $0x4000, s16;
	[sflag:s17] =	ssyncadd.s32 $0xFFFFE000  }
0x3d: {  	[spmem:s2] =	stream.indirect.scatter.add.f32 [tilespmem:s16], [sflag:$0x2], $0x80, s1, s18, $0xb8;
	[tilespmem:$0x1FC00] =	vst v63  }
0x3e: {  	s31 =	sadd.s32 $0x80, s28;
	s0 =	simm.s32 $0x8000;
	_ =	swait.ge [sflag:s23], $0x2000  }
0x3f: {  	s1 =	sand.u32 @!p2 $0x6000, s0;
	s0 =	simm.s32 $0xA000;
	[sflag:s23] =	ssyncset.done $0x0  }
0x40: {  	s16 =	simm.s32 @!p2 $0x40;
	s1 =	sadd.s32 @!p2 $0x4000, s1;
	[sflag:s23] =	ssyncadd.s32 $0xFFFFE000  }
.LBB2_3:
0x41: {  	[tilespmem:s1], [sflag:$0x1] =	stream.indirect.gather @!p2 [hbm4b:s4+s16], $0x80, s28, s16, $0xb8;
	[tilespmem:$0x1FC00] =	vst v63  }
0x42: {  	s1 =	smov.u32 s29;
	s16 =	smov.u32 s30;
	s28 =	smov.u32 s31  }
0x43: {  	s29 =	sadd.s32 $0x1, s29  }
0x44: {  	s3 =	sadd.s32 $0xFFFFA000, s0;
	p3 =	sne.s32 s29, $0x20;
	_ =	swait.ge [sflag:s17], $0x2000  }
0x45: {  	s30 =	sadd.s32 $0x80, s30;
	s3 =	sand.u32 $0x6000, s3;
	[sflag:s17] =	ssyncset.done $0x0  }
.Ltmp2:
0x46: {  	s3 =	sadd.s32 $0x4000, s3;
	[sflag:s17] =	ssyncadd.s32 $0xFFFFE000;
	(pc) =	sbr.rel @p3 .LBB2_3-.Ltmp2, $4  }
0x47: {  	[spmem:s2] =	stream.indirect.scatter.add.f32 [tilespmem:s3], [sflag:$0x2], $0x80, s16, s18, $0xb8;
	[tilespmem:$0x1FC00] =	vst v63  }
0x48: {  	s31 =	sadd.s32 $0x80, s31;
	p2 =	sgt.u32 s1, $0x1C;
	_ =	swait.ge [sflag:s23], $0x2000  }
0x49: {  	s1 =	sand.u32 @!p2 $0x6000, s0;
	s0 =	sadd.s32 $0x2000, s0;
	[sflag:s23] =	ssyncset.done $0x0  }
0x4a: {  	s1 =	sadd.s32 @!p2 $0x4000, s1;
	s16 =	simm.s32 @!p2 $0x40;
	[sflag:s23] =	ssyncadd.s32 $0xFFFFE000  }
.Ltmp3:
0x4b: {  	(pc) =	sbr.rel @p1 .LBB2_6-.Ltmp3, $4  }
0x4c: {  	[tilespmem:s1], [sflag:$0x1] =	stream.indirect.gather @!p2 [hbm4b:s4+s16], $0x80, s28, s16, $0xb8;
	[tilespmem:$0x1FC00] =	vst v63  }
0x4d: {  	_ =	swait.ge [sflag:s23], $0x2000  }
0x4e: {  	[sflag:s23] =	ssyncset.done $0x0  }
0x4f: {  	[sflag:s23] =	ssyncadd.s32 $0xFFFFE000  }
.Ltmp4:
0x50: {  	(pc) =	sbr.rel .LBB2_2-.Ltmp4, $4  }
0x51: {  	s0 =	simm.s32 $0x3  }
0x52: {  	_ =	swait.ge [sflag:s0], $0x1000  }
0x53: {  	[sflag:s0] =	ssyncset.done $0x0  }
0x54: {  	p0 =	por !p0, !p0;
	[sflag:s0] =	ssyncadd.s32 $0xFFFFF000  }
.LBB2_7:
0x55: {  	_ =	sfence.sel $0x180000  }
0x56: {  	[bflag:$0x0] =	sbarrier.arrive $0xFFFF  }
0x57: {  	_ =	strace $0x9000004A  }
0x58: {  	s0 =	stileid.u32;
	[bflag:$0x2] =	sbarrier.arrive $0xFFFF  }
0x59: {  	p0 =	sne.s32 s0, $0x0;
	s0 =	rddreg [dreg:$0x2]  }
0x5a: {  	s0 =	sadd.s32 @!p0 $0x100000, s0  }
0x5b: {  	[sflag:s0] =	ssyncadd.tile.s32 @!p0 $0x1;
	_ =	shalt  }
.Lfunc_end2:
_tile_overlayer_lowered:
.L_overlay_start_2:
0x5c: {  	(tag) =	ssettag $0x2  }
0x5d: {  	s0 =	rddreg [dreg:$0x0];
	s2 =	stileid.u32  }
0x5e: {  	s1 =	rddreg [dreg:$0x1];
	p0 =	sne.s32 s2, $0x0  }
0x5f: {  	s3 =	rddreg [dreg:$0x2];
	[bflag:$0x3] =	sbarrier.arrive $0xFFFF;
	s2 =	simm.s32 @!p0 $0x1C04  }
0x60: {  	[timem:s3], [sflag:s2] =	dma.local @!p0 [hbm:s0], s1  }
0x61: {  	s0 =	simm.s32 @!p0 $0x4  }
0x62: {  	_ =	swait.ge @!p0 [sflag:s0], s1  }
0x63: {  	s1 =	ssub.s32 @!p0 $0x0, s1;
	[sflag:s0] =	ssyncset.done @!p0 $0x0  }
0x64: {  	[sflag:s0] =	ssyncadd.s32 @!p0 s1  }
0x65: {  	[bflag:$0x3] =	sbarrier.arrive $0xFFFF  }
0x66: {  	_ =	shalt  }

// kernel: kernel.16.cloned.1.call-start
scs
__scs_entry_jumppad:
0x0: {  	(pc) =	sbr.rel $0x88, $3  }
0x1: {  	(tag) =	ssettag $0x0;
	lr =	simm.s32 $0x1  }
0x2: {  	[smem:$0x3F96] =	sst lr;
	_ =	strace $0xD0000000  }
0x3: {  	_ = 	snop  }
0x4: {  	_ = 	snop  }
0x5: {  	_ = 	snop  }
0x6: {  	_ = 	snop  }
0x7: {  	_ = 	snop  }
__scs_overlays_trampoline_lowered:
0x8: {  	[smem:$0x3FA5] =	sst s0  }
0x9: {  	[smem:$0x3FA6] =	sst s1  }
0xa: {  	[smem:$0x3FA7] =	sst s2  }
0xb: {  	[smem:$0x3FA8] =	sst s3  }
0xc: {  	[smem:$0x3FA9] =	sst s4  }
0xd: {  	[smem:$0x3FAA] =	sst s5  }
0xe: {  	[smem:$0x3FAB] =	sst s6  }
0xf: {  	[smem:$0x3FAC] =	sst s7  }
0x10: {  	[smem:$0x3FAD] =	sst s8  }
0x11: {  	[smem:$0x3FAE] =	sst s9;
	s0 =	simm.s32 @!p0 $0x0  }
0x12: {  	s1 =	sld [smem:$0x3F94];
	s0 =	simm.s32 @p0 $0x1  }
0x13: {  	[smem:$0x3FAF] =	sst s0;
	s0 =	simm.s32 @!p1 $0x0  }
0x14: {  	s2 =	sld [smem:$0x3F93];
	s0 =	simm.s32 @p1 $0x1  }
0x15: {  	[smem:$0x3FB0] =	sst s0;
	s0 =	simm.s32 @!p2 $0x0  }
0x16: {  	s3 =	sld [smem:$0x3FDB];
	s0 =	simm.s32 @p2 $0x1  }
0x17: {  	s4 =	simm.s32 $0x1BF5;
	[smem:$0x3FB2] =	sst s0  }
0x18: {  	s0 =	sld [smem:$0x3F95];
	_ =	swait.ge [sflag:s4], $0x0  }
0x19: {  	s7 =	sld [smem:$0x3F96]  }
0x1a: {  	s8 =	sadd.s32 $0xFFFFE003, lr  }
0x1b: {  	s9 =	sadd.s32 $0xFFFFFEF7, lr;
	s5 =	simm.s32 $0xFFFFFFFF;
	p2 =	slt.u32 s8, $0xFFFFF086  }
0x1c: {  	p1 =	slt.u32 s9, $0xF7A;
	s5 =	simm.s32 @!p2 $0x0  }
0x1d: {  	s5 =	simm.s32 @p1 $0x1;
	p0 =	seq.s32 s7, s2  }
0x1e: {  	s7 =	smul.u32 @!p0 $0xF7A, s2;
	p2 =	seq.s32 @!p0 s5, $0x0  }
0x1f: {  	s9 =	smul.u32 $0xF7A, s1;
	s8 =	simm.s32 @!p0 $0x1BF5;
	p2 =	por !p2, p0  }
0x20: {  	[sflag:s8] =	ssyncset.s32 @!p0 $0xFFFFF086;
	s6 =	sadd.s32 @!p0 s3, s7;
	s7 =	simm.s32 @!p0 $0x108  }
0x21: {  	s3 =	sadd.s32 s3, s9;
	s6 =	sadd.s32 @!p0 $0x88, s6;
	s7 =	simm.s32 @p2 $0x1082  }
0x22: {  	[simem:s7], [sflag:s8] =	dma.local @!p0 [hbm:s6], $0xF7A  }
0x23: {  	s9 =	sor.u32 $0xD0000000, s2;
	s6 =	simm.s32 $0x108;
	_ =	swait.ge @!p0 [sflag:s8], $0x0  }
0x24: {  	s3 =	sadd.s32 $0x88, s3;
	s6 =	simm.s32 @!p1 $0x1082;
	[sflag:s4] =	ssyncset.s32 $0xFFFFF086  }
0x25: {  	[simem:s6], [sflag:s4] =	dma.local [hbm:s3], $0xF7A  }
0x26: {  	[smem:$0x3F96] =	sst s1;
	(tag) =	ssettag s2;
	_ =	strace s9  }
0x27: {  	s1 =	sld [smem:$0x3FA6]  }
0x28: {  	s2 =	sld [smem:$0x3FA7]  }
0x29: {  	s4 =	sld [smem:$0x3FA9]  }
0x2a: {  	p0 =	seq.s32 s5, $0x0;
	s5 =	sld [smem:$0x3FAA]  }
0x2b: {  	s6 =	sld [smem:$0x3FAB]  }
0x2c: {  	s7 =	sld [smem:$0x3FAC]  }
0x2d: {  	s3 =	simm.s32 $0x108;
	s8 =	sld [smem:$0x3FAD]  }
0x2e: {  	s3 =	simm.s32 @!p0 $0x1082;
	s9 =	sld [smem:$0x3FAE]  }
0x2f: {  	lr =	sadd.s32 s0, s3;
	s0 =	sld [smem:$0x3FA5]  }
0x30: {  	s3 =	sld [smem:$0x3FA8]  }
0x31: {  	[smem:$0x3FB1] =	sst s10  }
0x32: {  	s10 =	sld [smem:$0x3FAF];
	_ =	sdelay $0x3  }
0x33: {  	p0 =	seq.s32 s10, $0x1;
	s10 =	sld [smem:$0x3FB1];
	_ =	sdelay $0x3  }
0x34: {  	[smem:$0x3FB1] =	sst s10  }
0x35: {  	s10 =	sld [smem:$0x3FB0];
	_ =	sdelay $0x3  }
0x36: {  	p1 =	seq.s32 s10, $0x1;
	s10 =	sld [smem:$0x3FB1];
	_ =	sdelay $0x3  }
0x37: {  	[smem:$0x3FB1] =	sst s10  }
0x38: {  	s10 =	sld [smem:$0x3FB2]  }
0x39: {  	_ = 	snop;
	(pc) =	sbr.ind lr, $3  }
0x3a: {  	_ = 	snop  }
0x3b: {  	_ = 	snop  }
0x3c: {  	p2 =	seq.s32 s10, $0x1;
	s10 =	sld [smem:$0x3FB1]  }
0x3d: {  	_ =	shalt  }
0x3e: {  	_ =	shalt  }
0x3f: {  	_ =	shalt  }
0x40: {  	_ =	shalt  }
0x41: {  	_ =	shalt  }
0x42: {  	_ =	shalt  }
0x43: {  	_ =	shalt  }
0x44: {  	_ =	shalt  }
0x45: {  	_ =	shalt  }
0x46: {  	_ =	shalt  }
0x47: {  	_ =	shalt  }
0x48: {  	_ =	shalt  }
0x49: {  	_ =	shalt  }
0x4a: {  	_ =	shalt  }
0x4b: {  	_ =	shalt  }
0x4c: {  	_ =	shalt  }
0x4d: {  	_ =	shalt  }
0x4e: {  	_ =	shalt  }
0x4f: {  	_ =	shalt  }
0x50: {  	_ =	shalt  }
0x51: {  	_ =	shalt  }
0x52: {  	_ =	shalt  }
0x53: {  	_ =	shalt  }
0x54: {  	_ =	shalt  }
0x55: {  	_ =	shalt  }
0x56: {  	_ =	shalt  }
0x57: {  	_ =	shalt  }
0x58: {  	_ =	shalt  }
0x59: {  	_ =	shalt  }
0x5a: {  	_ =	shalt  }
0x5b: {  	_ =	shalt  }
0x5c: {  	_ =	shalt  }
0x5d: {  	_ =	shalt  }
0x5e: {  	_ =	shalt  }
0x5f: {  	_ =	shalt  }
0x60: {  	_ =	shalt  }
0x61: {  	_ =	shalt  }
0x62: {  	_ =	shalt  }
0x63: {  	_ =	shalt  }
0x64: {  	_ =	shalt  }
0x65: {  	_ =	shalt  }
0x66: {  	_ =	shalt  }
0x67: {  	_ =	shalt  }
0x68: {  	_ =	shalt  }
0x69: {  	_ =	shalt  }
0x6a: {  	_ =	shalt  }
0x6b: {  	_ =	shalt  }
0x6c: {  	_ =	shalt  }
0x6d: {  	_ =	shalt  }
0x6e: {  	_ =	shalt  }
0x6f: {  	_ =	shalt  }
0x70: {  	_ =	shalt  }
0x71: {  	_ =	shalt  }
0x72: {  	_ =	shalt  }
0x73: {  	_ =	shalt  }
0x74: {  	_ =	shalt  }
0x75: {  	_ =	shalt  }
0x76: {  	_ =	shalt  }
0x77: {  	_ =	shalt  }
0x78: {  	_ =	shalt  }
0x79: {  	_ =	shalt  }
0x7a: {  	_ =	shalt  }
0x7b: {  	_ =	shalt  }
0x7c: {  	_ =	shalt  }
0x7d: {  	_ =	shalt  }
0x7e: {  	_ =	shalt  }
0x7f: {  	_ =	shalt  }
0x80: {  	_ =	shalt  }
0x81: {  	_ =	shalt  }
0x82: {  	_ =	shalt  }
0x83: {  	_ =	shalt  }
0x84: {  	_ =	shalt  }
0x85: {  	_ =	shalt  }
0x86: {  	_ =	shalt  }
0x87: {  	_ =	shalt  }
.Lfunc_end0:
.L_simem_size_0:
called_computation.2_lowered:
.L_overlay_start_0:
0x88: {  	s2 =	sld [smem:$0x3FD9]  }
0x89: {  	s3 =	sld [smem:$0x3FFE];
	_ =	sdelay $0x1  }
0x8a: {  	s1 =	srdreg.scid  }
0x8b: {  	s0 =	sand.u32 $0x1, s1  }
0x8c: {  	s16 =	sshll.u32 s0, $0xA;
	s2 =	sadd.s32 s3, s2  }
0x8d: {  	s2 =	sadd.s32 s2, s16  }
0x8e: {  	[smem:$0x3FBD] =	sst s2  }
0x8f: {  	_ = 	snop  }
0x90: {  	(tm) =	ssettm $0x1  }
0x91: {  	s17 =	sld [smem:$0x3FFB];
	_ =	sdelay $0x3  }
0x92: {  	_ =	strace s17  }
0x93: {  	s2 =	sld [smem:$0x3FFC];
	_ =	sdelay $0x3  }
0x94: {  	_ =	strace s2  }
0x95: {  	s2 =	sld [smem:$0x3FFD];
	_ =	sdelay $0x3  }
0x96: {  	_ =	strace s2  }
0x97: {  	_ =	strace $0x8FFFFFFF  }
0x98: {  	s18 =	sld [smem:$0x3FDB];
	_ =	sdelay $0x1  }
0x99: {  	s19 =	simm.s32 $_scs_section_size  }
0x9a: {  	s4 =	simm.s32 $_size__tile_overlayer_lowered;
	s5 =	simm.s32 $_tile_overlayer_lowered  }
0x9b: {  	s22 =	simm.s32 $0x1BFF;
	s21 =	sshll.u32 s5, $0x1;
	s2 =	sadd.s32 s19, s18  }
0x9c: {  	s6 =	simm.s32 $0x0;
	s20 =	sshll.u32 s4, $0x1;
	s4 =	sadd.s32 s21, s2  }
0x9d: {  	[timem:s6], [sflag:s22] =	dma.local [hbm:s4], s20  }
0x9e: {  	_ =	swait.ge [sflag:s22], s20  }
0x9f: {  	s3 =	ssub.s32 $0x0, s20;
	[sflag:s22] =	ssyncset.done $0x0  }
0xa0: {  	[sflag:s22] =	ssyncadd.s32 s3;
	_ =	sdelay $0x1  }
0xa1: {  	s23 =	simm.s32 $0x1B8B  }
0xa2: {  	_ =	swait.ge [sflag:s23], $0x1  }
0xa3: {  	[sflag:s23] =	ssyncset.done $0x0  }
0xa4: {  	s25 =	simm.s32 $0x1B8E;
	s24 =	sld [smem:$0x3FFE];
	[sflag:s23] =	ssyncadd.s32 $0xFFFFFFFF  }
0xa5: {  	s26 =	simm.s32 $execute0_lowered;
	[smem:$0x3FD2] =	sst s25  }
0xa6: {  	s4 =	sshll.u32 s26, $0x1;
	_ =	strace $0x8000004C;
	[dreg:$0x1] =	wrdreg $0xFFFFFFFF  }
0xa7: {  	s28 =	simm.s32 $_size_execute0_lowered;
	s2 =	sadd.s32 s2, s4;
	[dreg:$0x0] =	wrdreg $0x0  }
0xa8: {  	s4 =	sshll.u32 s28, $0x1;
	[dreg:$0x2] =	wrdreg s2  }
0xa9: {  	[dreg:$0x3] =	wrdreg s4  }
0xaa: {  	[dreg:$0x4] =	wrdreg $0xC0  }
0xab: {  	_ =	task [dreg:s6], $0x5FFFF  }
0xac: {  	[dreg:$0x1] =	wrdreg $0xFFFFFFFF  }
0xad: {  	[dreg:$0x0] =	wrdreg $0x60  }
0xae: {  	[dreg:$0x2] =	wrdreg s24  }
0xaf: {  	[dreg:$0x3] =	wrdreg $0xC0000  }
0xb0: {  	[dreg:$0x4] =	wrdreg $0x9  }
0xb1: {  	_ =	task.clear_ibuf [dreg:s6], $0x5FFFF;
	_ =	strace $0x9000004C  }
0xb2: {  	s29 =	simm.s32 $0x9;
	_ =	strace $0x8000004E  }
0xb3: {  	_ =	swait.ge [sflag:s29], $0x1  }
0xb4: {  	[sflag:s29] =	ssyncadd.s32 $0xFFFFFFFF  }
0xb5: {  	_ =	strace $0x9000004E  }
0xb6: {  	_ =	sfence  }
0xb7: {  	s30 =	sld [smem:$0x0];
	_ =	sdelay $0x2  }
0xb8: {  	s31 =	sshll.u32 s1, $0xD;
	s1 =	sshrl.u32 s1, $0x2  }
0xb9: {  	s3 =	sand.u32 $0x4000, s31;
	s1 =	sadd.s32 s1, s30  }
0xba: {  	s0 =	sor.u32 s3, s0;
	s1 =	sshll.u32 s1, $0x11  }
0xbb: {  	s0 =	sor.u32 s1, s0  }
0xbc: {  	s0 =	sadd.s32 $0x8F2B, s0  }
0xbd: {  	[sflag:s0] =	ssyncadd.remote.s32 $0x1  }
0xbe: {  	_ =	sfence.sel $0xFFFF  }
0xbf: {  	[dreg:$0x0] =	wrdreg $0xFFFFFFFF;
	(pc) =	sbr.abs _section_cstart, $3  }
0xc0: {  	[dreg:$0x1] =	wrdreg $0xFFFFFFFF  }
0xc1: {  	_ =	task.clear_ibuf [dreg:s6], $0x2FFFF;
	_ =	strace $0x9FFFFFFF  }
0xc2: {  	(tm) =	ssettm $0x7FFFFFFF  }
0xc3: {  	_ =	shalt  }
tec
execute0_lowered:
.L_overlay_start_1:
0x0: {  	(tag) =	ssettag $0x1  }
0x1: {  	s0 =	rddreg [dreg:$0x0]  }
0x2: {  	s2 =	rddreg [dreg:$0x1];
	s4 =	simm.s32 $0x0;
	s3 =	stileid.u32  }
0x3: {  	s1 =	srdreg.scid;
	s17 =	simm.s32 $0x1;
	s18 =	simm.s32 $0x40  }
0x4: {  	s19 =	simm.s32 $0x4000;
	s20 =	simm.s32 $0x6000;
	s21 =	simm.s32 $0x8000  }
0x5: {  	s22 =	simm.s32 $0xA000;
	s23 =	simm.s32 $0x2;
	s24 =	simm.s32 $0x4  }
0x6: {  	s25 =	simm.s32 $0x0;
	[smem:$0x7FF] =	sst s4;
	s7 =	smul.u32 $0x13C00, s3  }
0x7: {  	s1 =	sand.u32 $0x1, s1;
	s4 =	sadd.s32 $0x3F200, s0;
	s5 =	sadd.s32 $0x2B200, s0  }
0x8: {  	s6 =	sadd.s32 $0x17200, s0;
	s29 =	smul.u32 $0x4F000, s3;
	s10 =	sshll.u32 s3, $0x1  }
0x9: {  	_ =	strace $0x8000004D;
	s8 =	smul.u32 $0x13C000, s1;
	s11 =	ssub.s32 $0x2, s1  }
0xa: {  	s1 =	sor.u32 s1, s10;
	s9 =	sshrl.u32 s7, $0x3;
	s30 =	sshrl.u32 s11, $0x1  }
0xb: {  	s9 =	sadd.s32 s9, s0;
	s7 =	sadd.s32 s7, s8;
	s8 =	sshrl.u32 s29, $0x2  }
.Ltmp0:
0xc: {  	s31 =	ssub.s32 s11, s30;
	s7 =	sshrl.u32 s7, $0x3;
	(pc) =	sbr.rel .LBB2_1-.Ltmp0, $4  }
0xd: {  	s15 =	sadd.s32 s8, s2;
	s0 =	sadd.s32 s7, s0;
	s7 =	smul.u32 $0x5000, s1  }
0xe: {  	s8 =	sshll.u32 s3, $0x6;
	s9 =	sadd.s32 $0x66400, s9;
	s14 =	smax.u32 s31, $0x1  }
0xf: {  	s10 =	sor.u32 $0x1C02, s8;
	s15 =	sshrl.u32 s15, $0x3;
	s12 =	sshrl.u32 s7, $0x3  }
0x10: {  	s13 =	sadd.s32 $0x8DC00, s0;
	s11 =	sadd.s32 s5, s12;
	s12 =	sadd.s32 s6, s12  }
.LBB2_6:
0x11: {  	s25 =	sadd.s32 $0x1, s25  }
0x12: {  	p0 =	sne.s32 s25, s14  }
.Ltmp1:
0x13: {  	[bflag:$0x0] =	sbarrier.arrive $0xFFFF;
	s0 =	sor.u32 $0x1C04, s8;
	(pc) =	sbr.rel @!p0 .LBB2_7-.Ltmp1, $4  }
0x14: {  	[hbm:s13], [sflag:s0] =	dma.local [spmem:s15], $0x2780  }
0x15: {  	_ =	swait.ge [sflag:s24], $0x2780  }
0x16: {  	[sflag:s24] =	ssyncset.done $0x0  }
0x17: {  	[sflag:s24] =	ssyncadd.s32 $0xFFFFD880  }
.LBB2_1:
0x18: {  	[spmem:s15], [sflag:s10] =	dma.local [hbm:s9], $0x2780  }
0x19: {  	s0 =	simm.s32 $0x0  }
0x1a: {  	[tilespmem:s0], [sflag:$0x4] =	stream.linear.gather [hbm4b:s11+s0], $0x1000, $0x38;
	[tilespmem:$0x1FC00] =	vst v63  }
0x1b: {  	_ =	swait.ge [sflag:s24], $0x1000  }
0x1c: {  	[sflag:s24] =	ssyncset.done $0x0  }
0x1d: {  	s1 =	simm.s32 $0x2000;
	[sflag:s24] =	ssyncadd.s32 $0xFFFFF000  }
0x1e: {  	[tilespmem:s1], [sflag:$0x4] =	stream.linear.gather [hbm4b:s12+s0], $0x1000, $0x38;
	[tilespmem:$0x1FC00] =	vst v63  }
0x1f: {  	p0 =	por $0x0, $0x0;
	s26 =	simm.s32 $0x0;
	s0 =	simm.s32 $0x4  }
.LBB2_2:
0x20: {  	s1 =	smov.u32 s26  }
0x21: {  	s26 =	sadd.s32 $0x1, s26;
	p1 =	seq.s32 s1, $0x4  }
0x22: {  	_ =	swait.ge [sflag:s0], $0x1000;
	s16 =	sshll.u32 @!p1 s26, $0xC  }
0x23: {  	[sflag:s0] =	ssyncset.done $0x0;
	s28 =	sadd.s32 @!p1 s7, s16  }
0x24: {  	[sflag:s0] =	ssyncadd.s32 $0xFFFFF000;
	s0 =	sshrl.u32 @!p1 s28, $0x3  }
0x25: {  	s29 =	simm.s32 @!p1 $0x0;
	s16 =	sand.u32 @!p1 $0x1000, s16;
	s28 =	sadd.s32 @!p1 s5, s0  }
0x26: {  	[tilespmem:s16], [sflag:$0x3] =	stream.linear.gather @!p1 [hbm4b:s28+s29], $0x1000, $0x38;
	[tilespmem:$0x1FC00] =	vst v63  }
0x27: {  	s0 =	sadd.s32 @!p1 s6, s0;
	s16 =	sor.u32 @!p1 $0x2000, s16  }
0x28: {  	[tilespmem:s16], [sflag:$0x3] =	stream.linear.gather @!p1 [hbm4b:s0+s29], $0x1000, $0x38;
	[tilespmem:$0x1FC00] =	vst v63  }
0x29: {  	s16 =	sshll.u32 s1, $0xC  }
0x2a: {  	s0 =	sand.u32 $0x1000, s16  }
0x2b: {  	[tilespmem:s19], [sflag:$0x1] =	stream.indirect.gather [hbm4b:s4+s18], $0x80, s0, s18, $0xb8;
	[tilespmem:$0x1FC00] =	vst v63  }
0x2c: {  	p2 =	sne.s32 s1, $0x0;
	s3 =	sor.u32 $0x80, s0  }
0x2d: {  	[tilespmem:s20], [sflag:$0x1] =	stream.indirect.gather [hbm4b:s4+s18], $0x80, s3, s18, $0xb8;
	[tilespmem:$0x1FC00] =	vst v63  }
0x2e: {  	s1 =	simm.s32 @!p2 $0x2;
	s3 =	sor.u32 $0x100, s0  }
0x2f: {  	[tilespmem:s21], [sflag:$0x1] =	stream.indirect.gather [hbm4b:s4+s18], $0x80, s3, s18, $0xb8;
	[tilespmem:$0x1FC00] =	vst v63  }
0x30: {  	_ =	swait.ge @!p2 [sflag:s1], $0x2780  }
0x31: {  	[sflag:s1] =	ssyncset.done @!p2 $0x0  }
0x32: {  	[sflag:s1] =	ssyncadd.s32 @!p2 $0xFFFFD880  }
0x33: {  	s3 =	simm.s32 $0x1;
	[bflag:$0x0] =	sbarrier.arrive @!p2 $0xFFFF  }
0x34: {  	s16 =	simm.s32 $0x1;
	_ =	swait.ge [sflag:s3], $0x2000  }
0x35: {  	s16 =	simm.s32 @!p0 $0x0;
	[sflag:s3] =	ssyncset.done $0x0  }
0x36: {  	s28 =	sor.u32 $0x2000, s0;
	s16 =	sshll.u32 s16, $0xC;
	[sflag:s3] =	ssyncadd.s32 $0xFFFFE000  }
0x37: {  	[spmem:s2] =	stream.indirect.scatter.add.f32 [tilespmem:s19], [sflag:$0x2], $0x80, s28, s18, $0xb8;
	[tilespmem:$0x1FC00] =	vst v63  }
0x38: {  	s29 =	simm.s32 $0x2;
	s0 =	sadd.s32 $0x180, s0;
	s1 =	sor.u32 $0x2080, s16  }
0x39: {  	[tilespmem:s22], [sflag:$0x1] =	stream.indirect.gather [hbm4b:s4+s18], $0x80, s0, s18, $0xb8;
	[tilespmem:$0x1FC00] =	vst v63  }
0x3a: {  	s30 =	sadd.s32 $0x80, s1;
	s3 =	simm.s32 $0x2000;
	_ =	swait.ge [sflag:s17], $0x2000  }
0x3b: {  	s28 =	sor.u32 $0x200, s16;
	s16 =	sand.u32 $0x6000, s3;
	[sflag:s17] =	ssyncset.done $0x0  }
0x3c: {  	p2 =	por $0x0, $0x0;
	s16 =	sadd.s32 $0x4000, s16;
	[sflag:s17] =	ssyncadd.s32 $0xFFFFE000  }
0x3d: {  	[spmem:s2] =	stream.indirect.scatter.add.f32 [tilespmem:s16], [sflag:$0x2], $0x80, s1, s18, $0xb8;
	[tilespmem:$0x1FC00] =	vst v63  }
0x3e: {  	s31 =	sadd.s32 $0x80, s28;
	s0 =	simm.s32 $0x8000;
	_ =	swait.ge [sflag:s23], $0x2000  }
0x3f: {  	s1 =	sand.u32 @!p2 $0x6000, s0;
	s0 =	simm.s32 $0xA000;
	[sflag:s23] =	ssyncset.done $0x0  }
0x40: {  	s16 =	simm.s32 @!p2 $0x40;
	s1 =	sadd.s32 @!p2 $0x4000, s1;
	[sflag:s23] =	ssyncadd.s32 $0xFFFFE000  }
.LBB2_3:
0x41: {  	[tilespmem:s1], [sflag:$0x1] =	stream.indirect.gather @!p2 [hbm4b:s4+s16], $0x80, s28, s16, $0xb8;
	[tilespmem:$0x1FC00] =	vst v63  }
0x42: {  	s1 =	smov.u32 s29;
	s16 =	smov.u32 s30;
	s28 =	smov.u32 s31  }
0x43: {  	s29 =	sadd.s32 $0x1, s29  }
0x44: {  	s3 =	sadd.s32 $0xFFFFA000, s0;
	p3 =	sne.s32 s29, $0x20;
	_ =	swait.ge [sflag:s17], $0x2000  }
0x45: {  	s30 =	sadd.s32 $0x80, s30;
	s3 =	sand.u32 $0x6000, s3;
	[sflag:s17] =	ssyncset.done $0x0  }
.Ltmp2:
0x46: {  	s3 =	sadd.s32 $0x4000, s3;
	[sflag:s17] =	ssyncadd.s32 $0xFFFFE000;
	(pc) =	sbr.rel @p3 .LBB2_3-.Ltmp2, $4  }
0x47: {  	[spmem:s2] =	stream.indirect.scatter.add.f32 [tilespmem:s3], [sflag:$0x2], $0x80, s16, s18, $0xb8;
	[tilespmem:$0x1FC00] =	vst v63  }
0x48: {  	s31 =	sadd.s32 $0x80, s31;
	p2 =	sgt.u32 s1, $0x1C;
	_ =	swait.ge [sflag:s23], $0x2000  }
0x49: {  	s1 =	sand.u32 @!p2 $0x6000, s0;
	s0 =	sadd.s32 $0x2000, s0;
	[sflag:s23] =	ssyncset.done $0x0  }
0x4a: {  	s1 =	sadd.s32 @!p2 $0x4000, s1;
	s16 =	simm.s32 @!p2 $0x40;
	[sflag:s23] =	ssyncadd.s32 $0xFFFFE000  }
.Ltmp3:
0x4b: {  	(pc) =	sbr.rel @p1 .LBB2_6-.Ltmp3, $4  }
0x4c: {  	[tilespmem:s1], [sflag:$0x1] =	stream.indirect.gather @!p2 [hbm4b:s4+s16], $0x80, s28, s16, $0xb8;
	[tilespmem:$0x1FC00] =	vst v63  }
0x4d: {  	_ =	swait.ge [sflag:s23], $0x2000  }
0x4e: {  	[sflag:s23] =	ssyncset.done $0x0  }
0x4f: {  	[sflag:s23] =	ssyncadd.s32 $0xFFFFE000  }
.Ltmp4:
0x50: {  	(pc) =	sbr.rel .LBB2_2-.Ltmp4, $4  }
0x51: {  	s0 =	simm.s32 $0x3  }
0x52: {  	_ =	swait.ge [sflag:s0], $0x1000  }
0x53: {  	[sflag:s0] =	ssyncset.done $0x0  }
0x54: {  	p0 =	por !p0, !p0;
	[sflag:s0] =	ssyncadd.s32 $0xFFFFF000  }
.LBB2_7:
0x55: {  	_ =	sfence.sel $0x180000  }
0x56: {  	[bflag:$0x0] =	sbarrier.arrive $0xFFFF  }
0x57: {  	_ =	strace $0x9000004D  }
0x58: {  	s0 =	stileid.u32;
	[bflag:$0x2] =	sbarrier.arrive $0xFFFF  }
0x59: {  	p0 =	sne.s32 s0, $0x0;
	s0 =	rddreg [dreg:$0x2]  }
0x5a: {  	s0 =	sadd.s32 @!p0 $0x100000, s0  }
0x5b: {  	[sflag:s0] =	ssyncadd.tile.s32 @!p0 $0x1;
	_ =	shalt  }
.Lfunc_end2:
_tile_overlayer_lowered:
.L_overlay_start_2:
0x5c: {  	(tag) =	ssettag $0x2  }
0x5d: {  	s0 =	rddreg [dreg:$0x0];
	s2 =	stileid.u32  }
0x5e: {  	s1 =	rddreg [dreg:$0x1];
	p0 =	sne.s32 s2, $0x0  }
0x5f: {  	s3 =	rddreg [dreg:$0x2];
	[bflag:$0x3] =	sbarrier.arrive $0xFFFF;
	s2 =	simm.s32 @!p0 $0x1C04  }
0x60: {  	[timem:s3], [sflag:s2] =	dma.local @!p0 [hbm:s0], s1  }
0x61: {  	s0 =	simm.s32 @!p0 $0x4  }
0x62: {  	_ =	swait.ge @!p0 [sflag:s0], s1  }
0x63: {  	s1 =	ssub.s32 @!p0 $0x0, s1;
	[sflag:s0] =	ssyncset.done @!p0 $0x0  }
0x64: {  	[sflag:s0] =	ssyncadd.s32 @!p0 s1  }
0x65: {  	[bflag:$0x3] =	sbarrier.arrive $0xFFFF  }
0x66: {  	_ =	shalt  }

// kernel: kernel.19.cloned.1.call-start
scs
__scs_entry_jumppad:
0x0: {  	(pc) =	sbr.rel $0x88, $3  }
0x1: {  	(tag) =	ssettag $0x0;
	lr =	simm.s32 $0x1  }
0x2: {  	[smem:$0x3F96] =	sst lr;
	_ =	strace $0xD0000000  }
0x3: {  	_ = 	snop  }
0x4: {  	_ = 	snop  }
0x5: {  	_ = 	snop  }
0x6: {  	_ = 	snop  }
0x7: {  	_ = 	snop  }
__scs_overlays_trampoline_lowered:
0x8: {  	[smem:$0x3FA5] =	sst s0  }
0x9: {  	[smem:$0x3FA6] =	sst s1  }
0xa: {  	[smem:$0x3FA7] =	sst s2  }
0xb: {  	[smem:$0x3FA8] =	sst s3  }
0xc: {  	[smem:$0x3FA9] =	sst s4  }
0xd: {  	[smem:$0x3FAA] =	sst s5  }
0xe: {  	[smem:$0x3FAB] =	sst s6  }
0xf: {  	[smem:$0x3FAC] =	sst s7  }
0x10: {  	[smem:$0x3FAD] =	sst s8  }
0x11: {  	[smem:$0x3FAE] =	sst s9;
	s0 =	simm.s32 @!p0 $0x0  }
0x12: {  	s1 =	sld [smem:$0x3F94];
	s0 =	simm.s32 @p0 $0x1  }
0x13: {  	[smem:$0x3FAF] =	sst s0;
	s0 =	simm.s32 @!p1 $0x0  }
0x14: {  	s2 =	sld [smem:$0x3F93];
	s0 =	simm.s32 @p1 $0x1  }
0x15: {  	[smem:$0x3FB0] =	sst s0;
	s0 =	simm.s32 @!p2 $0x0  }
0x16: {  	s3 =	sld [smem:$0x3FDB];
	s0 =	simm.s32 @p2 $0x1  }
0x17: {  	s4 =	simm.s32 $0x1BF5;
	[smem:$0x3FB2] =	sst s0  }
0x18: {  	s0 =	sld [smem:$0x3F95];
	_ =	swait.ge [sflag:s4], $0x0  }
0x19: {  	s7 =	sld [smem:$0x3F96]  }
0x1a: {  	s8 =	sadd.s32 $0xFFFFE003, lr  }
0x1b: {  	s9 =	sadd.s32 $0xFFFFFEF7, lr;
	s5 =	simm.s32 $0xFFFFFFFF;
	p2 =	slt.u32 s8, $0xFFFFF086  }
0x1c: {  	p1 =	slt.u32 s9, $0xF7A;
	s5 =	simm.s32 @!p2 $0x0  }
0x1d: {  	s5 =	simm.s32 @p1 $0x1;
	p0 =	seq.s32 s7, s2  }
0x1e: {  	s7 =	smul.u32 @!p0 $0xF7A, s2;
	p2 =	seq.s32 @!p0 s5, $0x0  }
0x1f: {  	s9 =	smul.u32 $0xF7A, s1;
	s8 =	simm.s32 @!p0 $0x1BF5;
	p2 =	por !p2, p0  }
0x20: {  	[sflag:s8] =	ssyncset.s32 @!p0 $0xFFFFF086;
	s6 =	sadd.s32 @!p0 s3, s7;
	s7 =	simm.s32 @!p0 $0x108  }
0x21: {  	s3 =	sadd.s32 s3, s9;
	s6 =	sadd.s32 @!p0 $0x88, s6;
	s7 =	simm.s32 @p2 $0x1082  }
0x22: {  	[simem:s7], [sflag:s8] =	dma.local @!p0 [hbm:s6], $0xF7A  }
0x23: {  	s9 =	sor.u32 $0xD0000000, s2;
	s6 =	simm.s32 $0x108;
	_ =	swait.ge @!p0 [sflag:s8], $0x0  }
0x24: {  	s3 =	sadd.s32 $0x88, s3;
	s6 =	simm.s32 @!p1 $0x1082;
	[sflag:s4] =	ssyncset.s32 $0xFFFFF086  }
0x25: {  	[simem:s6], [sflag:s4] =	dma.local [hbm:s3], $0xF7A  }
0x26: {  	[smem:$0x3F96] =	sst s1;
	(tag) =	ssettag s2;
	_ =	strace s9  }
0x27: {  	s1 =	sld [smem:$0x3FA6]  }
0x28: {  	s2 =	sld [smem:$0x3FA7]  }
0x29: {  	s4 =	sld [smem:$0x3FA9]  }
0x2a: {  	p0 =	seq.s32 s5, $0x0;
	s5 =	sld [smem:$0x3FAA]  }
0x2b: {  	s6 =	sld [smem:$0x3FAB]  }
0x2c: {  	s7 =	sld [smem:$0x3FAC]  }
0x2d: {  	s3 =	simm.s32 $0x108;
	s8 =	sld [smem:$0x3FAD]  }
0x2e: {  	s3 =	simm.s32 @!p0 $0x1082;
	s9 =	sld [smem:$0x3FAE]  }
0x2f: {  	lr =	sadd.s32 s0, s3;
	s0 =	sld [smem:$0x3FA5]  }
0x30: {  	s3 =	sld [smem:$0x3FA8]  }
0x31: {  	[smem:$0x3FB1] =	sst s10  }
0x32: {  	s10 =	sld [smem:$0x3FAF];
	_ =	sdelay $0x3  }
0x33: {  	p0 =	seq.s32 s10, $0x1;
	s10 =	sld [smem:$0x3FB1];
	_ =	sdelay $0x3  }
0x34: {  	[smem:$0x3FB1] =	sst s10  }
0x35: {  	s10 =	sld [smem:$0x3FB0];
	_ =	sdelay $0x3  }
0x36: {  	p1 =	seq.s32 s10, $0x1;
	s10 =	sld [smem:$0x3FB1];
	_ =	sdelay $0x3  }
0x37: {  	[smem:$0x3FB1] =	sst s10  }
0x38: {  	s10 =	sld [smem:$0x3FB2]  }
0x39: {  	_ = 	snop;
	(pc) =	sbr.ind lr, $3  }
0x3a: {  	_ = 	snop  }
0x3b: {  	_ = 	snop  }
0x3c: {  	p2 =	seq.s32 s10, $0x1;
	s10 =	sld [smem:$0x3FB1]  }
0x3d: {  	_ =	shalt  }
0x3e: {  	_ =	shalt  }
0x3f: {  	_ =	shalt  }
0x40: {  	_ =	shalt  }
0x41: {  	_ =	shalt  }
0x42: {  	_ =	shalt  }
0x43: {  	_ =	shalt  }
0x44: {  	_ =	shalt  }
0x45: {  	_ =	shalt  }
0x46: {  	_ =	shalt  }
0x47: {  	_ =	shalt  }
0x48: {  	_ =	shalt  }
0x49: {  	_ =	shalt  }
0x4a: {  	_ =	shalt  }
0x4b: {  	_ =	shalt  }
0x4c: {  	_ =	shalt  }
0x4d: {  	_ =	shalt  }
0x4e: {  	_ =	shalt  }
0x4f: {  	_ =	shalt  }
0x50: {  	_ =	shalt  }
0x51: {  	_ =	shalt  }
0x52: {  	_ =	shalt  }
0x53: {  	_ =	shalt  }
0x54: {  	_ =	shalt  }
0x55: {  	_ =	shalt  }
0x56: {  	_ =	shalt  }
0x57: {  	_ =	shalt  }
0x58: {  	_ =	shalt  }
0x59: {  	_ =	shalt  }
0x5a: {  	_ =	shalt  }
0x5b: {  	_ =	shalt  }
0x5c: {  	_ =	shalt  }
0x5d: {  	_ =	shalt  }
0x5e: {  	_ =	shalt  }
0x5f: {  	_ =	shalt  }
0x60: {  	_ =	shalt  }
0x61: {  	_ =	shalt  }
0x62: {  	_ =	shalt  }
0x63: {  	_ =	shalt  }
0x64: {  	_ =	shalt  }
0x65: {  	_ =	shalt  }
0x66: {  	_ =	shalt  }
0x67: {  	_ =	shalt  }
0x68: {  	_ =	shalt  }
0x69: {  	_ =	shalt  }
0x6a: {  	_ =	shalt  }
0x6b: {  	_ =	shalt  }
0x6c: {  	_ =	shalt  }
0x6d: {  	_ =	shalt  }
0x6e: {  	_ =	shalt  }
0x6f: {  	_ =	shalt  }
0x70: {  	_ =	shalt  }
0x71: {  	_ =	shalt  }
0x72: {  	_ =	shalt  }
0x73: {  	_ =	shalt  }
0x74: {  	_ =	shalt  }
0x75: {  	_ =	shalt  }
0x76: {  	_ =	shalt  }
0x77: {  	_ =	shalt  }
0x78: {  	_ =	shalt  }
0x79: {  	_ =	shalt  }
0x7a: {  	_ =	shalt  }
0x7b: {  	_ =	shalt  }
0x7c: {  	_ =	shalt  }
0x7d: {  	_ =	shalt  }
0x7e: {  	_ =	shalt  }
0x7f: {  	_ =	shalt  }
0x80: {  	_ =	shalt  }
0x81: {  	_ =	shalt  }
0x82: {  	_ =	shalt  }
0x83: {  	_ =	shalt  }
0x84: {  	_ =	shalt  }
0x85: {  	_ =	shalt  }
0x86: {  	_ =	shalt  }
0x87: {  	_ =	shalt  }
.Lfunc_end0:
.L_simem_size_0:
called_computation.3_lowered:
.L_overlay_start_0:
0x88: {  	s2 =	sld [smem:$0x3FD9]  }
0x89: {  	s3 =	sld [smem:$0x3FFE];
	_ =	sdelay $0x1  }
0x8a: {  	s1 =	srdreg.scid  }
0x8b: {  	s0 =	sand.u32 $0x1, s1  }
0x8c: {  	s16 =	sshll.u32 s0, $0xA;
	s2 =	sadd.s32 s3, s2  }
0x8d: {  	s2 =	sadd.s32 s2, s16  }
0x8e: {  	[smem:$0x3FBD] =	sst s2  }
0x8f: {  	_ = 	snop  }
0x90: {  	(tm) =	ssettm $0x1  }
0x91: {  	s17 =	sld [smem:$0x3FFB];
	_ =	sdelay $0x3  }
0x92: {  	_ =	strace s17  }
0x93: {  	s2 =	sld [smem:$0x3FFC];
	_ =	sdelay $0x3  }
0x94: {  	_ =	strace s2  }
0x95: {  	s2 =	sld [smem:$0x3FFD];
	_ =	sdelay $0x3  }
0x96: {  	_ =	strace s2  }
0x97: {  	_ =	strace $0x8FFFFFFF  }
0x98: {  	s18 =	sld [smem:$0x3FDB];
	_ =	sdelay $0x1  }
0x99: {  	s19 =	simm.s32 $_scs_section_size  }
0x9a: {  	s4 =	simm.s32 $_size__tile_overlayer_lowered;
	s5 =	simm.s32 $_tile_overlayer_lowered  }
0x9b: {  	s22 =	simm.s32 $0x1BFF;
	s21 =	sshll.u32 s5, $0x1;
	s2 =	sadd.s32 s19, s18  }
0x9c: {  	s6 =	simm.s32 $0x0;
	s20 =	sshll.u32 s4, $0x1;
	s4 =	sadd.s32 s21, s2  }
0x9d: {  	[timem:s6], [sflag:s22] =	dma.local [hbm:s4], s20  }
0x9e: {  	_ =	swait.ge [sflag:s22], s20  }
0x9f: {  	s3 =	ssub.s32 $0x0, s20;
	[sflag:s22] =	ssyncset.done $0x0  }
0xa0: {  	[sflag:s22] =	ssyncadd.s32 s3;
	_ =	sdelay $0x1  }
0xa1: {  	s23 =	simm.s32 $0x1B8B  }
0xa2: {  	_ =	swait.ge [sflag:s23], $0x1  }
0xa3: {  	[sflag:s23] =	ssyncset.done $0x0  }
0xa4: {  	s25 =	simm.s32 $0x1B8E;
	s24 =	sld [smem:$0x3FFE];
	[sflag:s23] =	ssyncadd.s32 $0xFFFFFFFF  }
0xa5: {  	s26 =	simm.s32 $execute0_lowered;
	[smem:$0x3FD2] =	sst s25  }
0xa6: {  	s4 =	sshll.u32 s26, $0x1;
	_ =	strace $0x8000004F;
	[dreg:$0x1] =	wrdreg $0xFFFFFFFF  }
0xa7: {  	s28 =	simm.s32 $_size_execute0_lowered;
	s2 =	sadd.s32 s2, s4;
	[dreg:$0x0] =	wrdreg $0x0  }
0xa8: {  	s4 =	sshll.u32 s28, $0x1;
	[dreg:$0x2] =	wrdreg s2  }
0xa9: {  	[dreg:$0x3] =	wrdreg s4  }
0xaa: {  	[dreg:$0x4] =	wrdreg $0xC0  }
0xab: {  	_ =	task [dreg:s6], $0x5FFFF  }
0xac: {  	[dreg:$0x1] =	wrdreg $0xFFFFFFFF  }
0xad: {  	[dreg:$0x0] =	wrdreg $0x60  }
0xae: {  	[dreg:$0x2] =	wrdreg s24  }
0xaf: {  	[dreg:$0x3] =	wrdreg $0xC0000  }
0xb0: {  	[dreg:$0x4] =	wrdreg $0x9  }
0xb1: {  	_ =	task.clear_ibuf [dreg:s6], $0x5FFFF;
	_ =	strace $0x9000004F  }
0xb2: {  	s29 =	simm.s32 $0x9;
	_ =	strace $0x80000051  }
0xb3: {  	_ =	swait.ge [sflag:s29], $0x1  }
0xb4: {  	[sflag:s29] =	ssyncadd.s32 $0xFFFFFFFF  }
0xb5: {  	_ =	strace $0x90000051  }
0xb6: {  	_ =	sfence  }
0xb7: {  	s30 =	sld [smem:$0x0];
	_ =	sdelay $0x2  }
0xb8: {  	s31 =	sshll.u32 s1, $0xD;
	s1 =	sshrl.u32 s1, $0x2  }
0xb9: {  	s3 =	sand.u32 $0x4000, s31;
	s1 =	sadd.s32 s1, s30  }
0xba: {  	s0 =	sor.u32 s3, s0;
	s1 =	sshll.u32 s1, $0x11  }
0xbb: {  	s0 =	sor.u32 s1, s0  }
0xbc: {  	s0 =	sadd.s32 $0x8F2B, s0  }
0xbd: {  	[sflag:s0] =	ssyncadd.remote.s32 $0x1  }
0xbe: {  	_ =	sfence.sel $0xFFFF  }
0xbf: {  	[dreg:$0x0] =	wrdreg $0xFFFFFFFF;
	(pc) =	sbr.abs _section_cstart, $3  }
0xc0: {  	[dreg:$0x1] =	wrdreg $0xFFFFFFFF  }
0xc1: {  	_ =	task.clear_ibuf [dreg:s6], $0x2FFFF;
	_ =	strace $0x9FFFFFFF  }
0xc2: {  	(tm) =	ssettm $0x7FFFFFFF  }
0xc3: {  	_ =	shalt  }
tec
execute0_lowered:
.L_overlay_start_1:
0x0: {  	(tag) =	ssettag $0x1  }
0x1: {  	s0 =	rddreg [dreg:$0x0]  }
0x2: {  	s2 =	rddreg [dreg:$0x1];
	s4 =	simm.s32 $0x0;
	s3 =	stileid.u32  }
0x3: {  	s1 =	srdreg.scid;
	s17 =	simm.s32 $0x1;
	s18 =	simm.s32 $0x40  }
0x4: {  	s19 =	simm.s32 $0x4000;
	s20 =	simm.s32 $0x6000;
	s21 =	simm.s32 $0x8000  }
0x5: {  	s22 =	simm.s32 $0xA000;
	s23 =	simm.s32 $0x2;
	s24 =	simm.s32 $0x4  }
0x6: {  	s25 =	simm.s32 $0x0;
	[smem:$0x7FF] =	sst s4;
	s7 =	smul.u32 $0x13C00, s3  }
0x7: {  	s1 =	sand.u32 $0x1, s1;
	s4 =	sadd.s32 $0x3F200, s0;
	s5 =	sadd.s32 $0x2B200, s0  }
0x8: {  	s6 =	sadd.s32 $0x17200, s0;
	s29 =	smul.u32 $0x4F000, s3;
	s10 =	sshll.u32 s3, $0x1  }
0x9: {  	_ =	strace $0x80000050;
	s8 =	smul.u32 $0x13C000, s1;
	s11 =	ssub.s32 $0x2, s1  }
0xa: {  	s1 =	sor.u32 s1, s10;
	s9 =	sshrl.u32 s7, $0x3;
	s30 =	sshrl.u32 s11, $0x1  }
0xb: {  	s9 =	sadd.s32 s9, s0;
	s7 =	sadd.s32 s7, s8;
	s8 =	sshrl.u32 s29, $0x2  }
.Ltmp0:
0xc: {  	s31 =	ssub.s32 s11, s30;
	s7 =	sshrl.u32 s7, $0x3;
	(pc) =	sbr.rel .LBB2_1-.Ltmp0, $4  }
0xd: {  	s15 =	sadd.s32 s8, s2;
	s0 =	sadd.s32 s7, s0;
	s7 =	smul.u32 $0x5000, s1  }
0xe: {  	s8 =	sshll.u32 s3, $0x6;
	s9 =	sadd.s32 $0x66400, s9;
	s14 =	smax.u32 s31, $0x1  }
0xf: {  	s10 =	sor.u32 $0x1C02, s8;
	s15 =	sshrl.u32 s15, $0x3;
	s12 =	sshrl.u32 s7, $0x3  }
0x10: {  	s13 =	sadd.s32 $0x8DC00, s0;
	s11 =	sadd.s32 s5, s12;
	s12 =	sadd.s32 s6, s12  }
.LBB2_6:
0x11: {  	s25 =	sadd.s32 $0x1, s25  }
0x12: {  	p0 =	sne.s32 s25, s14  }
.Ltmp1:
0x13: {  	[bflag:$0x0] =	sbarrier.arrive $0xFFFF;
	s0 =	sor.u32 $0x1C04, s8;
	(pc) =	sbr.rel @!p0 .LBB2_7-.Ltmp1, $4  }
0x14: {  	[hbm:s13], [sflag:s0] =	dma.local [spmem:s15], $0x2780  }
0x15: {  	_ =	swait.ge [sflag:s24], $0x2780  }
0x16: {  	[sflag:s24] =	ssyncset.done $0x0  }
0x17: {  	[sflag:s24] =	ssyncadd.s32 $0xFFFFD880  }
.LBB2_1:
0x18: {  	[spmem:s15], [sflag:s10] =	dma.local [hbm:s9], $0x2780  }
0x19: {  	s0 =	simm.s32 $0x0  }
0x1a: {  	[tilespmem:s0], [sflag:$0x4] =	stream.linear.gather [hbm4b:s11+s0], $0x1000, $0x38;
	[tilespmem:$0x1FC00] =	vst v63  }
0x1b: {  	_ =	swait.ge [sflag:s24], $0x1000  }
0x1c: {  	[sflag:s24] =	ssyncset.done $0x0  }
0x1d: {  	s1 =	simm.s32 $0x2000;
	[sflag:s24] =	ssyncadd.s32 $0xFFFFF000  }
0x1e: {  	[tilespmem:s1], [sflag:$0x4] =	stream.linear.gather [hbm4b:s12+s0], $0x1000, $0x38;
	[tilespmem:$0x1FC00] =	vst v63  }
0x1f: {  	p0 =	por $0x0, $0x0;
	s26 =	simm.s32 $0x0;
	s0 =	simm.s32 $0x4  }
.LBB2_2:
0x20: {  	s1 =	smov.u32 s26  }
0x21: {  	s26 =	sadd.s32 $0x1, s26;
	p1 =	seq.s32 s1, $0x4  }
0x22: {  	_ =	swait.ge [sflag:s0], $0x1000;
	s16 =	sshll.u32 @!p1 s26, $0xC  }
0x23: {  	[sflag:s0] =	ssyncset.done $0x0;
	s28 =	sadd.s32 @!p1 s7, s16  }
0x24: {  	[sflag:s0] =	ssyncadd.s32 $0xFFFFF000;
	s0 =	sshrl.u32 @!p1 s28, $0x3  }
0x25: {  	s29 =	simm.s32 @!p1 $0x0;
	s16 =	sand.u32 @!p1 $0x1000, s16;
	s28 =	sadd.s32 @!p1 s5, s0  }
0x26: {  	[tilespmem:s16], [sflag:$0x3] =	stream.linear.gather @!p1 [hbm4b:s28+s29], $0x1000, $0x38;
	[tilespmem:$0x1FC00] =	vst v63  }
0x27: {  	s0 =	sadd.s32 @!p1 s6, s0;
	s16 =	sor.u32 @!p1 $0x2000, s16  }
0x28: {  	[tilespmem:s16], [sflag:$0x3] =	stream.linear.gather @!p1 [hbm4b:s0+s29], $0x1000, $0x38;
	[tilespmem:$0x1FC00] =	vst v63  }
0x29: {  	s16 =	sshll.u32 s1, $0xC  }
0x2a: {  	s0 =	sand.u32 $0x1000, s16  }
0x2b: {  	[tilespmem:s19], [sflag:$0x1] =	stream.indirect.gather [hbm4b:s4+s18], $0x80, s0, s18, $0xb8;
	[tilespmem:$0x1FC00] =	vst v63  }
0x2c: {  	p2 =	sne.s32 s1, $0x0;
	s3 =	sor.u32 $0x80, s0  }
0x2d: {  	[tilespmem:s20], [sflag:$0x1] =	stream.indirect.gather [hbm4b:s4+s18], $0x80, s3, s18, $0xb8;
	[tilespmem:$0x1FC00] =	vst v63  }
0x2e: {  	s1 =	simm.s32 @!p2 $0x2;
	s3 =	sor.u32 $0x100, s0  }
0x2f: {  	[tilespmem:s21], [sflag:$0x1] =	stream.indirect.gather [hbm4b:s4+s18], $0x80, s3, s18, $0xb8;
	[tilespmem:$0x1FC00] =	vst v63  }
0x30: {  	_ =	swait.ge @!p2 [sflag:s1], $0x2780  }
0x31: {  	[sflag:s1] =	ssyncset.done @!p2 $0x0  }
0x32: {  	[sflag:s1] =	ssyncadd.s32 @!p2 $0xFFFFD880  }
0x33: {  	s3 =	simm.s32 $0x1;
	[bflag:$0x0] =	sbarrier.arrive @!p2 $0xFFFF  }
0x34: {  	s16 =	simm.s32 $0x1;
	_ =	swait.ge [sflag:s3], $0x2000  }
0x35: {  	s16 =	simm.s32 @!p0 $0x0;
	[sflag:s3] =	ssyncset.done $0x0  }
0x36: {  	s28 =	sor.u32 $0x2000, s0;
	s16 =	sshll.u32 s16, $0xC;
	[sflag:s3] =	ssyncadd.s32 $0xFFFFE000  }
0x37: {  	[spmem:s2] =	stream.indirect.scatter.add.f32 [tilespmem:s19], [sflag:$0x2], $0x80, s28, s18, $0xb8;
	[tilespmem:$0x1FC00] =	vst v63  }
0x38: {  	s29 =	simm.s32 $0x2;
	s0 =	sadd.s32 $0x180, s0;
	s1 =	sor.u32 $0x2080, s16  }
0x39: {  	[tilespmem:s22], [sflag:$0x1] =	stream.indirect.gather [hbm4b:s4+s18], $0x80, s0, s18, $0xb8;
	[tilespmem:$0x1FC00] =	vst v63  }
0x3a: {  	s30 =	sadd.s32 $0x80, s1;
	s3 =	simm.s32 $0x2000;
	_ =	swait.ge [sflag:s17], $0x2000  }
0x3b: {  	s28 =	sor.u32 $0x200, s16;
	s16 =	sand.u32 $0x6000, s3;
	[sflag:s17] =	ssyncset.done $0x0  }
0x3c: {  	p2 =	por $0x0, $0x0;
	s16 =	sadd.s32 $0x4000, s16;
	[sflag:s17] =	ssyncadd.s32 $0xFFFFE000  }
0x3d: {  	[spmem:s2] =	stream.indirect.scatter.add.f32 [tilespmem:s16], [sflag:$0x2], $0x80, s1, s18, $0xb8;
	[tilespmem:$0x1FC00] =	vst v63  }
0x3e: {  	s31 =	sadd.s32 $0x80, s28;
	s0 =	simm.s32 $0x8000;
	_ =	swait.ge [sflag:s23], $0x2000  }
0x3f: {  	s1 =	sand.u32 @!p2 $0x6000, s0;
	s0 =	simm.s32 $0xA000;
	[sflag:s23] =	ssyncset.done $0x0  }
0x40: {  	s16 =	simm.s32 @!p2 $0x40;
	s1 =	sadd.s32 @!p2 $0x4000, s1;
	[sflag:s23] =	ssyncadd.s32 $0xFFFFE000  }
.LBB2_3:
0x41: {  	[tilespmem:s1], [sflag:$0x1] =	stream.indirect.gather @!p2 [hbm4b:s4+s16], $0x80, s28, s16, $0xb8;
	[tilespmem:$0x1FC00] =	vst v63  }
0x42: {  	s1 =	smov.u32 s29;
	s16 =	smov.u32 s30;
	s28 =	smov.u32 s31  }
0x43: {  	s29 =	sadd.s32 $0x1, s29  }
0x44: {  	s3 =	sadd.s32 $0xFFFFA000, s0;
	p3 =	sne.s32 s29, $0x20;
	_ =	swait.ge [sflag:s17], $0x2000  }
0x45: {  	s30 =	sadd.s32 $0x80, s30;
	s3 =	sand.u32 $0x6000, s3;
	[sflag:s17] =	ssyncset.done $0x0  }
.Ltmp2:
0x46: {  	s3 =	sadd.s32 $0x4000, s3;
	[sflag:s17] =	ssyncadd.s32 $0xFFFFE000;
	(pc) =	sbr.rel @p3 .LBB2_3-.Ltmp2, $4  }
0x47: {  	[spmem:s2] =	stream.indirect.scatter.add.f32 [tilespmem:s3], [sflag:$0x2], $0x80, s16, s18, $0xb8;
	[tilespmem:$0x1FC00] =	vst v63  }
0x48: {  	s31 =	sadd.s32 $0x80, s31;
	p2 =	sgt.u32 s1, $0x1C;
	_ =	swait.ge [sflag:s23], $0x2000  }
0x49: {  	s1 =	sand.u32 @!p2 $0x6000, s0;
	s0 =	sadd.s32 $0x2000, s0;
	[sflag:s23] =	ssyncset.done $0x0  }
0x4a: {  	s1 =	sadd.s32 @!p2 $0x4000, s1;
	s16 =	simm.s32 @!p2 $0x40;
	[sflag:s23] =	ssyncadd.s32 $0xFFFFE000  }
.Ltmp3:
0x4b: {  	(pc) =	sbr.rel @p1 .LBB2_6-.Ltmp3, $4  }
0x4c: {  	[tilespmem:s1], [sflag:$0x1] =	stream.indirect.gather @!p2 [hbm4b:s4+s16], $0x80, s28, s16, $0xb8;
	[tilespmem:$0x1FC00] =	vst v63  }
0x4d: {  	_ =	swait.ge [sflag:s23], $0x2000  }
0x4e: {  	[sflag:s23] =	ssyncset.done $0x0  }
0x4f: {  	[sflag:s23] =	ssyncadd.s32 $0xFFFFE000  }
.Ltmp4:
0x50: {  	(pc) =	sbr.rel .LBB2_2-.Ltmp4, $4  }
0x51: {  	s0 =	simm.s32 $0x3  }
0x52: {  	_ =	swait.ge [sflag:s0], $0x1000  }
0x53: {  	[sflag:s0] =	ssyncset.done $0x0  }
0x54: {  	p0 =	por !p0, !p0;
	[sflag:s0] =	ssyncadd.s32 $0xFFFFF000  }
.LBB2_7:
0x55: {  	_ =	sfence.sel $0x180000  }
0x56: {  	[bflag:$0x0] =	sbarrier.arrive $0xFFFF  }
0x57: {  	_ =	strace $0x90000050  }
0x58: {  	s0 =	stileid.u32;
	[bflag:$0x2] =	sbarrier.arrive $0xFFFF  }
0x59: {  	p0 =	sne.s32 s0, $0x0;
	s0 =	rddreg [dreg:$0x2]  }
0x5a: {  	s0 =	sadd.s32 @!p0 $0x100000, s0  }
0x5b: {  	[sflag:s0] =	ssyncadd.tile.s32 @!p0 $0x1;
	_ =	shalt  }
.Lfunc_end2:
_tile_overlayer_lowered:
.L_overlay_start_2:
0x5c: {  	(tag) =	ssettag $0x2  }
0x5d: {  	s0 =	rddreg [dreg:$0x0];
	s2 =	stileid.u32  }
0x5e: {  	s1 =	rddreg [dreg:$0x1];
	p0 =	sne.s32 s2, $0x0  }
0x5f: {  	s3 =	rddreg [dreg:$0x2];
	[bflag:$0x3] =	sbarrier.arrive $0xFFFF;
	s2 =	simm.s32 @!p0 $0x1C04  }
0x60: {  	[timem:s3], [sflag:s2] =	dma.local @!p0 [hbm:s0], s1  }
0x61: {  	s0 =	simm.s32 @!p0 $0x4  }
0x62: {  	_ =	swait.ge @!p0 [sflag:s0], s1  }
0x63: {  	s1 =	ssub.s32 @!p0 $0x0, s1;
	[sflag:s0] =	ssyncset.done @!p0 $0x0  }
0x64: {  	[sflag:s0] =	ssyncadd.s32 @!p0 s1  }
0x65: {  	[bflag:$0x3] =	sbarrier.arrive $0xFFFF  }
0x66: {  	_ =	shalt  }

</sc_bundles>
